<compile_context>
chip_gen: v7x
topology: tpu7x:2x2x1
jax: 0.10.2.dev20260603
libtpu: 0.0.44.dev20260713+nightly
codegen_flags: <defaults>
</compile_context>

<pallas_src>
import functools

import jax
import jax.numpy as jnp
from jax import lax
from jax.experimental import pallas as pl
from jax.experimental.pallas import tpu as pltpu
from jax.experimental.pallas import tpu_sc as plsc

BATCH = 4096
HIST = 50
D = 128
NC, NS = 2, 16
NW = NC * NS
COLS = BATCH // NW
CHUNK = 64
NBUF = 12
NCHUNKS = 2 * HIST
NLOOP = (NCHUNKS - NBUF) // NBUF
NREM = NCHUNKS - NBUF * (NLOOP + 1)

_mesh = plsc.VectorSubcoreMesh(core_axis_name="c", subcore_axis_name="s")


@functools.partial(
    pl.kernel,
    out_type=jax.ShapeDtypeStruct((HIST, BATCH, D), jnp.float32),
    mesh=_mesh,
    scratch_types=[
        pltpu.VMEM((HIST, COLS), jnp.int32),
        pltpu.VMEM((NBUF, CHUNK, D), jnp.float32),
        [pltpu.SemaphoreType.DMA] * NBUF,
        [pltpu.SemaphoreType.DMA] * NBUF,
        pltpu.SemaphoreType.DMA,
    ],
)
def _gather_kernel(table_hbm, idx_hbm, out_hbm, idx_v, rows_v, gsem, osem, isem):
    wid = lax.axis_index("s") * NC + lax.axis_index("c")
    col = wid * COLS
    npro = 8
    pltpu.sync_copy(idx_hbm.at[pl.ds(0, npro), pl.ds(col, COLS)],
                    idx_v.at[pl.ds(0, npro)])
    rest = pltpu.async_copy(
        idx_hbm.at[pl.ds(npro, HIST - npro), pl.ds(col, COLS)],
        idx_v.at[pl.ds(npro, HIST - npro)], isem)

    def gather(h, half, b):
        pltpu.async_copy(
            table_hbm.at[idx_v.at[h, pl.ds(half * CHUNK, CHUNK)]],
            rows_v.at[b], gsem[b])

    def wait_gather(b):
        pltpu.make_async_copy(
            table_hbm.at[idx_v.at[0, pl.ds(0, CHUNK)]], rows_v.at[b], gsem[b]
        ).wait()

    def put(h, half, b):
        pltpu.async_copy(
            rows_v.at[b], out_hbm.at[h, pl.ds(col + half * CHUNK, CHUNK)],
            osem[b])

    def wait_put(b):
        pltpu.make_async_copy(
            rows_v.at[b], out_hbm.at[0, pl.ds(col, CHUNK)], osem[b]
        ).wait()

    for b in range(NBUF):
        gather(b // 2, b % 2, b)
    rest.wait()
    for b in range(NBUF):
        wait_gather(b)
        put(b // 2, b % 2, b)

    @pl.loop(1, NLOOP + 1)
    def _group(k):
        h0 = (NBUF // 2) * k
        for b in range(NBUF):
            wait_put(b)
            gather(h0 + b // 2, b % 2, b)
        for b in range(NBUF):
            wait_gather(b)
            put(h0 + b // 2, b % 2, b)

    for r in range(NREM):
        c = NBUF * (NLOOP + 1) + r
        wait_put(r)
        gather(c // 2, c % 2, r)
    for r in range(NREM):
        c = NBUF * (NLOOP + 1) + r
        wait_gather(r)
        put(c // 2, c % 2, r)

    for b in range(NBUF):
        wait_put(b)


def kernel(token_indices, embedding_matrix):
    idx_t = token_indices.T.astype(jnp.int32)
    out_t = _gather_kernel(embedding_matrix, idx_t)
    return out_t.transpose(1, 0, 2)

# --- scband reference (transcript-rebuilt; emitter-appended) ---
"""Pipeline reference for scband-embedding-47854525612056 (READ-ONLY COPY).

The authoritative reference and input builder live on the scoring server;
editing this copy changes nothing except your own understanding.
"""

import jax, jax.numpy as jnp
import numpy as np

VOCAB = 100000
D_MODEL = 128
BATCH = 4096
HIST = 50

def setup_inputs(seed: int = 0) -> dict:
    key = jax.random.key(seed)
    k_idx, k_tab = jax.random.split(key)
    token_indices = jax.random.randint(k_idx, (BATCH, HIST), 0, VOCAB, dtype=jnp.int64 if jax.config.jax_enable_x64 else jnp.int32)
    embedding_matrix = jax.random.normal(k_tab, (VOCAB, D_MODEL), dtype=jnp.float32)
    return {"token_indices": token_indices, "embedding_matrix": embedding_matrix}

def reference(token_indices, embedding_matrix):
    # Faithful translation of: return self.embedding_matrix[token_indices]
    return jnp.take(embedding_matrix, token_indices, axis=0)

if __name__ == "__main__":
    import jax
    _d = setup_inputs()
    print(jax.jit(kernel)(*tuple(_d.values())))

</pallas_src>

<mosaic_0001>
#map = affine_map<(d0, d1) -> (0, 0)>
#map1 = affine_map<(d0, d1) -> (0, 0, 0)>
module attributes {stable_mosaic.version = 14 : i64} {
  func.func @_gather_kernel(%arg0: i32, %arg1: i32, %arg2: memref<100000x128xf32, #tpu.memory_space<hbm>>, %arg3: memref<50x4096xi32, #tpu.memory_space<hbm>>, %arg4: memref<50x4096x128xf32, #tpu.memory_space<hbm>>, %arg5: memref<50x128xi32, #tpu.memory_space<vmem>>, %arg6: memref<12x64x128xf32, #tpu.memory_space<vmem>>, %arg7: memref<!tpu.dma_semaphore, #tpu.memory_space<semaphore_mem>>, %arg8: memref<!tpu.dma_semaphore, #tpu.memory_space<semaphore_mem>>, %arg9: memref<!tpu.dma_semaphore, #tpu.memory_space<semaphore_mem>>, %arg10: memref<!tpu.dma_semaphore, #tpu.memory_space<semaphore_mem>>, %arg11: memref<!tpu.dma_semaphore, #tpu.memory_space<semaphore_mem>>, %arg12: memref<!tpu.dma_semaphore, #tpu.memory_space<semaphore_mem>>, %arg13: memref<!tpu.dma_semaphore, #tpu.memory_space<semaphore_mem>>, %arg14: memref<!tpu.dma_semaphore, #tpu.memory_space<semaphore_mem>>, %arg15: memref<!tpu.dma_semaphore, #tpu.memory_space<semaphore_mem>>, %arg16: memref<!tpu.dma_semaphore, #tpu.memory_space<semaphore_mem>>, %arg17: memref<!tpu.dma_semaphore, #tpu.memory_space<semaphore_mem>>, %arg18: memref<!tpu.dma_semaphore, #tpu.memory_space<semaphore_mem>>, %arg19: memref<!tpu.dma_semaphore, #tpu.memory_space<semaphore_mem>>, %arg20: memref<!tpu.dma_semaphore, #tpu.memory_space<semaphore_mem>>, %arg21: memref<!tpu.dma_semaphore, #tpu.memory_space<semaphore_mem>>, %arg22: memref<!tpu.dma_semaphore, #tpu.memory_space<semaphore_mem>>, %arg23: memref<!tpu.dma_semaphore, #tpu.memory_space<semaphore_mem>>, %arg24: memref<!tpu.dma_semaphore, #tpu.memory_space<semaphore_mem>>, %arg25: memref<!tpu.dma_semaphore, #tpu.memory_space<semaphore_mem>>, %arg26: memref<!tpu.dma_semaphore, #tpu.memory_space<semaphore_mem>>, %arg27: memref<!tpu.dma_semaphore, #tpu.memory_space<semaphore_mem>>, %arg28: memref<!tpu.dma_semaphore, #tpu.memory_space<semaphore_mem>>, %arg29: memref<!tpu.dma_semaphore, #tpu.memory_space<semaphore_mem>>, %arg30: memref<!tpu.dma_semaphore, #tpu.memory_space<semaphore_mem>>, %arg31: memref<!tpu.dma_semaphore, #tpu.memory_space<semaphore_mem>>) attributes {dimension_semantics = [#tpu.dimension_semantics<core_parallel>, #tpu.dimension_semantics<subcore_parallel>], iteration_bounds = array<i64: 2, 16>, scalar_prefetch = 0 : i64, scratch_operands = 27 : i64, tpu.core_type = #tpu.core_type<sc_vector_subcore>, window_params = [{transform_indices = #map}, {transform_indices = #map}, {transform_indices = #map1}]} {
    %mul3A = arith.constant 2 : i32
    %mul3A_0 = arith.muli %arg1, %mul3A : i32
    %add3A = arith.addi %mul3A_0, %arg0 : i32
    %mul3A_1 = arith.constant 128 : i32
    %mul3A_2 = arith.muli %add3A, %mul3A_1 : i32
    "tpu.region"() ({
      %run_scoped3A = tpu.sem_alloc : memref<!tpu.dma_semaphore, #tpu.memory_space<semaphore_mem>>
      %dma_start3A_953 = arith.constant 0 : i32
      %dma_start3A_954 = arith.constant 0 : i32
      %dma_start3A_955 = tpu.memref_slice %arg5[%dma_start3A_953, %dma_start3A_954] : memref<50x128xi32, #tpu.memory_space<vmem>> -> memref<8x128xi32, #tpu.memory_space<vmem>>
      %dma_start3A_956 = arith.constant 0 : i32
      %dma_start3A_957 = tpu.memref_slice %arg3[%dma_start3A_956, %mul3A_2] : memref<50x4096xi32, #tpu.memory_space<hbm>> -> memref<8x128xi32, #tpu.memory_space<hbm>>
      %dma_start3A_958 = arith.constant 0 : i32
      %dma_start3A_959 = arith.constant 0 : i32
      %dma_start3A_960 = tpu.memref_slice %arg5[%dma_start3A_958, %dma_start3A_959] : memref<50x128xi32, #tpu.memory_space<vmem>> -> memref<8x128xi32, #tpu.memory_space<vmem>>
      %dma_start3A_961 = arith.constant 0 : i32
      %dma_start3A_962 = tpu.memref_slice %arg3[%dma_start3A_961, %mul3A_2] : memref<50x4096xi32, #tpu.memory_space<hbm>> -> memref<8x128xi32, #tpu.memory_space<hbm>>
      tpu.enqueue_dma source(%dma_start3A_962 : memref<8x128xi32, #tpu.memory_space<hbm>>) target(%dma_start3A_960 : memref<8x128xi32, #tpu.memory_space<vmem>>) target_semaphore(%run_scoped3A : memref<!tpu.dma_semaphore, #tpu.memory_space<semaphore_mem>>)
      %dma_wait3A_963 = arith.constant 0 : i32
      %dma_wait3A_964 = arith.constant 0 : i32
      %dma_wait3A_965 = tpu.memref_slice %arg5[%dma_wait3A_963, %dma_wait3A_964] : memref<50x128xi32, #tpu.memory_space<vmem>> -> memref<8x128xi32, #tpu.memory_space<vmem>>
      %dma_wait3A_966 = arith.constant 0 : i32
      %dma_wait3A_967 = tpu.memref_slice %arg3[%dma_wait3A_966, %mul3A_2] : memref<50x4096xi32, #tpu.memory_space<hbm>> -> memref<8x128xi32, #tpu.memory_space<hbm>>
      %dma_wait3A_968 = arith.constant 0 : i32
      %dma_wait3A_969 = arith.constant 0 : i32
      %dma_wait3A_970 = tpu.memref_slice %arg5[%dma_wait3A_968, %dma_wait3A_969] : memref<50x128xi32, #tpu.memory_space<vmem>> -> memref<8x128xi32, #tpu.memory_space<vmem>>
      %dma_wait3A_971 = arith.constant 0 : i32
      %dma_wait3A_972 = tpu.memref_slice %arg3[%dma_wait3A_971, %mul3A_2] : memref<50x4096xi32, #tpu.memory_space<hbm>> -> memref<8x128xi32, #tpu.memory_space<hbm>>
      tpu.wait_dma2 semaphore(%run_scoped3A : memref<!tpu.dma_semaphore, #tpu.memory_space<semaphore_mem>>) src(%dma_wait3A_972 : memref<8x128xi32, #tpu.memory_space<hbm>>) dst(%dma_wait3A_970 : memref<8x128xi32, #tpu.memory_space<vmem>>)
      tpu.yield
    }) : () -> ()
    %dma_start3A = arith.constant 8 : i32
    %dma_start3A_3 = arith.constant 0 : i32
    %dma_start3A_4 = tpu.memref_slice %arg5[%dma_start3A, %dma_start3A_3] : memref<50x128xi32, #tpu.memory_space<vmem>> -> memref<42x128xi32, #tpu.memory_space<vmem>>
    %dma_start3A_5 = arith.constant 8 : i32
    %dma_start3A_6 = tpu.memref_slice %arg3[%dma_start3A_5, %mul3A_2] : memref<50x4096xi32, #tpu.memory_space<hbm>> -> memref<42x128xi32, #tpu.memory_space<hbm>>
    %dma_start3A_7 = arith.constant 8 : i32
    %dma_start3A_8 = arith.constant 0 : i32
    %dma_start3A_9 = tpu.memref_slice %arg5[%dma_start3A_7, %dma_start3A_8] : memref<50x128xi32, #tpu.memory_space<vmem>> -> memref<42x128xi32, #tpu.memory_space<vmem>>
    %dma_start3A_10 = arith.constant 8 : i32
    %dma_start3A_11 = tpu.memref_slice %arg3[%dma_start3A_10, %mul3A_2] : memref<50x4096xi32, #tpu.memory_space<hbm>> -> memref<42x128xi32, #tpu.memory_space<hbm>>
    tpu.enqueue_dma source(%dma_start3A_11 : memref<42x128xi32, #tpu.memory_space<hbm>>) target(%dma_start3A_9 : memref<42x128xi32, #tpu.memory_space<vmem>>) target_semaphore(%arg31 : memref<!tpu.dma_semaphore, #tpu.memory_space<semaphore_mem>>)
    %dma_start3A_12 = arith.constant 0 : i32
    %dma_start3A_13 = arith.constant 0 : i32
    %dma_start3A_14 = arith.constant 0 : i32
    %dma_start3A_15 = arith.constant 0 : i32
    %dma_start3A_16 = tpu.memref_slice %arg6[%dma_start3A_13, %dma_start3A_14, %dma_start3A_15] : memref<12x64x128xf32, #tpu.memory_space<vmem>> -> memref<1x64x128xf32, #tpu.memory_space<vmem>>
    %dma_start3A_17 = tpu.memref_squeeze %dma_start3A_16 : memref<1x64x128xf32, #tpu.memory_space<vmem>> -> memref<64x128xf32, #tpu.memory_space<vmem>>
    %dma_start3A_18 = arith.constant 0 : i32
    %dma_start3A_19 = tpu.memref_slice %arg5[%dma_start3A_12, %dma_start3A_18] : memref<50x128xi32, #tpu.memory_space<vmem>> -> memref<1x64xi32, #tpu.memory_space<vmem>>
    %dma_start3A_20 = tpu.memref_squeeze %dma_start3A_19 : memref<1x64xi32, #tpu.memory_space<vmem>> -> memref<64xi32, #tpu.memory_space<vmem>>
    %dma_start3A_21 = arith.constant 0 : i32
    %dma_start3A_22 = arith.constant 0 : i32
    %dma_start3A_23 = tpu.memref_slice %arg2[%dma_start3A_21, %dma_start3A_22] : memref<100000x128xf32, #tpu.memory_space<hbm>> -> memref<100000x128xf32, #tpu.memory_space<hbm>>
    tpu.enqueue_indirect_dma source(%dma_start3A_23 : memref<100000x128xf32, #tpu.memory_space<hbm>>) target(%dma_start3A_17 : memref<64x128xf32, #tpu.memory_space<vmem>>) offsets(%dma_start3A_20 : memref<64xi32, #tpu.memory_space<vmem>>) semaphore(%arg7 : memref<!tpu.dma_semaphore, #tpu.memory_space<semaphore_mem>>)
    %dma_start3A_24 = arith.constant 0 : i32
    %dma_start3A_25 = arith.constant 1 : i32
    %dma_start3A_26 = arith.constant 0 : i32
    %dma_start3A_27 = arith.constant 0 : i32
    %dma_start3A_28 = tpu.memref_slice %arg6[%dma_start3A_25, %dma_start3A_26, %dma_start3A_27] : memref<12x64x128xf32, #tpu.memory_space<vmem>> -> memref<1x64x128xf32, #tpu.memory_space<vmem>>
    %dma_start3A_29 = tpu.memref_squeeze %dma_start3A_28 : memref<1x64x128xf32, #tpu.memory_space<vmem>> -> memref<64x128xf32, #tpu.memory_space<vmem>>
    %dma_start3A_30 = arith.constant 64 : i32
    %dma_start3A_31 = tpu.memref_slice %arg5[%dma_start3A_24, %dma_start3A_30] : memref<50x128xi32, #tpu.memory_space<vmem>> -> memref<1x64xi32, #tpu.memory_space<vmem>>
    %dma_start3A_32 = tpu.memref_squeeze %dma_start3A_31 : memref<1x64xi32, #tpu.memory_space<vmem>> -> memref<64xi32, #tpu.memory_space<vmem>>
    %dma_start3A_33 = arith.constant 0 : i32
    %dma_start3A_34 = arith.constant 0 : i32
    %dma_start3A_35 = tpu.memref_slice %arg2[%dma_start3A_33, %dma_start3A_34] : memref<100000x128xf32, #tpu.memory_space<hbm>> -> memref<100000x128xf32, #tpu.memory_space<hbm>>
    tpu.enqueue_indirect_dma source(%dma_start3A_35 : memref<100000x128xf32, #tpu.memory_space<hbm>>) target(%dma_start3A_29 : memref<64x128xf32, #tpu.memory_space<vmem>>) offsets(%dma_start3A_32 : memref<64xi32, #tpu.memory_space<vmem>>) semaphore(%arg8 : memref<!tpu.dma_semaphore, #tpu.memory_space<semaphore_mem>>)
    %dma_start3A_36 = arith.constant 1 : i32
    %dma_start3A_37 = arith.constant 2 : i32
    %dma_start3A_38 = arith.constant 0 : i32
    %dma_start3A_39 = arith.constant 0 : i32
    %dma_start3A_40 = tpu.memref_slice %arg6[%dma_start3A_37, %dma_start3A_38, %dma_start3A_39] : memref<12x64x128xf32, #tpu.memory_space<vmem>> -> memref<1x64x128xf32, #tpu.memory_space<vmem>>
    %dma_start3A_41 = tpu.memref_squeeze %dma_start3A_40 : memref<1x64x128xf32, #tpu.memory_space<vmem>> -> memref<64x128xf32, #tpu.memory_space<vmem>>
    %dma_start3A_42 = arith.constant 0 : i32
    %dma_start3A_43 = tpu.memref_slice %arg5[%dma_start3A_36, %dma_start3A_42] : memref<50x128xi32, #tpu.memory_space<vmem>> -> memref<1x64xi32, #tpu.memory_space<vmem>>
    %dma_start3A_44 = tpu.memref_squeeze %dma_start3A_43 : memref<1x64xi32, #tpu.memory_space<vmem>> -> memref<64xi32, #tpu.memory_space<vmem>>
    %dma_start3A_45 = arith.constant 0 : i32
    %dma_start3A_46 = arith.constant 0 : i32
    %dma_start3A_47 = tpu.memref_slice %arg2[%dma_start3A_45, %dma_start3A_46] : memref<100000x128xf32, #tpu.memory_space<hbm>> -> memref<100000x128xf32, #tpu.memory_space<hbm>>
    tpu.enqueue_indirect_dma source(%dma_start3A_47 : memref<100000x128xf32, #tpu.memory_space<hbm>>) target(%dma_start3A_41 : memref<64x128xf32, #tpu.memory_space<vmem>>) offsets(%dma_start3A_44 : memref<64xi32, #tpu.memory_space<vmem>>) semaphore(%arg9 : memref<!tpu.dma_semaphore, #tpu.memory_space<semaphore_mem>>)
    %dma_start3A_48 = arith.constant 1 : i32
    %dma_start3A_49 = arith.constant 3 : i32
    %dma_start3A_50 = arith.constant 0 : i32
    %dma_start3A_51 = arith.constant 0 : i32
    %dma_start3A_52 = tpu.memref_slice %arg6[%dma_start3A_49, %dma_start3A_50, %dma_start3A_51] : memref<12x64x128xf32, #tpu.memory_space<vmem>> -> memref<1x64x128xf32, #tpu.memory_space<vmem>>
    %dma_start3A_53 = tpu.memref_squeeze %dma_start3A_52 : memref<1x64x128xf32, #tpu.memory_space<vmem>> -> memref<64x128xf32, #tpu.memory_space<vmem>>
    %dma_start3A_54 = arith.constant 64 : i32
    %dma_start3A_55 = tpu.memref_slice %arg5[%dma_start3A_48, %dma_start3A_54] : memref<50x128xi32, #tpu.memory_space<vmem>> -> memref<1x64xi32, #tpu.memory_space<vmem>>
    %dma_start3A_56 = tpu.memref_squeeze %dma_start3A_55 : memref<1x64xi32, #tpu.memory_space<vmem>> -> memref<64xi32, #tpu.memory_space<vmem>>
    %dma_start3A_57 = arith.constant 0 : i32
    %dma_start3A_58 = arith.constant 0 : i32
    %dma_start3A_59 = tpu.memref_slice %arg2[%dma_start3A_57, %dma_start3A_58] : memref<100000x128xf32, #tpu.memory_space<hbm>> -> memref<100000x128xf32, #tpu.memory_space<hbm>>
    tpu.enqueue_indirect_dma source(%dma_start3A_59 : memref<100000x128xf32, #tpu.memory_space<hbm>>) target(%dma_start3A_53 : memref<64x128xf32, #tpu.memory_space<vmem>>) offsets(%dma_start3A_56 : memref<64xi32, #tpu.memory_space<vmem>>) semaphore(%arg10 : memref<!tpu.dma_semaphore, #tpu.memory_space<semaphore_mem>>)
    %dma_start3A_60 = arith.constant 2 : i32
    %dma_start3A_61 = arith.constant 4 : i32
    %dma_start3A_62 = arith.constant 0 : i32
    %dma_start3A_63 = arith.constant 0 : i32
    %dma_start3A_64 = tpu.memref_slice %arg6[%dma_start3A_61, %dma_start3A_62, %dma_start3A_63] : memref<12x64x128xf32, #tpu.memory_space<vmem>> -> memref<1x64x128xf32, #tpu.memory_space<vmem>>
    %dma_start3A_65 = tpu.memref_squeeze %dma_start3A_64 : memref<1x64x128xf32, #tpu.memory_space<vmem>> -> memref<64x128xf32, #tpu.memory_space<vmem>>
    %dma_start3A_66 = arith.constant 0 : i32
    %dma_start3A_67 = tpu.memref_slice %arg5[%dma_start3A_60, %dma_start3A_66] : memref<50x128xi32, #tpu.memory_space<vmem>> -> memref<1x64xi32, #tpu.memory_space<vmem>>
    %dma_start3A_68 = tpu.memref_squeeze %dma_start3A_67 : memref<1x64xi32, #tpu.memory_space<vmem>> -> memref<64xi32, #tpu.memory_space<vmem>>
    %dma_start3A_69 = arith.constant 0 : i32
    %dma_start3A_70 = arith.constant 0 : i32
    %dma_start3A_71 = tpu.memref_slice %arg2[%dma_start3A_69, %dma_start3A_70] : memref<100000x128xf32, #tpu.memory_space<hbm>> -> memref<100000x128xf32, #tpu.memory_space<hbm>>
    tpu.enqueue_indirect_dma source(%dma_start3A_71 : memref<100000x128xf32, #tpu.memory_space<hbm>>) target(%dma_start3A_65 : memref<64x128xf32, #tpu.memory_space<vmem>>) offsets(%dma_start3A_68 : memref<64xi32, #tpu.memory_space<vmem>>) semaphore(%arg11 : memref<!tpu.dma_semaphore, #tpu.memory_space<semaphore_mem>>)
    %dma_start3A_72 = arith.constant 2 : i32
    %dma_start3A_73 = arith.constant 5 : i32
    %dma_start3A_74 = arith.constant 0 : i32
    %dma_start3A_75 = arith.constant 0 : i32
    %dma_start3A_76 = tpu.memref_slice %arg6[%dma_start3A_73, %dma_start3A_74, %dma_start3A_75] : memref<12x64x128xf32, #tpu.memory_space<vmem>> -> memref<1x64x128xf32, #tpu.memory_space<vmem>>
    %dma_start3A_77 = tpu.memref_squeeze %dma_start3A_76 : memref<1x64x128xf32, #tpu.memory_space<vmem>> -> memref<64x128xf32, #tpu.memory_space<vmem>>
    %dma_start3A_78 = arith.constant 64 : i32
    %dma_start3A_79 = tpu.memref_slice %arg5[%dma_start3A_72, %dma_start3A_78] : memref<50x128xi32, #tpu.memory_space<vmem>> -> memref<1x64xi32, #tpu.memory_space<vmem>>
    %dma_start3A_80 = tpu.memref_squeeze %dma_start3A_79 : memref<1x64xi32, #tpu.memory_space<vmem>> -> memref<64xi32, #tpu.memory_space<vmem>>
    %dma_start3A_81 = arith.constant 0 : i32
    %dma_start3A_82 = arith.constant 0 : i32
    %dma_start3A_83 = tpu.memref_slice %arg2[%dma_start3A_81, %dma_start3A_82] : memref<100000x128xf32, #tpu.memory_space<hbm>> -> memref<100000x128xf32, #tpu.memory_space<hbm>>
    tpu.enqueue_indirect_dma source(%dma_start3A_83 : memref<100000x128xf32, #tpu.memory_space<hbm>>) target(%dma_start3A_77 : memref<64x128xf32, #tpu.memory_space<vmem>>) offsets(%dma_start3A_80 : memref<64xi32, #tpu.memory_space<vmem>>) semaphore(%arg12 : memref<!tpu.dma_semaphore, #tpu.memory_space<semaphore_mem>>)
    %dma_start3A_84 = arith.constant 3 : i32
    %dma_start3A_85 = arith.constant 6 : i32
    %dma_start3A_86 = arith.constant 0 : i32
    %dma_start3A_87 = arith.constant 0 : i32
    %dma_start3A_88 = tpu.memref_slice %arg6[%dma_start3A_85, %dma_start3A_86, %dma_start3A_87] : memref<12x64x128xf32, #tpu.memory_space<vmem>> -> memref<1x64x128xf32, #tpu.memory_space<vmem>>
    %dma_start3A_89 = tpu.memref_squeeze %dma_start3A_88 : memref<1x64x128xf32, #tpu.memory_space<vmem>> -> memref<64x128xf32, #tpu.memory_space<vmem>>
    %dma_start3A_90 = arith.constant 0 : i32
    %dma_start3A_91 = tpu.memref_slice %arg5[%dma_start3A_84, %dma_start3A_90] : memref<50x128xi32, #tpu.memory_space<vmem>> -> memref<1x64xi32, #tpu.memory_space<vmem>>
    %dma_start3A_92 = tpu.memref_squeeze %dma_start3A_91 : memref<1x64xi32, #tpu.memory_space<vmem>> -> memref<64xi32, #tpu.memory_space<vmem>>
    %dma_start3A_93 = arith.constant 0 : i32
    %dma_start3A_94 = arith.constant 0 : i32
    %dma_start3A_95 = tpu.memref_slice %arg2[%dma_start3A_93, %dma_start3A_94] : memref<100000x128xf32, #tpu.memory_space<hbm>> -> memref<100000x128xf32, #tpu.memory_space<hbm>>
    tpu.enqueue_indirect_dma source(%dma_start3A_95 : memref<100000x128xf32, #tpu.memory_space<hbm>>) target(%dma_start3A_89 : memref<64x128xf32, #tpu.memory_space<vmem>>) offsets(%dma_start3A_92 : memref<64xi32, #tpu.memory_space<vmem>>) semaphore(%arg13 : memref<!tpu.dma_semaphore, #tpu.memory_space<semaphore_mem>>)
    %dma_start3A_96 = arith.constant 3 : i32
    %dma_start3A_97 = arith.constant 7 : i32
    %dma_start3A_98 = arith.constant 0 : i32
    %dma_start3A_99 = arith.constant 0 : i32
    %dma_start3A_100 = tpu.memref_slice %arg6[%dma_start3A_97, %dma_start3A_98, %dma_start3A_99] : memref<12x64x128xf32, #tpu.memory_space<vmem>> -> memref<1x64x128xf32, #tpu.memory_space<vmem>>
    %dma_start3A_101 = tpu.memref_squeeze %dma_start3A_100 : memref<1x64x128xf32, #tpu.memory_space<vmem>> -> memref<64x128xf32, #tpu.memory_space<vmem>>
    %dma_start3A_102 = arith.constant 64 : i32
    %dma_start3A_103 = tpu.memref_slice %arg5[%dma_start3A_96, %dma_start3A_102] : memref<50x128xi32, #tpu.memory_space<vmem>> -> memref<1x64xi32, #tpu.memory_space<vmem>>
    %dma_start3A_104 = tpu.memref_squeeze %dma_start3A_103 : memref<1x64xi32, #tpu.memory_space<vmem>> -> memref<64xi32, #tpu.memory_space<vmem>>
    %dma_start3A_105 = arith.constant 0 : i32
    %dma_start3A_106 = arith.constant 0 : i32
    %dma_start3A_107 = tpu.memref_slice %arg2[%dma_start3A_105, %dma_start3A_106] : memref<100000x128xf32, #tpu.memory_space<hbm>> -> memref<100000x128xf32, #tpu.memory_space<hbm>>
    tpu.enqueue_indirect_dma source(%dma_start3A_107 : memref<100000x128xf32, #tpu.memory_space<hbm>>) target(%dma_start3A_101 : memref<64x128xf32, #tpu.memory_space<vmem>>) offsets(%dma_start3A_104 : memref<64xi32, #tpu.memory_space<vmem>>) semaphore(%arg14 : memref<!tpu.dma_semaphore, #tpu.memory_space<semaphore_mem>>)
    %dma_start3A_108 = arith.constant 4 : i32
    %dma_start3A_109 = arith.constant 8 : i32
    %dma_start3A_110 = arith.constant 0 : i32
    %dma_start3A_111 = arith.constant 0 : i32
    %dma_start3A_112 = tpu.memref_slice %arg6[%dma_start3A_109, %dma_start3A_110, %dma_start3A_111] : memref<12x64x128xf32, #tpu.memory_space<vmem>> -> memref<1x64x128xf32, #tpu.memory_space<vmem>>
    %dma_start3A_113 = tpu.memref_squeeze %dma_start3A_112 : memref<1x64x128xf32, #tpu.memory_space<vmem>> -> memref<64x128xf32, #tpu.memory_space<vmem>>
    %dma_start3A_114 = arith.constant 0 : i32
    %dma_start3A_115 = tpu.memref_slice %arg5[%dma_start3A_108, %dma_start3A_114] : memref<50x128xi32, #tpu.memory_space<vmem>> -> memref<1x64xi32, #tpu.memory_space<vmem>>
    %dma_start3A_116 = tpu.memref_squeeze %dma_start3A_115 : memref<1x64xi32, #tpu.memory_space<vmem>> -> memref<64xi32, #tpu.memory_space<vmem>>
    %dma_start3A_117 = arith.constant 0 : i32
    %dma_start3A_118 = arith.constant 0 : i32
    %dma_start3A_119 = tpu.memref_slice %arg2[%dma_start3A_117, %dma_start3A_118] : memref<100000x128xf32, #tpu.memory_space<hbm>> -> memref<100000x128xf32, #tpu.memory_space<hbm>>
    tpu.enqueue_indirect_dma source(%dma_start3A_119 : memref<100000x128xf32, #tpu.memory_space<hbm>>) target(%dma_start3A_113 : memref<64x128xf32, #tpu.memory_space<vmem>>) offsets(%dma_start3A_116 : memref<64xi32, #tpu.memory_space<vmem>>) semaphore(%arg15 : memref<!tpu.dma_semaphore, #tpu.memory_space<semaphore_mem>>)
    %dma_start3A_120 = arith.constant 4 : i32
    %dma_start3A_121 = arith.constant 9 : i32
    %dma_start3A_122 = arith.constant 0 : i32
    %dma_start3A_123 = arith.constant 0 : i32
    %dma_start3A_124 = tpu.memref_slice %arg6[%dma_start3A_121, %dma_start3A_122, %dma_start3A_123] : memref<12x64x128xf32, #tpu.memory_space<vmem>> -> memref<1x64x128xf32, #tpu.memory_space<vmem>>
    %dma_start3A_125 = tpu.memref_squeeze %dma_start3A_124 : memref<1x64x128xf32, #tpu.memory_space<vmem>> -> memref<64x128xf32, #tpu.memory_space<vmem>>
    %dma_start3A_126 = arith.constant 64 : i32
    %dma_start3A_127 = tpu.memref_slice %arg5[%dma_start3A_120, %dma_start3A_126] : memref<50x128xi32, #tpu.memory_space<vmem>> -> memref<1x64xi32, #tpu.memory_space<vmem>>
    %dma_start3A_128 = tpu.memref_squeeze %dma_start3A_127 : memref<1x64xi32, #tpu.memory_space<vmem>> -> memref<64xi32, #tpu.memory_space<vmem>>
    %dma_start3A_129 = arith.constant 0 : i32
    %dma_start3A_130 = arith.constant 0 : i32
    %dma_start3A_131 = tpu.memref_slice %arg2[%dma_start3A_129, %dma_start3A_130] : memref<100000x128xf32, #tpu.memory_space<hbm>> -> memref<100000x128xf32, #tpu.memory_space<hbm>>
    tpu.enqueue_indirect_dma source(%dma_start3A_131 : memref<100000x128xf32, #tpu.memory_space<hbm>>) target(%dma_start3A_125 : memref<64x128xf32, #tpu.memory_space<vmem>>) offsets(%dma_start3A_128 : memref<64xi32, #tpu.memory_space<vmem>>) semaphore(%arg16 : memref<!tpu.dma_semaphore, #tpu.memory_space<semaphore_mem>>)
    %dma_start3A_132 = arith.constant 5 : i32
    %dma_start3A_133 = arith.constant 10 : i32
    %dma_start3A_134 = arith.constant 0 : i32
    %dma_start3A_135 = arith.constant 0 : i32
    %dma_start3A_136 = tpu.memref_slice %arg6[%dma_start3A_133, %dma_start3A_134, %dma_start3A_135] : memref<12x64x128xf32, #tpu.memory_space<vmem>> -> memref<1x64x128xf32, #tpu.memory_space<vmem>>
    %dma_start3A_137 = tpu.memref_squeeze %dma_start3A_136 : memref<1x64x128xf32, #tpu.memory_space<vmem>> -> memref<64x128xf32, #tpu.memory_space<vmem>>
    %dma_start3A_138 = arith.constant 0 : i32
    %dma_start3A_139 = tpu.memref_slice %arg5[%dma_start3A_132, %dma_start3A_138] : memref<50x128xi32, #tpu.memory_space<vmem>> -> memref<1x64xi32, #tpu.memory_space<vmem>>
    %dma_start3A_140 = tpu.memref_squeeze %dma_start3A_139 : memref<1x64xi32, #tpu.memory_space<vmem>> -> memref<64xi32, #tpu.memory_space<vmem>>
    %dma_start3A_141 = arith.constant 0 : i32
    %dma_start3A_142 = arith.constant 0 : i32
    %dma_start3A_143 = tpu.memref_slice %arg2[%dma_start3A_141, %dma_start3A_142] : memref<100000x128xf32, #tpu.memory_space<hbm>> -> memref<100000x128xf32, #tpu.memory_space<hbm>>
    tpu.enqueue_indirect_dma source(%dma_start3A_143 : memref<100000x128xf32, #tpu.memory_space<hbm>>) target(%dma_start3A_137 : memref<64x128xf32, #tpu.memory_space<vmem>>) offsets(%dma_start3A_140 : memref<64xi32, #tpu.memory_space<vmem>>) semaphore(%arg17 : memref<!tpu.dma_semaphore, #tpu.memory_space<semaphore_mem>>)
    %dma_start3A_144 = arith.constant 5 : i32
    %dma_start3A_145 = arith.constant 11 : i32
    %dma_start3A_146 = arith.constant 0 : i32
    %dma_start3A_147 = arith.constant 0 : i32
    %dma_start3A_148 = tpu.memref_slice %arg6[%dma_start3A_145, %dma_start3A_146, %dma_start3A_147] : memref<12x64x128xf32, #tpu.memory_space<vmem>> -> memref<1x64x128xf32, #tpu.memory_space<vmem>>
    %dma_start3A_149 = tpu.memref_squeeze %dma_start3A_148 : memref<1x64x128xf32, #tpu.memory_space<vmem>> -> memref<64x128xf32, #tpu.memory_space<vmem>>
    %dma_start3A_150 = arith.constant 64 : i32
    %dma_start3A_151 = tpu.memref_slice %arg5[%dma_start3A_144, %dma_start3A_150] : memref<50x128xi32, #tpu.memory_space<vmem>> -> memref<1x64xi32, #tpu.memory_space<vmem>>
    %dma_start3A_152 = tpu.memref_squeeze %dma_start3A_151 : memref<1x64xi32, #tpu.memory_space<vmem>> -> memref<64xi32, #tpu.memory_space<vmem>>
    %dma_start3A_153 = arith.constant 0 : i32
    %dma_start3A_154 = arith.constant 0 : i32
    %dma_start3A_155 = tpu.memref_slice %arg2[%dma_start3A_153, %dma_start3A_154] : memref<100000x128xf32, #tpu.memory_space<hbm>> -> memref<100000x128xf32, #tpu.memory_space<hbm>>
    tpu.enqueue_indirect_dma source(%dma_start3A_155 : memref<100000x128xf32, #tpu.memory_space<hbm>>) target(%dma_start3A_149 : memref<64x128xf32, #tpu.memory_space<vmem>>) offsets(%dma_start3A_152 : memref<64xi32, #tpu.memory_space<vmem>>) semaphore(%arg18 : memref<!tpu.dma_semaphore, #tpu.memory_space<semaphore_mem>>)
    %dma_wait3A = arith.constant 8 : i32
    %dma_wait3A_156 = arith.constant 0 : i32
    %dma_wait3A_157 = tpu.memref_slice %arg5[%dma_wait3A, %dma_wait3A_156] : memref<50x128xi32, #tpu.memory_space<vmem>> -> memref<42x128xi32, #tpu.memory_space<vmem>>
    %dma_wait3A_158 = arith.constant 8 : i32
    %dma_wait3A_159 = tpu.memref_slice %arg3[%dma_wait3A_158, %mul3A_2] : memref<50x4096xi32, #tpu.memory_space<hbm>> -> memref<42x128xi32, #tpu.memory_space<hbm>>
    %dma_wait3A_160 = arith.constant 8 : i32
    %dma_wait3A_161 = arith.constant 0 : i32
    %dma_wait3A_162 = tpu.memref_slice %arg5[%dma_wait3A_160, %dma_wait3A_161] : memref<50x128xi32, #tpu.memory_space<vmem>> -> memref<42x128xi32, #tpu.memory_space<vmem>>
    %dma_wait3A_163 = arith.constant 8 : i32
    %dma_wait3A_164 = tpu.memref_slice %arg3[%dma_wait3A_163, %mul3A_2] : memref<50x4096xi32, #tpu.memory_space<hbm>> -> memref<42x128xi32, #tpu.memory_space<hbm>>
    tpu.wait_dma2 semaphore(%arg31 : memref<!tpu.dma_semaphore, #tpu.memory_space<semaphore_mem>>) src(%dma_wait3A_164 : memref<42x128xi32, #tpu.memory_space<hbm>>) dst(%dma_wait3A_162 : memref<42x128xi32, #tpu.memory_space<vmem>>)
    %dma_wait3A_165 = arith.constant 0 : i32
    %dma_wait3A_166 = arith.constant 0 : i32
    %dma_wait3A_167 = arith.constant 0 : i32
    %dma_wait3A_168 = arith.constant 0 : i32
    %dma_wait3A_169 = tpu.memref_slice %arg6[%dma_wait3A_166, %dma_wait3A_167, %dma_wait3A_168] : memref<12x64x128xf32, #tpu.memory_space<vmem>> -> memref<1x64x128xf32, #tpu.memory_space<vmem>>
    %dma_wait3A_170 = tpu.memref_squeeze %dma_wait3A_169 : memref<1x64x128xf32, #tpu.memory_space<vmem>> -> memref<64x128xf32, #tpu.memory_space<vmem>>
    %dma_wait3A_171 = arith.constant 0 : i32
    %dma_wait3A_172 = tpu.memref_slice %arg5[%dma_wait3A_165, %dma_wait3A_171] : memref<50x128xi32, #tpu.memory_space<vmem>> -> memref<1x64xi32, #tpu.memory_space<vmem>>
    %dma_wait3A_173 = tpu.memref_squeeze %dma_wait3A_172 : memref<1x64xi32, #tpu.memory_space<vmem>> -> memref<64xi32, #tpu.memory_space<vmem>>
    %dma_wait3A_174 = arith.constant 0 : i32
    %dma_wait3A_175 = arith.constant 0 : i32
    %dma_wait3A_176 = tpu.memref_slice %arg2[%dma_wait3A_174, %dma_wait3A_175] : memref<100000x128xf32, #tpu.memory_space<hbm>> -> memref<100000x128xf32, #tpu.memory_space<hbm>>
    tpu.wait_indirect_dma semaphore(%arg7 : memref<!tpu.dma_semaphore, #tpu.memory_space<semaphore_mem>>) src(%dma_wait3A_176 : memref<100000x128xf32, #tpu.memory_space<hbm>>) dst(%dma_wait3A_170 : memref<64x128xf32, #tpu.memory_space<vmem>>)
    %add3A_177 = arith.constant 0 : i32
    %add3A_178 = arith.addi %mul3A_2, %add3A_177 : i32
    %dma_start3A_179 = arith.constant 0 : i32
    %dma_start3A_180 = arith.constant 0 : i32
    %dma_start3A_181 = arith.constant 0 : i32
    %dma_start3A_182 = arith.constant 0 : i32
    %dma_start3A_183 = tpu.memref_slice %arg6[%dma_start3A_179, %dma_start3A_181, %dma_start3A_182] : memref<12x64x128xf32, #tpu.memory_space<vmem>> -> memref<1x64x128xf32, #tpu.memory_space<vmem>>
    %dma_start3A_184 = tpu.memref_squeeze %dma_start3A_183 : memref<1x64x128xf32, #tpu.memory_space<vmem>> -> memref<64x128xf32, #tpu.memory_space<vmem>>
    %dma_start3A_185 = arith.constant 0 : i32
    %dma_start3A_186 = tpu.memref_slice %arg4[%dma_start3A_180, %add3A_178, %dma_start3A_185] : memref<50x4096x128xf32, #tpu.memory_space<hbm>> -> memref<1x64x128xf32, #tpu.memory_space<hbm>>
    %dma_start3A_187 = tpu.memref_squeeze %dma_start3A_186 : memref<1x64x128xf32, #tpu.memory_space<hbm>> -> memref<64x128xf32, #tpu.memory_space<hbm>>
    %dma_start3A_188 = arith.constant 0 : i32
    %dma_start3A_189 = tpu.memref_slice %arg4[%dma_start3A_180, %add3A_178, %dma_start3A_188] : memref<50x4096x128xf32, #tpu.memory_space<hbm>> -> memref<1x64x128xf32, #tpu.memory_space<hbm>>
    %dma_start3A_190 = tpu.memref_squeeze %dma_start3A_189 : memref<1x64x128xf32, #tpu.memory_space<hbm>> -> memref<64x128xf32, #tpu.memory_space<hbm>>
    %dma_start3A_191 = arith.constant 0 : i32
    %dma_start3A_192 = arith.constant 0 : i32
    %dma_start3A_193 = tpu.memref_slice %arg6[%dma_start3A_179, %dma_start3A_191, %dma_start3A_192] : memref<12x64x128xf32, #tpu.memory_space<vmem>> -> memref<1x64x128xf32, #tpu.memory_space<vmem>>
    %dma_start3A_194 = tpu.memref_squeeze %dma_start3A_193 : memref<1x64x128xf32, #tpu.memory_space<vmem>> -> memref<64x128xf32, #tpu.memory_space<vmem>>
    tpu.enqueue_dma source(%dma_start3A_194 : memref<64x128xf32, #tpu.memory_space<vmem>>) target(%dma_start3A_190 : memref<64x128xf32, #tpu.memory_space<hbm>>) target_semaphore(%arg19 : memref<!tpu.dma_semaphore, #tpu.memory_space<semaphore_mem>>)
    %dma_wait3A_195 = arith.constant 0 : i32
    %dma_wait3A_196 = arith.constant 1 : i32
    %dma_wait3A_197 = arith.constant 0 : i32
    %dma_wait3A_198 = arith.constant 0 : i32
    %dma_wait3A_199 = tpu.memref_slice %arg6[%dma_wait3A_196, %dma_wait3A_197, %dma_wait3A_198] : memref<12x64x128xf32, #tpu.memory_space<vmem>> -> memref<1x64x128xf32, #tpu.memory_space<vmem>>
    %dma_wait3A_200 = tpu.memref_squeeze %dma_wait3A_199 : memref<1x64x128xf32, #tpu.memory_space<vmem>> -> memref<64x128xf32, #tpu.memory_space<vmem>>
    %dma_wait3A_201 = arith.constant 0 : i32
    %dma_wait3A_202 = tpu.memref_slice %arg5[%dma_wait3A_195, %dma_wait3A_201] : memref<50x128xi32, #tpu.memory_space<vmem>> -> memref<1x64xi32, #tpu.memory_space<vmem>>
    %dma_wait3A_203 = tpu.memref_squeeze %dma_wait3A_202 : memref<1x64xi32, #tpu.memory_space<vmem>> -> memref<64xi32, #tpu.memory_space<vmem>>
    %dma_wait3A_204 = arith.constant 0 : i32
    %dma_wait3A_205 = arith.constant 0 : i32
    %dma_wait3A_206 = tpu.memref_slice %arg2[%dma_wait3A_204, %dma_wait3A_205] : memref<100000x128xf32, #tpu.memory_space<hbm>> -> memref<100000x128xf32, #tpu.memory_space<hbm>>
    tpu.wait_indirect_dma semaphore(%arg8 : memref<!tpu.dma_semaphore, #tpu.memory_space<semaphore_mem>>) src(%dma_wait3A_206 : memref<100000x128xf32, #tpu.memory_space<hbm>>) dst(%dma_wait3A_200 : memref<64x128xf32, #tpu.memory_space<vmem>>)
    %add3A_207 = arith.constant 64 : i32
    %add3A_208 = arith.addi %mul3A_2, %add3A_207 : i32
    %dma_start3A_209 = arith.constant 1 : i32
    %dma_start3A_210 = arith.constant 0 : i32
    %dma_start3A_211 = arith.constant 0 : i32
    %dma_start3A_212 = arith.constant 0 : i32
    %dma_start3A_213 = tpu.memref_slice %arg6[%dma_start3A_209, %dma_start3A_211, %dma_start3A_212] : memref<12x64x128xf32, #tpu.memory_space<vmem>> -> memref<1x64x128xf32, #tpu.memory_space<vmem>>
    %dma_start3A_214 = tpu.memref_squeeze %dma_start3A_213 : memref<1x64x128xf32, #tpu.memory_space<vmem>> -> memref<64x128xf32, #tpu.memory_space<vmem>>
    %dma_start3A_215 = arith.constant 0 : i32
    %dma_start3A_216 = tpu.memref_slice %arg4[%dma_start3A_210, %add3A_208, %dma_start3A_215] : memref<50x4096x128xf32, #tpu.memory_space<hbm>> -> memref<1x64x128xf32, #tpu.memory_space<hbm>>
    %dma_start3A_217 = tpu.memref_squeeze %dma_start3A_216 : memref<1x64x128xf32, #tpu.memory_space<hbm>> -> memref<64x128xf32, #tpu.memory_space<hbm>>
    %dma_start3A_218 = arith.constant 0 : i32
    %dma_start3A_219 = tpu.memref_slice %arg4[%dma_start3A_210, %add3A_208, %dma_start3A_218] : memref<50x4096x128xf32, #tpu.memory_space<hbm>> -> memref<1x64x128xf32, #tpu.memory_space<hbm>>
    %dma_start3A_220 = tpu.memref_squeeze %dma_start3A_219 : memref<1x64x128xf32, #tpu.memory_space<hbm>> -> memref<64x128xf32, #tpu.memory_space<hbm>>
    %dma_start3A_221 = arith.constant 0 : i32
    %dma_start3A_222 = arith.constant 0 : i32
    %dma_start3A_223 = tpu.memref_slice %arg6[%dma_start3A_209, %dma_start3A_221, %dma_start3A_222] : memref<12x64x128xf32, #tpu.memory_space<vmem>> -> memref<1x64x128xf32, #tpu.memory_space<vmem>>
    %dma_start3A_224 = tpu.memref_squeeze %dma_start3A_223 : memref<1x64x128xf32, #tpu.memory_space<vmem>> -> memref<64x128xf32, #tpu.memory_space<vmem>>
    tpu.enqueue_dma source(%dma_start3A_224 : memref<64x128xf32, #tpu.memory_space<vmem>>) target(%dma_start3A_220 : memref<64x128xf32, #tpu.memory_space<hbm>>) target_semaphore(%arg20 : memref<!tpu.dma_semaphore, #tpu.memory_space<semaphore_mem>>)
    %dma_wait3A_225 = arith.constant 0 : i32
    %dma_wait3A_226 = arith.constant 2 : i32
    %dma_wait3A_227 = arith.constant 0 : i32
    %dma_wait3A_228 = arith.constant 0 : i32
    %dma_wait3A_229 = tpu.memref_slice %arg6[%dma_wait3A_226, %dma_wait3A_227, %dma_wait3A_228] : memref<12x64x128xf32, #tpu.memory_space<vmem>> -> memref<1x64x128xf32, #tpu.memory_space<vmem>>
    %dma_wait3A_230 = tpu.memref_squeeze %dma_wait3A_229 : memref<1x64x128xf32, #tpu.memory_space<vmem>> -> memref<64x128xf32, #tpu.memory_space<vmem>>
    %dma_wait3A_231 = arith.constant 0 : i32
    %dma_wait3A_232 = tpu.memref_slice %arg5[%dma_wait3A_225, %dma_wait3A_231] : memref<50x128xi32, #tpu.memory_space<vmem>> -> memref<1x64xi32, #tpu.memory_space<vmem>>
    %dma_wait3A_233 = tpu.memref_squeeze %dma_wait3A_232 : memref<1x64xi32, #tpu.memory_space<vmem>> -> memref<64xi32, #tpu.memory_space<vmem>>
    %dma_wait3A_234 = arith.constant 0 : i32
    %dma_wait3A_235 = arith.constant 0 : i32
    %dma_wait3A_236 = tpu.memref_slice %arg2[%dma_wait3A_234, %dma_wait3A_235] : memref<100000x128xf32, #tpu.memory_space<hbm>> -> memref<100000x128xf32, #tpu.memory_space<hbm>>
    tpu.wait_indirect_dma semaphore(%arg9 : memref<!tpu.dma_semaphore, #tpu.memory_space<semaphore_mem>>) src(%dma_wait3A_236 : memref<100000x128xf32, #tpu.memory_space<hbm>>) dst(%dma_wait3A_230 : memref<64x128xf32, #tpu.memory_space<vmem>>)
    %add3A_237 = arith.constant 0 : i32
    %add3A_238 = arith.addi %mul3A_2, %add3A_237 : i32
    %dma_start3A_239 = arith.constant 2 : i32
    %dma_start3A_240 = arith.constant 1 : i32
    %dma_start3A_241 = arith.constant 0 : i32
    %dma_start3A_242 = arith.constant 0 : i32
    %dma_start3A_243 = tpu.memref_slice %arg6[%dma_start3A_239, %dma_start3A_241, %dma_start3A_242] : memref<12x64x128xf32, #tpu.memory_space<vmem>> -> memref<1x64x128xf32, #tpu.memory_space<vmem>>
    %dma_start3A_244 = tpu.memref_squeeze %dma_start3A_243 : memref<1x64x128xf32, #tpu.memory_space<vmem>> -> memref<64x128xf32, #tpu.memory_space<vmem>>
    %dma_start3A_245 = arith.constant 0 : i32
    %dma_start3A_246 = tpu.memref_slice %arg4[%dma_start3A_240, %add3A_238, %dma_start3A_245] : memref<50x4096x128xf32, #tpu.memory_space<hbm>> -> memref<1x64x128xf32, #tpu.memory_space<hbm>>
    %dma_start3A_247 = tpu.memref_squeeze %dma_start3A_246 : memref<1x64x128xf32, #tpu.memory_space<hbm>> -> memref<64x128xf32, #tpu.memory_space<hbm>>
    %dma_start3A_248 = arith.constant 0 : i32
    %dma_start3A_249 = tpu.memref_slice %arg4[%dma_start3A_240, %add3A_238, %dma_start3A_248] : memref<50x4096x128xf32, #tpu.memory_space<hbm>> -> memref<1x64x128xf32, #tpu.memory_space<hbm>>
    %dma_start3A_250 = tpu.memref_squeeze %dma_start3A_249 : memref<1x64x128xf32, #tpu.memory_space<hbm>> -> memref<64x128xf32, #tpu.memory_space<hbm>>
    %dma_start3A_251 = arith.constant 0 : i32
    %dma_start3A_252 = arith.constant 0 : i32
    %dma_start3A_253 = tpu.memref_slice %arg6[%dma_start3A_239, %dma_start3A_251, %dma_start3A_252] : memref<12x64x128xf32, #tpu.memory_space<vmem>> -> memref<1x64x128xf32, #tpu.memory_space<vmem>>
    %dma_start3A_254 = tpu.memref_squeeze %dma_start3A_253 : memref<1x64x128xf32, #tpu.memory_space<vmem>> -> memref<64x128xf32, #tpu.memory_space<vmem>>
    tpu.enqueue_dma source(%dma_start3A_254 : memref<64x128xf32, #tpu.memory_space<vmem>>) target(%dma_start3A_250 : memref<64x128xf32, #tpu.memory_space<hbm>>) target_semaphore(%arg21 : memref<!tpu.dma_semaphore, #tpu.memory_space<semaphore_mem>>)
    %dma_wait3A_255 = arith.constant 0 : i32
    %dma_wait3A_256 = arith.constant 3 : i32
    %dma_wait3A_257 = arith.constant 0 : i32
    %dma_wait3A_258 = arith.constant 0 : i32
    %dma_wait3A_259 = tpu.memref_slice %arg6[%dma_wait3A_256, %dma_wait3A_257, %dma_wait3A_258] : memref<12x64x128xf32, #tpu.memory_space<vmem>> -> memref<1x64x128xf32, #tpu.memory_space<vmem>>
    %dma_wait3A_260 = tpu.memref_squeeze %dma_wait3A_259 : memref<1x64x128xf32, #tpu.memory_space<vmem>> -> memref<64x128xf32, #tpu.memory_space<vmem>>
    %dma_wait3A_261 = arith.constant 0 : i32
    %dma_wait3A_262 = tpu.memref_slice %arg5[%dma_wait3A_255, %dma_wait3A_261] : memref<50x128xi32, #tpu.memory_space<vmem>> -> memref<1x64xi32, #tpu.memory_space<vmem>>
    %dma_wait3A_263 = tpu.memref_squeeze %dma_wait3A_262 : memref<1x64xi32, #tpu.memory_space<vmem>> -> memref<64xi32, #tpu.memory_space<vmem>>
    %dma_wait3A_264 = arith.constant 0 : i32
    %dma_wait3A_265 = arith.constant 0 : i32
    %dma_wait3A_266 = tpu.memref_slice %arg2[%dma_wait3A_264, %dma_wait3A_265] : memref<100000x128xf32, #tpu.memory_space<hbm>> -> memref<100000x128xf32, #tpu.memory_space<hbm>>
    tpu.wait_indirect_dma semaphore(%arg10 : memref<!tpu.dma_semaphore, #tpu.memory_space<semaphore_mem>>) src(%dma_wait3A_266 : memref<100000x128xf32, #tpu.memory_space<hbm>>) dst(%dma_wait3A_260 : memref<64x128xf32, #tpu.memory_space<vmem>>)
    %add3A_267 = arith.constant 64 : i32
    %add3A_268 = arith.addi %mul3A_2, %add3A_267 : i32
    %dma_start3A_269 = arith.constant 3 : i32
    %dma_start3A_270 = arith.constant 1 : i32
    %dma_start3A_271 = arith.constant 0 : i32
    %dma_start3A_272 = arith.constant 0 : i32
    %dma_start3A_273 = tpu.memref_slice %arg6[%dma_start3A_269, %dma_start3A_271, %dma_start3A_272] : memref<12x64x128xf32, #tpu.memory_space<vmem>> -> memref<1x64x128xf32, #tpu.memory_space<vmem>>
    %dma_start3A_274 = tpu.memref_squeeze %dma_start3A_273 : memref<1x64x128xf32, #tpu.memory_space<vmem>> -> memref<64x128xf32, #tpu.memory_space<vmem>>
    %dma_start3A_275 = arith.constant 0 : i32
    %dma_start3A_276 = tpu.memref_slice %arg4[%dma_start3A_270, %add3A_268, %dma_start3A_275] : memref<50x4096x128xf32, #tpu.memory_space<hbm>> -> memref<1x64x128xf32, #tpu.memory_space<hbm>>
    %dma_start3A_277 = tpu.memref_squeeze %dma_start3A_276 : memref<1x64x128xf32, #tpu.memory_space<hbm>> -> memref<64x128xf32, #tpu.memory_space<hbm>>
    %dma_start3A_278 = arith.constant 0 : i32
    %dma_start3A_279 = tpu.memref_slice %arg4[%dma_start3A_270, %add3A_268, %dma_start3A_278] : memref<50x4096x128xf32, #tpu.memory_space<hbm>> -> memref<1x64x128xf32, #tpu.memory_space<hbm>>
    %dma_start3A_280 = tpu.memref_squeeze %dma_start3A_279 : memref<1x64x128xf32, #tpu.memory_space<hbm>> -> memref<64x128xf32, #tpu.memory_space<hbm>>
    %dma_start3A_281 = arith.constant 0 : i32
    %dma_start3A_282 = arith.constant 0 : i32
    %dma_start3A_283 = tpu.memref_slice %arg6[%dma_start3A_269, %dma_start3A_281, %dma_start3A_282] : memref<12x64x128xf32, #tpu.memory_space<vmem>> -> memref<1x64x128xf32, #tpu.memory_space<vmem>>
    %dma_start3A_284 = tpu.memref_squeeze %dma_start3A_283 : memref<1x64x128xf32, #tpu.memory_space<vmem>> -> memref<64x128xf32, #tpu.memory_space<vmem>>
    tpu.enqueue_dma source(%dma_start3A_284 : memref<64x128xf32, #tpu.memory_space<vmem>>) target(%dma_start3A_280 : memref<64x128xf32, #tpu.memory_space<hbm>>) target_semaphore(%arg22 : memref<!tpu.dma_semaphore, #tpu.memory_space<semaphore_mem>>)
    %dma_wait3A_285 = arith.constant 0 : i32
    %dma_wait3A_286 = arith.constant 4 : i32
    %dma_wait3A_287 = arith.constant 0 : i32
    %dma_wait3A_288 = arith.constant 0 : i32
    %dma_wait3A_289 = tpu.memref_slice %arg6[%dma_wait3A_286, %dma_wait3A_287, %dma_wait3A_288] : memref<12x64x128xf32, #tpu.memory_space<vmem>> -> memref<1x64x128xf32, #tpu.memory_space<vmem>>
    %dma_wait3A_290 = tpu.memref_squeeze %dma_wait3A_289 : memref<1x64x128xf32, #tpu.memory_space<vmem>> -> memref<64x128xf32, #tpu.memory_space<vmem>>
    %dma_wait3A_291 = arith.constant 0 : i32
    %dma_wait3A_292 = tpu.memref_slice %arg5[%dma_wait3A_285, %dma_wait3A_291] : memref<50x128xi32, #tpu.memory_space<vmem>> -> memref<1x64xi32, #tpu.memory_space<vmem>>
    %dma_wait3A_293 = tpu.memref_squeeze %dma_wait3A_292 : memref<1x64xi32, #tpu.memory_space<vmem>> -> memref<64xi32, #tpu.memory_space<vmem>>
    %dma_wait3A_294 = arith.constant 0 : i32
    %dma_wait3A_295 = arith.constant 0 : i32
    %dma_wait3A_296 = tpu.memref_slice %arg2[%dma_wait3A_294, %dma_wait3A_295] : memref<100000x128xf32, #tpu.memory_space<hbm>> -> memref<100000x128xf32, #tpu.memory_space<hbm>>
    tpu.wait_indirect_dma semaphore(%arg11 : memref<!tpu.dma_semaphore, #tpu.memory_space<semaphore_mem>>) src(%dma_wait3A_296 : memref<100000x128xf32, #tpu.memory_space<hbm>>) dst(%dma_wait3A_290 : memref<64x128xf32, #tpu.memory_space<vmem>>)
    %add3A_297 = arith.constant 0 : i32
    %add3A_298 = arith.addi %mul3A_2, %add3A_297 : i32
    %dma_start3A_299 = arith.constant 4 : i32
    %dma_start3A_300 = arith.constant 2 : i32
    %dma_start3A_301 = arith.constant 0 : i32
    %dma_start3A_302 = arith.constant 0 : i32
    %dma_start3A_303 = tpu.memref_slice %arg6[%dma_start3A_299, %dma_start3A_301, %dma_start3A_302] : memref<12x64x128xf32, #tpu.memory_space<vmem>> -> memref<1x64x128xf32, #tpu.memory_space<vmem>>
    %dma_start3A_304 = tpu.memref_squeeze %dma_start3A_303 : memref<1x64x128xf32, #tpu.memory_space<vmem>> -> memref<64x128xf32, #tpu.memory_space<vmem>>
    %dma_start3A_305 = arith.constant 0 : i32
    %dma_start3A_306 = tpu.memref_slice %arg4[%dma_start3A_300, %add3A_298, %dma_start3A_305] : memref<50x4096x128xf32, #tpu.memory_space<hbm>> -> memref<1x64x128xf32, #tpu.memory_space<hbm>>
    %dma_start3A_307 = tpu.memref_squeeze %dma_start3A_306 : memref<1x64x128xf32, #tpu.memory_space<hbm>> -> memref<64x128xf32, #tpu.memory_space<hbm>>
    %dma_start3A_308 = arith.constant 0 : i32
    %dma_start3A_309 = tpu.memref_slice %arg4[%dma_start3A_300, %add3A_298, %dma_start3A_308] : memref<50x4096x128xf32, #tpu.memory_space<hbm>> -> memref<1x64x128xf32, #tpu.memory_space<hbm>>
    %dma_start3A_310 = tpu.memref_squeeze %dma_start3A_309 : memref<1x64x128xf32, #tpu.memory_space<hbm>> -> memref<64x128xf32, #tpu.memory_space<hbm>>
    %dma_start3A_311 = arith.constant 0 : i32
    %dma_start3A_312 = arith.constant 0 : i32
    %dma_start3A_313 = tpu.memref_slice %arg6[%dma_start3A_299, %dma_start3A_311, %dma_start3A_312] : memref<12x64x128xf32, #tpu.memory_space<vmem>> -> memref<1x64x128xf32, #tpu.memory_space<vmem>>
    %dma_start3A_314 = tpu.memref_squeeze %dma_start3A_313 : memref<1x64x128xf32, #tpu.memory_space<vmem>> -> memref<64x128xf32, #tpu.memory_space<vmem>>
    tpu.enqueue_dma source(%dma_start3A_314 : memref<64x128xf32, #tpu.memory_space<vmem>>) target(%dma_start3A_310 : memref<64x128xf32, #tpu.memory_space<hbm>>) target_semaphore(%arg23 : memref<!tpu.dma_semaphore, #tpu.memory_space<semaphore_mem>>)
    %dma_wait3A_315 = arith.constant 0 : i32
    %dma_wait3A_316 = arith.constant 5 : i32
    %dma_wait3A_317 = arith.constant 0 : i32
    %dma_wait3A_318 = arith.constant 0 : i32
    %dma_wait3A_319 = tpu.memref_slice %arg6[%dma_wait3A_316, %dma_wait3A_317, %dma_wait3A_318] : memref<12x64x128xf32, #tpu.memory_space<vmem>> -> memref<1x64x128xf32, #tpu.memory_space<vmem>>
    %dma_wait3A_320 = tpu.memref_squeeze %dma_wait3A_319 : memref<1x64x128xf32, #tpu.memory_space<vmem>> -> memref<64x128xf32, #tpu.memory_space<vmem>>
    %dma_wait3A_321 = arith.constant 0 : i32
    %dma_wait3A_322 = tpu.memref_slice %arg5[%dma_wait3A_315, %dma_wait3A_321] : memref<50x128xi32, #tpu.memory_space<vmem>> -> memref<1x64xi32, #tpu.memory_space<vmem>>
    %dma_wait3A_323 = tpu.memref_squeeze %dma_wait3A_322 : memref<1x64xi32, #tpu.memory_space<vmem>> -> memref<64xi32, #tpu.memory_space<vmem>>
    %dma_wait3A_324 = arith.constant 0 : i32
    %dma_wait3A_325 = arith.constant 0 : i32
    %dma_wait3A_326 = tpu.memref_slice %arg2[%dma_wait3A_324, %dma_wait3A_325] : memref<100000x128xf32, #tpu.memory_space<hbm>> -> memref<100000x128xf32, #tpu.memory_space<hbm>>
    tpu.wait_indirect_dma semaphore(%arg12 : memref<!tpu.dma_semaphore, #tpu.memory_space<semaphore_mem>>) src(%dma_wait3A_326 : memref<100000x128xf32, #tpu.memory_space<hbm>>) dst(%dma_wait3A_320 : memref<64x128xf32, #tpu.memory_space<vmem>>)
    %add3A_327 = arith.constant 64 : i32
    %add3A_328 = arith.addi %mul3A_2, %add3A_327 : i32
    %dma_start3A_329 = arith.constant 5 : i32
    %dma_start3A_330 = arith.constant 2 : i32
    %dma_start3A_331 = arith.constant 0 : i32
    %dma_start3A_332 = arith.constant 0 : i32
    %dma_start3A_333 = tpu.memref_slice %arg6[%dma_start3A_329, %dma_start3A_331, %dma_start3A_332] : memref<12x64x128xf32, #tpu.memory_space<vmem>> -> memref<1x64x128xf32, #tpu.memory_space<vmem>>
    %dma_start3A_334 = tpu.memref_squeeze %dma_start3A_333 : memref<1x64x128xf32, #tpu.memory_space<vmem>> -> memref<64x128xf32, #tpu.memory_space<vmem>>
    %dma_start3A_335 = arith.constant 0 : i32
    %dma_start3A_336 = tpu.memref_slice %arg4[%dma_start3A_330, %add3A_328, %dma_start3A_335] : memref<50x4096x128xf32, #tpu.memory_space<hbm>> -> memref<1x64x128xf32, #tpu.memory_space<hbm>>
    %dma_start3A_337 = tpu.memref_squeeze %dma_start3A_336 : memref<1x64x128xf32, #tpu.memory_space<hbm>> -> memref<64x128xf32, #tpu.memory_space<hbm>>
    %dma_start3A_338 = arith.constant 0 : i32
    %dma_start3A_339 = tpu.memref_slice %arg4[%dma_start3A_330, %add3A_328, %dma_start3A_338] : memref<50x4096x128xf32, #tpu.memory_space<hbm>> -> memref<1x64x128xf32, #tpu.memory_space<hbm>>
    %dma_start3A_340 = tpu.memref_squeeze %dma_start3A_339 : memref<1x64x128xf32, #tpu.memory_space<hbm>> -> memref<64x128xf32, #tpu.memory_space<hbm>>
    %dma_start3A_341 = arith.constant 0 : i32
    %dma_start3A_342 = arith.constant 0 : i32
    %dma_start3A_343 = tpu.memref_slice %arg6[%dma_start3A_329, %dma_start3A_341, %dma_start3A_342] : memref<12x64x128xf32, #tpu.memory_space<vmem>> -> memref<1x64x128xf32, #tpu.memory_space<vmem>>
    %dma_start3A_344 = tpu.memref_squeeze %dma_start3A_343 : memref<1x64x128xf32, #tpu.memory_space<vmem>> -> memref<64x128xf32, #tpu.memory_space<vmem>>
    tpu.enqueue_dma source(%dma_start3A_344 : memref<64x128xf32, #tpu.memory_space<vmem>>) target(%dma_start3A_340 : memref<64x128xf32, #tpu.memory_space<hbm>>) target_semaphore(%arg24 : memref<!tpu.dma_semaphore, #tpu.memory_space<semaphore_mem>>)
    %dma_wait3A_345 = arith.constant 0 : i32
    %dma_wait3A_346 = arith.constant 6 : i32
    %dma_wait3A_347 = arith.constant 0 : i32
    %dma_wait3A_348 = arith.constant 0 : i32
    %dma_wait3A_349 = tpu.memref_slice %arg6[%dma_wait3A_346, %dma_wait3A_347, %dma_wait3A_348] : memref<12x64x128xf32, #tpu.memory_space<vmem>> -> memref<1x64x128xf32, #tpu.memory_space<vmem>>
    %dma_wait3A_350 = tpu.memref_squeeze %dma_wait3A_349 : memref<1x64x128xf32, #tpu.memory_space<vmem>> -> memref<64x128xf32, #tpu.memory_space<vmem>>
    %dma_wait3A_351 = arith.constant 0 : i32
    %dma_wait3A_352 = tpu.memref_slice %arg5[%dma_wait3A_345, %dma_wait3A_351] : memref<50x128xi32, #tpu.memory_space<vmem>> -> memref<1x64xi32, #tpu.memory_space<vmem>>
    %dma_wait3A_353 = tpu.memref_squeeze %dma_wait3A_352 : memref<1x64xi32, #tpu.memory_space<vmem>> -> memref<64xi32, #tpu.memory_space<vmem>>
    %dma_wait3A_354 = arith.constant 0 : i32
    %dma_wait3A_355 = arith.constant 0 : i32
    %dma_wait3A_356 = tpu.memref_slice %arg2[%dma_wait3A_354, %dma_wait3A_355] : memref<100000x128xf32, #tpu.memory_space<hbm>> -> memref<100000x128xf32, #tpu.memory_space<hbm>>
    tpu.wait_indirect_dma semaphore(%arg13 : memref<!tpu.dma_semaphore, #tpu.memory_space<semaphore_mem>>) src(%dma_wait3A_356 : memref<100000x128xf32, #tpu.memory_space<hbm>>) dst(%dma_wait3A_350 : memref<64x128xf32, #tpu.memory_space<vmem>>)
    %add3A_357 = arith.constant 0 : i32
    %add3A_358 = arith.addi %mul3A_2, %add3A_357 : i32
    %dma_start3A_359 = arith.constant 6 : i32
    %dma_start3A_360 = arith.constant 3 : i32
    %dma_start3A_361 = arith.constant 0 : i32
    %dma_start3A_362 = arith.constant 0 : i32
    %dma_start3A_363 = tpu.memref_slice %arg6[%dma_start3A_359, %dma_start3A_361, %dma_start3A_362] : memref<12x64x128xf32, #tpu.memory_space<vmem>> -> memref<1x64x128xf32, #tpu.memory_space<vmem>>
    %dma_start3A_364 = tpu.memref_squeeze %dma_start3A_363 : memref<1x64x128xf32, #tpu.memory_space<vmem>> -> memref<64x128xf32, #tpu.memory_space<vmem>>
    %dma_start3A_365 = arith.constant 0 : i32
    %dma_start3A_366 = tpu.memref_slice %arg4[%dma_start3A_360, %add3A_358, %dma_start3A_365] : memref<50x4096x128xf32, #tpu.memory_space<hbm>> -> memref<1x64x128xf32, #tpu.memory_space<hbm>>
    %dma_start3A_367 = tpu.memref_squeeze %dma_start3A_366 : memref<1x64x128xf32, #tpu.memory_space<hbm>> -> memref<64x128xf32, #tpu.memory_space<hbm>>
    %dma_start3A_368 = arith.constant 0 : i32
    %dma_start3A_369 = tpu.memref_slice %arg4[%dma_start3A_360, %add3A_358, %dma_start3A_368] : memref<50x4096x128xf32, #tpu.memory_space<hbm>> -> memref<1x64x128xf32, #tpu.memory_space<hbm>>
    %dma_start3A_370 = tpu.memref_squeeze %dma_start3A_369 : memref<1x64x128xf32, #tpu.memory_space<hbm>> -> memref<64x128xf32, #tpu.memory_space<hbm>>
    %dma_start3A_371 = arith.constant 0 : i32
    %dma_start3A_372 = arith.constant 0 : i32
    %dma_start3A_373 = tpu.memref_slice %arg6[%dma_start3A_359, %dma_start3A_371, %dma_start3A_372] : memref<12x64x128xf32, #tpu.memory_space<vmem>> -> memref<1x64x128xf32, #tpu.memory_space<vmem>>
    %dma_start3A_374 = tpu.memref_squeeze %dma_start3A_373 : memref<1x64x128xf32, #tpu.memory_space<vmem>> -> memref<64x128xf32, #tpu.memory_space<vmem>>
    tpu.enqueue_dma source(%dma_start3A_374 : memref<64x128xf32, #tpu.memory_space<vmem>>) target(%dma_start3A_370 : memref<64x128xf32, #tpu.memory_space<hbm>>) target_semaphore(%arg25 : memref<!tpu.dma_semaphore, #tpu.memory_space<semaphore_mem>>)
    %dma_wait3A_375 = arith.constant 0 : i32
    %dma_wait3A_376 = arith.constant 7 : i32
    %dma_wait3A_377 = arith.constant 0 : i32
    %dma_wait3A_378 = arith.constant 0 : i32
    %dma_wait3A_379 = tpu.memref_slice %arg6[%dma_wait3A_376, %dma_wait3A_377, %dma_wait3A_378] : memref<12x64x128xf32, #tpu.memory_space<vmem>> -> memref<1x64x128xf32, #tpu.memory_space<vmem>>
    %dma_wait3A_380 = tpu.memref_squeeze %dma_wait3A_379 : memref<1x64x128xf32, #tpu.memory_space<vmem>> -> memref<64x128xf32, #tpu.memory_space<vmem>>
    %dma_wait3A_381 = arith.constant 0 : i32
    %dma_wait3A_382 = tpu.memref_slice %arg5[%dma_wait3A_375, %dma_wait3A_381] : memref<50x128xi32, #tpu.memory_space<vmem>> -> memref<1x64xi32, #tpu.memory_space<vmem>>
    %dma_wait3A_383 = tpu.memref_squeeze %dma_wait3A_382 : memref<1x64xi32, #tpu.memory_space<vmem>> -> memref<64xi32, #tpu.memory_space<vmem>>
    %dma_wait3A_384 = arith.constant 0 : i32
    %dma_wait3A_385 = arith.constant 0 : i32
    %dma_wait3A_386 = tpu.memref_slice %arg2[%dma_wait3A_384, %dma_wait3A_385] : memref<100000x128xf32, #tpu.memory_space<hbm>> -> memref<100000x128xf32, #tpu.memory_space<hbm>>
    tpu.wait_indirect_dma semaphore(%arg14 : memref<!tpu.dma_semaphore, #tpu.memory_space<semaphore_mem>>) src(%dma_wait3A_386 : memref<100000x128xf32, #tpu.memory_space<hbm>>) dst(%dma_wait3A_380 : memref<64x128xf32, #tpu.memory_space<vmem>>)
    %add3A_387 = arith.constant 64 : i32
    %add3A_388 = arith.addi %mul3A_2, %add3A_387 : i32
    %dma_start3A_389 = arith.constant 7 : i32
    %dma_start3A_390 = arith.constant 3 : i32
    %dma_start3A_391 = arith.constant 0 : i32
    %dma_start3A_392 = arith.constant 0 : i32
    %dma_start3A_393 = tpu.memref_slice %arg6[%dma_start3A_389, %dma_start3A_391, %dma_start3A_392] : memref<12x64x128xf32, #tpu.memory_space<vmem>> -> memref<1x64x128xf32, #tpu.memory_space<vmem>>
    %dma_start3A_394 = tpu.memref_squeeze %dma_start3A_393 : memref<1x64x128xf32, #tpu.memory_space<vmem>> -> memref<64x128xf32, #tpu.memory_space<vmem>>
    %dma_start3A_395 = arith.constant 0 : i32
    %dma_start3A_396 = tpu.memref_slice %arg4[%dma_start3A_390, %add3A_388, %dma_start3A_395] : memref<50x4096x128xf32, #tpu.memory_space<hbm>> -> memref<1x64x128xf32, #tpu.memory_space<hbm>>
    %dma_start3A_397 = tpu.memref_squeeze %dma_start3A_396 : memref<1x64x128xf32, #tpu.memory_space<hbm>> -> memref<64x128xf32, #tpu.memory_space<hbm>>
    %dma_start3A_398 = arith.constant 0 : i32
    %dma_start3A_399 = tpu.memref_slice %arg4[%dma_start3A_390, %add3A_388, %dma_start3A_398] : memref<50x4096x128xf32, #tpu.memory_space<hbm>> -> memref<1x64x128xf32, #tpu.memory_space<hbm>>
    %dma_start3A_400 = tpu.memref_squeeze %dma_start3A_399 : memref<1x64x128xf32, #tpu.memory_space<hbm>> -> memref<64x128xf32, #tpu.memory_space<hbm>>
    %dma_start3A_401 = arith.constant 0 : i32
    %dma_start3A_402 = arith.constant 0 : i32
    %dma_start3A_403 = tpu.memref_slice %arg6[%dma_start3A_389, %dma_start3A_401, %dma_start3A_402] : memref<12x64x128xf32, #tpu.memory_space<vmem>> -> memref<1x64x128xf32, #tpu.memory_space<vmem>>
    %dma_start3A_404 = tpu.memref_squeeze %dma_start3A_403 : memref<1x64x128xf32, #tpu.memory_space<vmem>> -> memref<64x128xf32, #tpu.memory_space<vmem>>
    tpu.enqueue_dma source(%dma_start3A_404 : memref<64x128xf32, #tpu.memory_space<vmem>>) target(%dma_start3A_400 : memref<64x128xf32, #tpu.memory_space<hbm>>) target_semaphore(%arg26 : memref<!tpu.dma_semaphore, #tpu.memory_space<semaphore_mem>>)
    %dma_wait3A_405 = arith.constant 0 : i32
    %dma_wait3A_406 = arith.constant 8 : i32
    %dma_wait3A_407 = arith.constant 0 : i32
    %dma_wait3A_408 = arith.constant 0 : i32
    %dma_wait3A_409 = tpu.memref_slice %arg6[%dma_wait3A_406, %dma_wait3A_407, %dma_wait3A_408] : memref<12x64x128xf32, #tpu.memory_space<vmem>> -> memref<1x64x128xf32, #tpu.memory_space<vmem>>
    %dma_wait3A_410 = tpu.memref_squeeze %dma_wait3A_409 : memref<1x64x128xf32, #tpu.memory_space<vmem>> -> memref<64x128xf32, #tpu.memory_space<vmem>>
    %dma_wait3A_411 = arith.constant 0 : i32
    %dma_wait3A_412 = tpu.memref_slice %arg5[%dma_wait3A_405, %dma_wait3A_411] : memref<50x128xi32, #tpu.memory_space<vmem>> -> memref<1x64xi32, #tpu.memory_space<vmem>>
    %dma_wait3A_413 = tpu.memref_squeeze %dma_wait3A_412 : memref<1x64xi32, #tpu.memory_space<vmem>> -> memref<64xi32, #tpu.memory_space<vmem>>
    %dma_wait3A_414 = arith.constant 0 : i32
    %dma_wait3A_415 = arith.constant 0 : i32
    %dma_wait3A_416 = tpu.memref_slice %arg2[%dma_wait3A_414, %dma_wait3A_415] : memref<100000x128xf32, #tpu.memory_space<hbm>> -> memref<100000x128xf32, #tpu.memory_space<hbm>>
    tpu.wait_indirect_dma semaphore(%arg15 : memref<!tpu.dma_semaphore, #tpu.memory_space<semaphore_mem>>) src(%dma_wait3A_416 : memref<100000x128xf32, #tpu.memory_space<hbm>>) dst(%dma_wait3A_410 : memref<64x128xf32, #tpu.memory_space<vmem>>)
    %add3A_417 = arith.constant 0 : i32
    %add3A_418 = arith.addi %mul3A_2, %add3A_417 : i32
    %dma_start3A_419 = arith.constant 8 : i32
    %dma_start3A_420 = arith.constant 4 : i32
    %dma_start3A_421 = arith.constant 0 : i32
    %dma_start3A_422 = arith.constant 0 : i32
    %dma_start3A_423 = tpu.memref_slice %arg6[%dma_start3A_419, %dma_start3A_421, %dma_start3A_422] : memref<12x64x128xf32, #tpu.memory_space<vmem>> -> memref<1x64x128xf32, #tpu.memory_space<vmem>>
    %dma_start3A_424 = tpu.memref_squeeze %dma_start3A_423 : memref<1x64x128xf32, #tpu.memory_space<vmem>> -> memref<64x128xf32, #tpu.memory_space<vmem>>
    %dma_start3A_425 = arith.constant 0 : i32
    %dma_start3A_426 = tpu.memref_slice %arg4[%dma_start3A_420, %add3A_418, %dma_start3A_425] : memref<50x4096x128xf32, #tpu.memory_space<hbm>> -> memref<1x64x128xf32, #tpu.memory_space<hbm>>
    %dma_start3A_427 = tpu.memref_squeeze %dma_start3A_426 : memref<1x64x128xf32, #tpu.memory_space<hbm>> -> memref<64x128xf32, #tpu.memory_space<hbm>>
    %dma_start3A_428 = arith.constant 0 : i32
    %dma_start3A_429 = tpu.memref_slice %arg4[%dma_start3A_420, %add3A_418, %dma_start3A_428] : memref<50x4096x128xf32, #tpu.memory_space<hbm>> -> memref<1x64x128xf32, #tpu.memory_space<hbm>>
    %dma_start3A_430 = tpu.memref_squeeze %dma_start3A_429 : memref<1x64x128xf32, #tpu.memory_space<hbm>> -> memref<64x128xf32, #tpu.memory_space<hbm>>
    %dma_start3A_431 = arith.constant 0 : i32
    %dma_start3A_432 = arith.constant 0 : i32
    %dma_start3A_433 = tpu.memref_slice %arg6[%dma_start3A_419, %dma_start3A_431, %dma_start3A_432] : memref<12x64x128xf32, #tpu.memory_space<vmem>> -> memref<1x64x128xf32, #tpu.memory_space<vmem>>
    %dma_start3A_434 = tpu.memref_squeeze %dma_start3A_433 : memref<1x64x128xf32, #tpu.memory_space<vmem>> -> memref<64x128xf32, #tpu.memory_space<vmem>>
    tpu.enqueue_dma source(%dma_start3A_434 : memref<64x128xf32, #tpu.memory_space<vmem>>) target(%dma_start3A_430 : memref<64x128xf32, #tpu.memory_space<hbm>>) target_semaphore(%arg27 : memref<!tpu.dma_semaphore, #tpu.memory_space<semaphore_mem>>)
    %dma_wait3A_435 = arith.constant 0 : i32
    %dma_wait3A_436 = arith.constant 9 : i32
    %dma_wait3A_437 = arith.constant 0 : i32
    %dma_wait3A_438 = arith.constant 0 : i32
    %dma_wait3A_439 = tpu.memref_slice %arg6[%dma_wait3A_436, %dma_wait3A_437, %dma_wait3A_438] : memref<12x64x128xf32, #tpu.memory_space<vmem>> -> memref<1x64x128xf32, #tpu.memory_space<vmem>>
    %dma_wait3A_440 = tpu.memref_squeeze %dma_wait3A_439 : memref<1x64x128xf32, #tpu.memory_space<vmem>> -> memref<64x128xf32, #tpu.memory_space<vmem>>
    %dma_wait3A_441 = arith.constant 0 : i32
    %dma_wait3A_442 = tpu.memref_slice %arg5[%dma_wait3A_435, %dma_wait3A_441] : memref<50x128xi32, #tpu.memory_space<vmem>> -> memref<1x64xi32, #tpu.memory_space<vmem>>
    %dma_wait3A_443 = tpu.memref_squeeze %dma_wait3A_442 : memref<1x64xi32, #tpu.memory_space<vmem>> -> memref<64xi32, #tpu.memory_space<vmem>>
    %dma_wait3A_444 = arith.constant 0 : i32
    %dma_wait3A_445 = arith.constant 0 : i32
    %dma_wait3A_446 = tpu.memref_slice %arg2[%dma_wait3A_444, %dma_wait3A_445] : memref<100000x128xf32, #tpu.memory_space<hbm>> -> memref<100000x128xf32, #tpu.memory_space<hbm>>
    tpu.wait_indirect_dma semaphore(%arg16 : memref<!tpu.dma_semaphore, #tpu.memory_space<semaphore_mem>>) src(%dma_wait3A_446 : memref<100000x128xf32, #tpu.memory_space<hbm>>) dst(%dma_wait3A_440 : memref<64x128xf32, #tpu.memory_space<vmem>>)
    %add3A_447 = arith.constant 64 : i32
    %add3A_448 = arith.addi %mul3A_2, %add3A_447 : i32
    %dma_start3A_449 = arith.constant 9 : i32
    %dma_start3A_450 = arith.constant 4 : i32
    %dma_start3A_451 = arith.constant 0 : i32
    %dma_start3A_452 = arith.constant 0 : i32
    %dma_start3A_453 = tpu.memref_slice %arg6[%dma_start3A_449, %dma_start3A_451, %dma_start3A_452] : memref<12x64x128xf32, #tpu.memory_space<vmem>> -> memref<1x64x128xf32, #tpu.memory_space<vmem>>
    %dma_start3A_454 = tpu.memref_squeeze %dma_start3A_453 : memref<1x64x128xf32, #tpu.memory_space<vmem>> -> memref<64x128xf32, #tpu.memory_space<vmem>>
    %dma_start3A_455 = arith.constant 0 : i32
    %dma_start3A_456 = tpu.memref_slice %arg4[%dma_start3A_450, %add3A_448, %dma_start3A_455] : memref<50x4096x128xf32, #tpu.memory_space<hbm>> -> memref<1x64x128xf32, #tpu.memory_space<hbm>>
    %dma_start3A_457 = tpu.memref_squeeze %dma_start3A_456 : memref<1x64x128xf32, #tpu.memory_space<hbm>> -> memref<64x128xf32, #tpu.memory_space<hbm>>
    %dma_start3A_458 = arith.constant 0 : i32
    %dma_start3A_459 = tpu.memref_slice %arg4[%dma_start3A_450, %add3A_448, %dma_start3A_458] : memref<50x4096x128xf32, #tpu.memory_space<hbm>> -> memref<1x64x128xf32, #tpu.memory_space<hbm>>
    %dma_start3A_460 = tpu.memref_squeeze %dma_start3A_459 : memref<1x64x128xf32, #tpu.memory_space<hbm>> -> memref<64x128xf32, #tpu.memory_space<hbm>>
    %dma_start3A_461 = arith.constant 0 : i32
    %dma_start3A_462 = arith.constant 0 : i32
    %dma_start3A_463 = tpu.memref_slice %arg6[%dma_start3A_449, %dma_start3A_461, %dma_start3A_462] : memref<12x64x128xf32, #tpu.memory_space<vmem>> -> memref<1x64x128xf32, #tpu.memory_space<vmem>>
    %dma_start3A_464 = tpu.memref_squeeze %dma_start3A_463 : memref<1x64x128xf32, #tpu.memory_space<vmem>> -> memref<64x128xf32, #tpu.memory_space<vmem>>
    tpu.enqueue_dma source(%dma_start3A_464 : memref<64x128xf32, #tpu.memory_space<vmem>>) target(%dma_start3A_460 : memref<64x128xf32, #tpu.memory_space<hbm>>) target_semaphore(%arg28 : memref<!tpu.dma_semaphore, #tpu.memory_space<semaphore_mem>>)
    %dma_wait3A_465 = arith.constant 0 : i32
    %dma_wait3A_466 = arith.constant 10 : i32
    %dma_wait3A_467 = arith.constant 0 : i32
    %dma_wait3A_468 = arith.constant 0 : i32
    %dma_wait3A_469 = tpu.memref_slice %arg6[%dma_wait3A_466, %dma_wait3A_467, %dma_wait3A_468] : memref<12x64x128xf32, #tpu.memory_space<vmem>> -> memref<1x64x128xf32, #tpu.memory_space<vmem>>
    %dma_wait3A_470 = tpu.memref_squeeze %dma_wait3A_469 : memref<1x64x128xf32, #tpu.memory_space<vmem>> -> memref<64x128xf32, #tpu.memory_space<vmem>>
    %dma_wait3A_471 = arith.constant 0 : i32
    %dma_wait3A_472 = tpu.memref_slice %arg5[%dma_wait3A_465, %dma_wait3A_471] : memref<50x128xi32, #tpu.memory_space<vmem>> -> memref<1x64xi32, #tpu.memory_space<vmem>>
    %dma_wait3A_473 = tpu.memref_squeeze %dma_wait3A_472 : memref<1x64xi32, #tpu.memory_space<vmem>> -> memref<64xi32, #tpu.memory_space<vmem>>
    %dma_wait3A_474 = arith.constant 0 : i32
    %dma_wait3A_475 = arith.constant 0 : i32
    %dma_wait3A_476 = tpu.memref_slice %arg2[%dma_wait3A_474, %dma_wait3A_475] : memref<100000x128xf32, #tpu.memory_space<hbm>> -> memref<100000x128xf32, #tpu.memory_space<hbm>>
    tpu.wait_indirect_dma semaphore(%arg17 : memref<!tpu.dma_semaphore, #tpu.memory_space<semaphore_mem>>) src(%dma_wait3A_476 : memref<100000x128xf32, #tpu.memory_space<hbm>>) dst(%dma_wait3A_470 : memref<64x128xf32, #tpu.memory_space<vmem>>)
    %add3A_477 = arith.constant 0 : i32
    %add3A_478 = arith.addi %mul3A_2, %add3A_477 : i32
    %dma_start3A_479 = arith.constant 10 : i32
    %dma_start3A_480 = arith.constant 5 : i32
    %dma_start3A_481 = arith.constant 0 : i32
    %dma_start3A_482 = arith.constant 0 : i32
    %dma_start3A_483 = tpu.memref_slice %arg6[%dma_start3A_479, %dma_start3A_481, %dma_start3A_482] : memref<12x64x128xf32, #tpu.memory_space<vmem>> -> memref<1x64x128xf32, #tpu.memory_space<vmem>>
    %dma_start3A_484 = tpu.memref_squeeze %dma_start3A_483 : memref<1x64x128xf32, #tpu.memory_space<vmem>> -> memref<64x128xf32, #tpu.memory_space<vmem>>
    %dma_start3A_485 = arith.constant 0 : i32
    %dma_start3A_486 = tpu.memref_slice %arg4[%dma_start3A_480, %add3A_478, %dma_start3A_485] : memref<50x4096x128xf32, #tpu.memory_space<hbm>> -> memref<1x64x128xf32, #tpu.memory_space<hbm>>
    %dma_start3A_487 = tpu.memref_squeeze %dma_start3A_486 : memref<1x64x128xf32, #tpu.memory_space<hbm>> -> memref<64x128xf32, #tpu.memory_space<hbm>>
    %dma_start3A_488 = arith.constant 0 : i32
    %dma_start3A_489 = tpu.memref_slice %arg4[%dma_start3A_480, %add3A_478, %dma_start3A_488] : memref<50x4096x128xf32, #tpu.memory_space<hbm>> -> memref<1x64x128xf32, #tpu.memory_space<hbm>>
    %dma_start3A_490 = tpu.memref_squeeze %dma_start3A_489 : memref<1x64x128xf32, #tpu.memory_space<hbm>> -> memref<64x128xf32, #tpu.memory_space<hbm>>
    %dma_start3A_491 = arith.constant 0 : i32
    %dma_start3A_492 = arith.constant 0 : i32
    %dma_start3A_493 = tpu.memref_slice %arg6[%dma_start3A_479, %dma_start3A_491, %dma_start3A_492] : memref<12x64x128xf32, #tpu.memory_space<vmem>> -> memref<1x64x128xf32, #tpu.memory_space<vmem>>
    %dma_start3A_494 = tpu.memref_squeeze %dma_start3A_493 : memref<1x64x128xf32, #tpu.memory_space<vmem>> -> memref<64x128xf32, #tpu.memory_space<vmem>>
    tpu.enqueue_dma source(%dma_start3A_494 : memref<64x128xf32, #tpu.memory_space<vmem>>) target(%dma_start3A_490 : memref<64x128xf32, #tpu.memory_space<hbm>>) target_semaphore(%arg29 : memref<!tpu.dma_semaphore, #tpu.memory_space<semaphore_mem>>)
    %dma_wait3A_495 = arith.constant 0 : i32
    %dma_wait3A_496 = arith.constant 11 : i32
    %dma_wait3A_497 = arith.constant 0 : i32
    %dma_wait3A_498 = arith.constant 0 : i32
    %dma_wait3A_499 = tpu.memref_slice %arg6[%dma_wait3A_496, %dma_wait3A_497, %dma_wait3A_498] : memref<12x64x128xf32, #tpu.memory_space<vmem>> -> memref<1x64x128xf32, #tpu.memory_space<vmem>>
    %dma_wait3A_500 = tpu.memref_squeeze %dma_wait3A_499 : memref<1x64x128xf32, #tpu.memory_space<vmem>> -> memref<64x128xf32, #tpu.memory_space<vmem>>
    %dma_wait3A_501 = arith.constant 0 : i32
    %dma_wait3A_502 = tpu.memref_slice %arg5[%dma_wait3A_495, %dma_wait3A_501] : memref<50x128xi32, #tpu.memory_space<vmem>> -> memref<1x64xi32, #tpu.memory_space<vmem>>
    %dma_wait3A_503 = tpu.memref_squeeze %dma_wait3A_502 : memref<1x64xi32, #tpu.memory_space<vmem>> -> memref<64xi32, #tpu.memory_space<vmem>>
    %dma_wait3A_504 = arith.constant 0 : i32
    %dma_wait3A_505 = arith.constant 0 : i32
    %dma_wait3A_506 = tpu.memref_slice %arg2[%dma_wait3A_504, %dma_wait3A_505] : memref<100000x128xf32, #tpu.memory_space<hbm>> -> memref<100000x128xf32, #tpu.memory_space<hbm>>
    tpu.wait_indirect_dma semaphore(%arg18 : memref<!tpu.dma_semaphore, #tpu.memory_space<semaphore_mem>>) src(%dma_wait3A_506 : memref<100000x128xf32, #tpu.memory_space<hbm>>) dst(%dma_wait3A_500 : memref<64x128xf32, #tpu.memory_space<vmem>>)
    %add3A_507 = arith.constant 64 : i32
    %add3A_508 = arith.addi %mul3A_2, %add3A_507 : i32
    %dma_start3A_509 = arith.constant 11 : i32
    %dma_start3A_510 = arith.constant 5 : i32
    %dma_start3A_511 = arith.constant 0 : i32
    %dma_start3A_512 = arith.constant 0 : i32
    %dma_start3A_513 = tpu.memref_slice %arg6[%dma_start3A_509, %dma_start3A_511, %dma_start3A_512] : memref<12x64x128xf32, #tpu.memory_space<vmem>> -> memref<1x64x128xf32, #tpu.memory_space<vmem>>
    %dma_start3A_514 = tpu.memref_squeeze %dma_start3A_513 : memref<1x64x128xf32, #tpu.memory_space<vmem>> -> memref<64x128xf32, #tpu.memory_space<vmem>>
    %dma_start3A_515 = arith.constant 0 : i32
    %dma_start3A_516 = tpu.memref_slice %arg4[%dma_start3A_510, %add3A_508, %dma_start3A_515] : memref<50x4096x128xf32, #tpu.memory_space<hbm>> -> memref<1x64x128xf32, #tpu.memory_space<hbm>>
    %dma_start3A_517 = tpu.memref_squeeze %dma_start3A_516 : memref<1x64x128xf32, #tpu.memory_space<hbm>> -> memref<64x128xf32, #tpu.memory_space<hbm>>
    %dma_start3A_518 = arith.constant 0 : i32
    %dma_start3A_519 = tpu.memref_slice %arg4[%dma_start3A_510, %add3A_508, %dma_start3A_518] : memref<50x4096x128xf32, #tpu.memory_space<hbm>> -> memref<1x64x128xf32, #tpu.memory_space<hbm>>
    %dma_start3A_520 = tpu.memref_squeeze %dma_start3A_519 : memref<1x64x128xf32, #tpu.memory_space<hbm>> -> memref<64x128xf32, #tpu.memory_space<hbm>>
    %dma_start3A_521 = arith.constant 0 : i32
    %dma_start3A_522 = arith.constant 0 : i32
    %dma_start3A_523 = tpu.memref_slice %arg6[%dma_start3A_509, %dma_start3A_521, %dma_start3A_522] : memref<12x64x128xf32, #tpu.memory_space<vmem>> -> memref<1x64x128xf32, #tpu.memory_space<vmem>>
    %dma_start3A_524 = tpu.memref_squeeze %dma_start3A_523 : memref<1x64x128xf32, #tpu.memory_space<vmem>> -> memref<64x128xf32, #tpu.memory_space<vmem>>
    tpu.enqueue_dma source(%dma_start3A_524 : memref<64x128xf32, #tpu.memory_space<vmem>>) target(%dma_start3A_520 : memref<64x128xf32, #tpu.memory_space<hbm>>) target_semaphore(%arg30 : memref<!tpu.dma_semaphore, #tpu.memory_space<semaphore_mem>>)
    %scan3A = arith.constant 0 : i32
    %scan3A_525 = arith.constant 7 : i32
    %scan3A_526 = arith.addi %scan3A, %scan3A_525 : i32
    %scan3A_527 = arith.constant 1 : i32
    scf.for %scan3A_953 = %scan3A to %scan3A_526 step %scan3A_527  : i32 {
      %mul3A_954 = arith.constant 1 : i32
      %mul3A_955 = arith.muli %scan3A_953, %mul3A_954 : i32
      %add3A_956 = arith.constant 1 : i32
      %add3A_957 = arith.addi %add3A_956, %mul3A_955 : i32
      %mul3A_958 = arith.constant 6 : i32
      %mul3A_959 = arith.muli %mul3A_958, %add3A_957 : i32
      %dma_wait3A_960 = arith.constant 0 : i32
      %dma_wait3A_961 = arith.constant 0 : i32
      %dma_wait3A_962 = arith.constant 0 : i32
      %dma_wait3A_963 = arith.constant 0 : i32
      %dma_wait3A_964 = tpu.memref_slice %arg6[%dma_wait3A_960, %dma_wait3A_962, %dma_wait3A_963] : memref<12x64x128xf32, #tpu.memory_space<vmem>> -> memref<1x64x128xf32, #tpu.memory_space<vmem>>
      %dma_wait3A_965 = tpu.memref_squeeze %dma_wait3A_964 : memref<1x64x128xf32, #tpu.memory_space<vmem>> -> memref<64x128xf32, #tpu.memory_space<vmem>>
      %dma_wait3A_966 = arith.constant 0 : i32
      %dma_wait3A_967 = tpu.memref_slice %arg4[%dma_wait3A_961, %mul3A_2, %dma_wait3A_966] : memref<50x4096x128xf32, #tpu.memory_space<hbm>> -> memref<1x64x128xf32, #tpu.memory_space<hbm>>
      %dma_wait3A_968 = tpu.memref_squeeze %dma_wait3A_967 : memref<1x64x128xf32, #tpu.memory_space<hbm>> -> memref<64x128xf32, #tpu.memory_space<hbm>>
      %dma_wait3A_969 = arith.constant 0 : i32
      %dma_wait3A_970 = tpu.memref_slice %arg4[%dma_wait3A_961, %mul3A_2, %dma_wait3A_969] : memref<50x4096x128xf32, #tpu.memory_space<hbm>> -> memref<1x64x128xf32, #tpu.memory_space<hbm>>
      %dma_wait3A_971 = tpu.memref_squeeze %dma_wait3A_970 : memref<1x64x128xf32, #tpu.memory_space<hbm>> -> memref<64x128xf32, #tpu.memory_space<hbm>>
      %dma_wait3A_972 = arith.constant 0 : i32
      %dma_wait3A_973 = arith.constant 0 : i32
      %dma_wait3A_974 = tpu.memref_slice %arg6[%dma_wait3A_960, %dma_wait3A_972, %dma_wait3A_973] : memref<12x64x128xf32, #tpu.memory_space<vmem>> -> memref<1x64x128xf32, #tpu.memory_space<vmem>>
      %dma_wait3A_975 = tpu.memref_squeeze %dma_wait3A_974 : memref<1x64x128xf32, #tpu.memory_space<vmem>> -> memref<64x128xf32, #tpu.memory_space<vmem>>
      tpu.wait_dma2 semaphore(%arg19 : memref<!tpu.dma_semaphore, #tpu.memory_space<semaphore_mem>>) src(%dma_wait3A_975 : memref<64x128xf32, #tpu.memory_space<vmem>>) dst(%dma_wait3A_971 : memref<64x128xf32, #tpu.memory_space<hbm>>)
      %add3A_976 = arith.constant 0 : i32
      %add3A_977 = arith.addi %mul3A_959, %add3A_976 : i32
      %dma_start3A_978 = arith.constant 0 : i32
      %dma_start3A_979 = arith.constant 0 : i32
      %dma_start3A_980 = arith.constant 0 : i32
      %dma_start3A_981 = tpu.memref_slice %arg6[%dma_start3A_978, %dma_start3A_979, %dma_start3A_980] : memref<12x64x128xf32, #tpu.memory_space<vmem>> -> memref<1x64x128xf32, #tpu.memory_space<vmem>>
      %dma_start3A_982 = tpu.memref_squeeze %dma_start3A_981 : memref<1x64x128xf32, #tpu.memory_space<vmem>> -> memref<64x128xf32, #tpu.memory_space<vmem>>
      %dma_start3A_983 = arith.constant 0 : i32
      %dma_start3A_984 = tpu.memref_slice %arg5[%add3A_977, %dma_start3A_983] : memref<50x128xi32, #tpu.memory_space<vmem>> -> memref<1x64xi32, #tpu.memory_space<vmem>>
      %dma_start3A_985 = tpu.memref_squeeze %dma_start3A_984 : memref<1x64xi32, #tpu.memory_space<vmem>> -> memref<64xi32, #tpu.memory_space<vmem>>
      %dma_start3A_986 = arith.constant 0 : i32
      %dma_start3A_987 = arith.constant 0 : i32
      %dma_start3A_988 = tpu.memref_slice %arg2[%dma_start3A_986, %dma_start3A_987] : memref<100000x128xf32, #tpu.memory_space<hbm>> -> memref<100000x128xf32, #tpu.memory_space<hbm>>
      tpu.enqueue_indirect_dma source(%dma_start3A_988 : memref<100000x128xf32, #tpu.memory_space<hbm>>) target(%dma_start3A_982 : memref<64x128xf32, #tpu.memory_space<vmem>>) offsets(%dma_start3A_985 : memref<64xi32, #tpu.memory_space<vmem>>) semaphore(%arg7 : memref<!tpu.dma_semaphore, #tpu.memory_space<semaphore_mem>>)
      %dma_wait3A_989 = arith.constant 1 : i32
      %dma_wait3A_990 = arith.constant 0 : i32
      %dma_wait3A_991 = arith.constant 0 : i32
      %dma_wait3A_992 = arith.constant 0 : i32
      %dma_wait3A_993 = tpu.memref_slice %arg6[%dma_wait3A_989, %dma_wait3A_991, %dma_wait3A_992] : memref<12x64x128xf32, #tpu.memory_space<vmem>> -> memref<1x64x128xf32, #tpu.memory_space<vmem>>
      %dma_wait3A_994 = tpu.memref_squeeze %dma_wait3A_993 : memref<1x64x128xf32, #tpu.memory_space<vmem>> -> memref<64x128xf32, #tpu.memory_space<vmem>>
      %dma_wait3A_995 = arith.constant 0 : i32
      %dma_wait3A_996 = tpu.memref_slice %arg4[%dma_wait3A_990, %mul3A_2, %dma_wait3A_995] : memref<50x4096x128xf32, #tpu.memory_space<hbm>> -> memref<1x64x128xf32, #tpu.memory_space<hbm>>
      %dma_wait3A_997 = tpu.memref_squeeze %dma_wait3A_996 : memref<1x64x128xf32, #tpu.memory_space<hbm>> -> memref<64x128xf32, #tpu.memory_space<hbm>>
      %dma_wait3A_998 = arith.constant 0 : i32
      %dma_wait3A_999 = tpu.memref_slice %arg4[%dma_wait3A_990, %mul3A_2, %dma_wait3A_998] : memref<50x4096x128xf32, #tpu.memory_space<hbm>> -> memref<1x64x128xf32, #tpu.memory_space<hbm>>
      %dma_wait3A_1000 = tpu.memref_squeeze %dma_wait3A_999 : memref<1x64x128xf32, #tpu.memory_space<hbm>> -> memref<64x128xf32, #tpu.memory_space<hbm>>
      %dma_wait3A_1001 = arith.constant 0 : i32
      %dma_wait3A_1002 = arith.constant 0 : i32
      %dma_wait3A_1003 = tpu.memref_slice %arg6[%dma_wait3A_989, %dma_wait3A_1001, %dma_wait3A_1002] : memref<12x64x128xf32, #tpu.memory_space<vmem>> -> memref<1x64x128xf32, #tpu.memory_space<vmem>>
      %dma_wait3A_1004 = tpu.memref_squeeze %dma_wait3A_1003 : memref<1x64x128xf32, #tpu.memory_space<vmem>> -> memref<64x128xf32, #tpu.memory_space<vmem>>
      tpu.wait_dma2 semaphore(%arg20 : memref<!tpu.dma_semaphore, #tpu.memory_space<semaphore_mem>>) src(%dma_wait3A_1004 : memref<64x128xf32, #tpu.memory_space<vmem>>) dst(%dma_wait3A_1000 : memref<64x128xf32, #tpu.memory_space<hbm>>)
      %add3A_1005 = arith.constant 0 : i32
      %add3A_1006 = arith.addi %mul3A_959, %add3A_1005 : i32
      %dma_start3A_1007 = arith.constant 1 : i32
      %dma_start3A_1008 = arith.constant 0 : i32
      %dma_start3A_1009 = arith.constant 0 : i32
      %dma_start3A_1010 = tpu.memref_slice %arg6[%dma_start3A_1007, %dma_start3A_1008, %dma_start3A_1009] : memref<12x64x128xf32, #tpu.memory_space<vmem>> -> memref<1x64x128xf32, #tpu.memory_space<vmem>>
      %dma_start3A_1011 = tpu.memref_squeeze %dma_start3A_1010 : memref<1x64x128xf32, #tpu.memory_space<vmem>> -> memref<64x128xf32, #tpu.memory_space<vmem>>
      %dma_start3A_1012 = arith.constant 64 : i32
      %dma_start3A_1013 = tpu.memref_slice %arg5[%add3A_1006, %dma_start3A_1012] : memref<50x128xi32, #tpu.memory_space<vmem>> -> memref<1x64xi32, #tpu.memory_space<vmem>>
      %dma_start3A_1014 = tpu.memref_squeeze %dma_start3A_1013 : memref<1x64xi32, #tpu.memory_space<vmem>> -> memref<64xi32, #tpu.memory_space<vmem>>
      %dma_start3A_1015 = arith.constant 0 : i32
      %dma_start3A_1016 = arith.constant 0 : i32
      %dma_start3A_1017 = tpu.memref_slice %arg2[%dma_start3A_1015, %dma_start3A_1016] : memref<100000x128xf32, #tpu.memory_space<hbm>> -> memref<100000x128xf32, #tpu.memory_space<hbm>>
      tpu.enqueue_indirect_dma source(%dma_start3A_1017 : memref<100000x128xf32, #tpu.memory_space<hbm>>) target(%dma_start3A_1011 : memref<64x128xf32, #tpu.memory_space<vmem>>) offsets(%dma_start3A_1014 : memref<64xi32, #tpu.memory_space<vmem>>) semaphore(%arg8 : memref<!tpu.dma_semaphore, #tpu.memory_space<semaphore_mem>>)
      %dma_wait3A_1018 = arith.constant 2 : i32
      %dma_wait3A_1019 = arith.constant 0 : i32
      %dma_wait3A_1020 = arith.constant 0 : i32
      %dma_wait3A_1021 = arith.constant 0 : i32
      %dma_wait3A_1022 = tpu.memref_slice %arg6[%dma_wait3A_1018, %dma_wait3A_1020, %dma_wait3A_1021] : memref<12x64x128xf32, #tpu.memory_space<vmem>> -> memref<1x64x128xf32, #tpu.memory_space<vmem>>
      %dma_wait3A_1023 = tpu.memref_squeeze %dma_wait3A_1022 : memref<1x64x128xf32, #tpu.memory_space<vmem>> -> memref<64x128xf32, #tpu.memory_space<vmem>>
      %dma_wait3A_1024 = arith.constant 0 : i32
      %dma_wait3A_1025 = tpu.memref_slice %arg4[%dma_wait3A_1019, %mul3A_2, %dma_wait3A_1024] : memref<50x4096x128xf32, #tpu.memory_space<hbm>> -> memref<1x64x128xf32, #tpu.memory_space<hbm>>
      %dma_wait3A_1026 = tpu.memref_squeeze %dma_wait3A_1025 : memref<1x64x128xf32, #tpu.memory_space<hbm>> -> memref<64x128xf32, #tpu.memory_space<hbm>>
      %dma_wait3A_1027 = arith.constant 0 : i32
      %dma_wait3A_1028 = tpu.memref_slice %arg4[%dma_wait3A_1019, %mul3A_2, %dma_wait3A_1027] : memref<50x4096x128xf32, #tpu.memory_space<hbm>> -> memref<1x64x128xf32, #tpu.memory_space<hbm>>
      %dma_wait3A_1029 = tpu.memref_squeeze %dma_wait3A_1028 : memref<1x64x128xf32, #tpu.memory_space<hbm>> -> memref<64x128xf32, #tpu.memory_space<hbm>>
      %dma_wait3A_1030 = arith.constant 0 : i32
      %dma_wait3A_1031 = arith.constant 0 : i32
      %dma_wait3A_1032 = tpu.memref_slice %arg6[%dma_wait3A_1018, %dma_wait3A_1030, %dma_wait3A_1031] : memref<12x64x128xf32, #tpu.memory_space<vmem>> -> memref<1x64x128xf32, #tpu.memory_space<vmem>>
      %dma_wait3A_1033 = tpu.memref_squeeze %dma_wait3A_1032 : memref<1x64x128xf32, #tpu.memory_space<vmem>> -> memref<64x128xf32, #tpu.memory_space<vmem>>
      tpu.wait_dma2 semaphore(%arg21 : memref<!tpu.dma_semaphore, #tpu.memory_space<semaphore_mem>>) src(%dma_wait3A_1033 : memref<64x128xf32, #tpu.memory_space<vmem>>) dst(%dma_wait3A_1029 : memref<64x128xf32, #tpu.memory_space<hbm>>)
      %add3A_1034 = arith.constant 1 : i32
      %add3A_1035 = arith.addi %mul3A_959, %add3A_1034 : i32
      %dma_start3A_1036 = arith.constant 2 : i32
      %dma_start3A_1037 = arith.constant 0 : i32
      %dma_start3A_1038 = arith.constant 0 : i32
      %dma_start3A_1039 = tpu.memref_slice %arg6[%dma_start3A_1036, %dma_start3A_1037, %dma_start3A_1038] : memref<12x64x128xf32, #tpu.memory_space<vmem>> -> memref<1x64x128xf32, #tpu.memory_space<vmem>>
      %dma_start3A_1040 = tpu.memref_squeeze %dma_start3A_1039 : memref<1x64x128xf32, #tpu.memory_space<vmem>> -> memref<64x128xf32, #tpu.memory_space<vmem>>
      %dma_start3A_1041 = arith.constant 0 : i32
      %dma_start3A_1042 = tpu.memref_slice %arg5[%add3A_1035, %dma_start3A_1041] : memref<50x128xi32, #tpu.memory_space<vmem>> -> memref<1x64xi32, #tpu.memory_space<vmem>>
      %dma_start3A_1043 = tpu.memref_squeeze %dma_start3A_1042 : memref<1x64xi32, #tpu.memory_space<vmem>> -> memref<64xi32, #tpu.memory_space<vmem>>
      %dma_start3A_1044 = arith.constant 0 : i32
      %dma_start3A_1045 = arith.constant 0 : i32
      %dma_start3A_1046 = tpu.memref_slice %arg2[%dma_start3A_1044, %dma_start3A_1045] : memref<100000x128xf32, #tpu.memory_space<hbm>> -> memref<100000x128xf32, #tpu.memory_space<hbm>>
      tpu.enqueue_indirect_dma source(%dma_start3A_1046 : memref<100000x128xf32, #tpu.memory_space<hbm>>) target(%dma_start3A_1040 : memref<64x128xf32, #tpu.memory_space<vmem>>) offsets(%dma_start3A_1043 : memref<64xi32, #tpu.memory_space<vmem>>) semaphore(%arg9 : memref<!tpu.dma_semaphore, #tpu.memory_space<semaphore_mem>>)
      %dma_wait3A_1047 = arith.constant 3 : i32
      %dma_wait3A_1048 = arith.constant 0 : i32
      %dma_wait3A_1049 = arith.constant 0 : i32
      %dma_wait3A_1050 = arith.constant 0 : i32
      %dma_wait3A_1051 = tpu.memref_slice %arg6[%dma_wait3A_1047, %dma_wait3A_1049, %dma_wait3A_1050] : memref<12x64x128xf32, #tpu.memory_space<vmem>> -> memref<1x64x128xf32, #tpu.memory_space<vmem>>
      %dma_wait3A_1052 = tpu.memref_squeeze %dma_wait3A_1051 : memref<1x64x128xf32, #tpu.memory_space<vmem>> -> memref<64x128xf32, #tpu.memory_space<vmem>>
      %dma_wait3A_1053 = arith.constant 0 : i32
      %dma_wait3A_1054 = tpu.memref_slice %arg4[%dma_wait3A_1048, %mul3A_2, %dma_wait3A_1053] : memref<50x4096x128xf32, #tpu.memory_space<hbm>> -> memref<1x64x128xf32, #tpu.memory_space<hbm>>
      %dma_wait3A_1055 = tpu.memref_squeeze %dma_wait3A_1054 : memref<1x64x128xf32, #tpu.memory_space<hbm>> -> memref<64x128xf32, #tpu.memory_space<hbm>>
      %dma_wait3A_1056 = arith.constant 0 : i32
      %dma_wait3A_1057 = tpu.memref_slice %arg4[%dma_wait3A_1048, %mul3A_2, %dma_wait3A_1056] : memref<50x4096x128xf32, #tpu.memory_space<hbm>> -> memref<1x64x128xf32, #tpu.memory_space<hbm>>
      %dma_wait3A_1058 = tpu.memref_squeeze %dma_wait3A_1057 : memref<1x64x128xf32, #tpu.memory_space<hbm>> -> memref<64x128xf32, #tpu.memory_space<hbm>>
      %dma_wait3A_1059 = arith.constant 0 : i32
      %dma_wait3A_1060 = arith.constant 0 : i32
      %dma_wait3A_1061 = tpu.memref_slice %arg6[%dma_wait3A_1047, %dma_wait3A_1059, %dma_wait3A_1060] : memref<12x64x128xf32, #tpu.memory_space<vmem>> -> memref<1x64x128xf32, #tpu.memory_space<vmem>>
      %dma_wait3A_1062 = tpu.memref_squeeze %dma_wait3A_1061 : memref<1x64x128xf32, #tpu.memory_space<vmem>> -> memref<64x128xf32, #tpu.memory_space<vmem>>
      tpu.wait_dma2 semaphore(%arg22 : memref<!tpu.dma_semaphore, #tpu.memory_space<semaphore_mem>>) src(%dma_wait3A_1062 : memref<64x128xf32, #tpu.memory_space<vmem>>) dst(%dma_wait3A_1058 : memref<64x128xf32, #tpu.memory_space<hbm>>)
      %add3A_1063 = arith.constant 1 : i32
      %add3A_1064 = arith.addi %mul3A_959, %add3A_1063 : i32
      %dma_start3A_1065 = arith.constant 3 : i32
      %dma_start3A_1066 = arith.constant 0 : i32
      %dma_start3A_1067 = arith.constant 0 : i32
      %dma_start3A_1068 = tpu.memref_slice %arg6[%dma_start3A_1065, %dma_start3A_1066, %dma_start3A_1067] : memref<12x64x128xf32, #tpu.memory_space<vmem>> -> memref<1x64x128xf32, #tpu.memory_space<vmem>>
      %dma_start3A_1069 = tpu.memref_squeeze %dma_start3A_1068 : memref<1x64x128xf32, #tpu.memory_space<vmem>> -> memref<64x128xf32, #tpu.memory_space<vmem>>
      %dma_start3A_1070 = arith.constant 64 : i32
      %dma_start3A_1071 = tpu.memref_slice %arg5[%add3A_1064, %dma_start3A_1070] : memref<50x128xi32, #tpu.memory_space<vmem>> -> memref<1x64xi32, #tpu.memory_space<vmem>>
      %dma_start3A_1072 = tpu.memref_squeeze %dma_start3A_1071 : memref<1x64xi32, #tpu.memory_space<vmem>> -> memref<64xi32, #tpu.memory_space<vmem>>
      %dma_start3A_1073 = arith.constant 0 : i32
      %dma_start3A_1074 = arith.constant 0 : i32
      %dma_start3A_1075 = tpu.memref_slice %arg2[%dma_start3A_1073, %dma_start3A_1074] : memref<100000x128xf32, #tpu.memory_space<hbm>> -> memref<100000x128xf32, #tpu.memory_space<hbm>>
      tpu.enqueue_indirect_dma source(%dma_start3A_1075 : memref<100000x128xf32, #tpu.memory_space<hbm>>) target(%dma_start3A_1069 : memref<64x128xf32, #tpu.memory_space<vmem>>) offsets(%dma_start3A_1072 : memref<64xi32, #tpu.memory_space<vmem>>) semaphore(%arg10 : memref<!tpu.dma_semaphore, #tpu.memory_space<semaphore_mem>>)
      %dma_wait3A_1076 = arith.constant 4 : i32
      %dma_wait3A_1077 = arith.constant 0 : i32
      %dma_wait3A_1078 = arith.constant 0 : i32
      %dma_wait3A_1079 = arith.constant 0 : i32
      %dma_wait3A_1080 = tpu.memref_slice %arg6[%dma_wait3A_1076, %dma_wait3A_1078, %dma_wait3A_1079] : memref<12x64x128xf32, #tpu.memory_space<vmem>> -> memref<1x64x128xf32, #tpu.memory_space<vmem>>
      %dma_wait3A_1081 = tpu.memref_squeeze %dma_wait3A_1080 : memref<1x64x128xf32, #tpu.memory_space<vmem>> -> memref<64x128xf32, #tpu.memory_space<vmem>>
      %dma_wait3A_1082 = arith.constant 0 : i32
      %dma_wait3A_1083 = tpu.memref_slice %arg4[%dma_wait3A_1077, %mul3A_2, %dma_wait3A_1082] : memref<50x4096x128xf32, #tpu.memory_space<hbm>> -> memref<1x64x128xf32, #tpu.memory_space<hbm>>
      %dma_wait3A_1084 = tpu.memref_squeeze %dma_wait3A_1083 : memref<1x64x128xf32, #tpu.memory_space<hbm>> -> memref<64x128xf32, #tpu.memory_space<hbm>>
      %dma_wait3A_1085 = arith.constant 0 : i32
      %dma_wait3A_1086 = tpu.memref_slice %arg4[%dma_wait3A_1077, %mul3A_2, %dma_wait3A_1085] : memref<50x4096x128xf32, #tpu.memory_space<hbm>> -> memref<1x64x128xf32, #tpu.memory_space<hbm>>
      %dma_wait3A_1087 = tpu.memref_squeeze %dma_wait3A_1086 : memref<1x64x128xf32, #tpu.memory_space<hbm>> -> memref<64x128xf32, #tpu.memory_space<hbm>>
      %dma_wait3A_1088 = arith.constant 0 : i32
      %dma_wait3A_1089 = arith.constant 0 : i32
      %dma_wait3A_1090 = tpu.memref_slice %arg6[%dma_wait3A_1076, %dma_wait3A_1088, %dma_wait3A_1089] : memref<12x64x128xf32, #tpu.memory_space<vmem>> -> memref<1x64x128xf32, #tpu.memory_space<vmem>>
      %dma_wait3A_1091 = tpu.memref_squeeze %dma_wait3A_1090 : memref<1x64x128xf32, #tpu.memory_space<vmem>> -> memref<64x128xf32, #tpu.memory_space<vmem>>
      tpu.wait_dma2 semaphore(%arg23 : memref<!tpu.dma_semaphore, #tpu.memory_space<semaphore_mem>>) src(%dma_wait3A_1091 : memref<64x128xf32, #tpu.memory_space<vmem>>) dst(%dma_wait3A_1087 : memref<64x128xf32, #tpu.memory_space<hbm>>)
      %add3A_1092 = arith.constant 2 : i32
      %add3A_1093 = arith.addi %mul3A_959, %add3A_1092 : i32
      %dma_start3A_1094 = arith.constant 4 : i32
      %dma_start3A_1095 = arith.constant 0 : i32
      %dma_start3A_1096 = arith.constant 0 : i32
      %dma_start3A_1097 = tpu.memref_slice %arg6[%dma_start3A_1094, %dma_start3A_1095, %dma_start3A_1096] : memref<12x64x128xf32, #tpu.memory_space<vmem>> -> memref<1x64x128xf32, #tpu.memory_space<vmem>>
      %dma_start3A_1098 = tpu.memref_squeeze %dma_start3A_1097 : memref<1x64x128xf32, #tpu.memory_space<vmem>> -> memref<64x128xf32, #tpu.memory_space<vmem>>
      %dma_start3A_1099 = arith.constant 0 : i32
      %dma_start3A_1100 = tpu.memref_slice %arg5[%add3A_1093, %dma_start3A_1099] : memref<50x128xi32, #tpu.memory_space<vmem>> -> memref<1x64xi32, #tpu.memory_space<vmem>>
      %dma_start3A_1101 = tpu.memref_squeeze %dma_start3A_1100 : memref<1x64xi32, #tpu.memory_space<vmem>> -> memref<64xi32, #tpu.memory_space<vmem>>
      %dma_start3A_1102 = arith.constant 0 : i32
      %dma_start3A_1103 = arith.constant 0 : i32
      %dma_start3A_1104 = tpu.memref_slice %arg2[%dma_start3A_1102, %dma_start3A_1103] : memref<100000x128xf32, #tpu.memory_space<hbm>> -> memref<100000x128xf32, #tpu.memory_space<hbm>>
      tpu.enqueue_indirect_dma source(%dma_start3A_1104 : memref<100000x128xf32, #tpu.memory_space<hbm>>) target(%dma_start3A_1098 : memref<64x128xf32, #tpu.memory_space<vmem>>) offsets(%dma_start3A_1101 : memref<64xi32, #tpu.memory_space<vmem>>) semaphore(%arg11 : memref<!tpu.dma_semaphore, #tpu.memory_space<semaphore_mem>>)
      %dma_wait3A_1105 = arith.constant 5 : i32
      %dma_wait3A_1106 = arith.constant 0 : i32
      %dma_wait3A_1107 = arith.constant 0 : i32
      %dma_wait3A_1108 = arith.constant 0 : i32
      %dma_wait3A_1109 = tpu.memref_slice %arg6[%dma_wait3A_1105, %dma_wait3A_1107, %dma_wait3A_1108] : memref<12x64x128xf32, #tpu.memory_space<vmem>> -> memref<1x64x128xf32, #tpu.memory_space<vmem>>
      %dma_wait3A_1110 = tpu.memref_squeeze %dma_wait3A_1109 : memref<1x64x128xf32, #tpu.memory_space<vmem>> -> memref<64x128xf32, #tpu.memory_space<vmem>>
      %dma_wait3A_1111 = arith.constant 0 : i32
      %dma_wait3A_1112 = tpu.memref_slice %arg4[%dma_wait3A_1106, %mul3A_2, %dma_wait3A_1111] : memref<50x4096x128xf32, #tpu.memory_space<hbm>> -> memref<1x64x128xf32, #tpu.memory_space<hbm>>
      %dma_wait3A_1113 = tpu.memref_squeeze %dma_wait3A_1112 : memref<1x64x128xf32, #tpu.memory_space<hbm>> -> memref<64x128xf32, #tpu.memory_space<hbm>>
      %dma_wait3A_1114 = arith.constant 0 : i32
      %dma_wait3A_1115 = tpu.memref_slice %arg4[%dma_wait3A_1106, %mul3A_2, %dma_wait3A_1114] : memref<50x4096x128xf32, #tpu.memory_space<hbm>> -> memref<1x64x128xf32, #tpu.memory_space<hbm>>
      %dma_wait3A_1116 = tpu.memref_squeeze %dma_wait3A_1115 : memref<1x64x128xf32, #tpu.memory_space<hbm>> -> memref<64x128xf32, #tpu.memory_space<hbm>>
      %dma_wait3A_1117 = arith.constant 0 : i32
      %dma_wait3A_1118 = arith.constant 0 : i32
      %dma_wait3A_1119 = tpu.memref_slice %arg6[%dma_wait3A_1105, %dma_wait3A_1117, %dma_wait3A_1118] : memref<12x64x128xf32, #tpu.memory_space<vmem>> -> memref<1x64x128xf32, #tpu.memory_space<vmem>>
      %dma_wait3A_1120 = tpu.memref_squeeze %dma_wait3A_1119 : memref<1x64x128xf32, #tpu.memory_space<vmem>> -> memref<64x128xf32, #tpu.memory_space<vmem>>
      tpu.wait_dma2 semaphore(%arg24 : memref<!tpu.dma_semaphore, #tpu.memory_space<semaphore_mem>>) src(%dma_wait3A_1120 : memref<64x128xf32, #tpu.memory_space<vmem>>) dst(%dma_wait3A_1116 : memref<64x128xf32, #tpu.memory_space<hbm>>)
      %add3A_1121 = arith.constant 2 : i32
      %add3A_1122 = arith.addi %mul3A_959, %add3A_1121 : i32
      %dma_start3A_1123 = arith.constant 5 : i32
      %dma_start3A_1124 = arith.constant 0 : i32
      %dma_start3A_1125 = arith.constant 0 : i32
      %dma_start3A_1126 = tpu.memref_slice %arg6[%dma_start3A_1123, %dma_start3A_1124, %dma_start3A_1125] : memref<12x64x128xf32, #tpu.memory_space<vmem>> -> memref<1x64x128xf32, #tpu.memory_space<vmem>>
      %dma_start3A_1127 = tpu.memref_squeeze %dma_start3A_1126 : memref<1x64x128xf32, #tpu.memory_space<vmem>> -> memref<64x128xf32, #tpu.memory_space<vmem>>
      %dma_start3A_1128 = arith.constant 64 : i32
      %dma_start3A_1129 = tpu.memref_slice %arg5[%add3A_1122, %dma_start3A_1128] : memref<50x128xi32, #tpu.memory_space<vmem>> -> memref<1x64xi32, #tpu.memory_space<vmem>>
      %dma_start3A_1130 = tpu.memref_squeeze %dma_start3A_1129 : memref<1x64xi32, #tpu.memory_space<vmem>> -> memref<64xi32, #tpu.memory_space<vmem>>
      %dma_start3A_1131 = arith.constant 0 : i32
      %dma_start3A_1132 = arith.constant 0 : i32
      %dma_start3A_1133 = tpu.memref_slice %arg2[%dma_start3A_1131, %dma_start3A_1132] : memref<100000x128xf32, #tpu.memory_space<hbm>> -> memref<100000x128xf32, #tpu.memory_space<hbm>>
      tpu.enqueue_indirect_dma source(%dma_start3A_1133 : memref<100000x128xf32, #tpu.memory_space<hbm>>) target(%dma_start3A_1127 : memref<64x128xf32, #tpu.memory_space<vmem>>) offsets(%dma_start3A_1130 : memref<64xi32, #tpu.memory_space<vmem>>) semaphore(%arg12 : memref<!tpu.dma_semaphore, #tpu.memory_space<semaphore_mem>>)
      %dma_wait3A_1134 = arith.constant 6 : i32
      %dma_wait3A_1135 = arith.constant 0 : i32
      %dma_wait3A_1136 = arith.constant 0 : i32
      %dma_wait3A_1137 = arith.constant 0 : i32
      %dma_wait3A_1138 = tpu.memref_slice %arg6[%dma_wait3A_1134, %dma_wait3A_1136, %dma_wait3A_1137] : memref<12x64x128xf32, #tpu.memory_space<vmem>> -> memref<1x64x128xf32, #tpu.memory_space<vmem>>
      %dma_wait3A_1139 = tpu.memref_squeeze %dma_wait3A_1138 : memref<1x64x128xf32, #tpu.memory_space<vmem>> -> memref<64x128xf32, #tpu.memory_space<vmem>>
      %dma_wait3A_1140 = arith.constant 0 : i32
      %dma_wait3A_1141 = tpu.memref_slice %arg4[%dma_wait3A_1135, %mul3A_2, %dma_wait3A_1140] : memref<50x4096x128xf32, #tpu.memory_space<hbm>> -> memref<1x64x128xf32, #tpu.memory_space<hbm>>
      %dma_wait3A_1142 = tpu.memref_squeeze %dma_wait3A_1141 : memref<1x64x128xf32, #tpu.memory_space<hbm>> -> memref<64x128xf32, #tpu.memory_space<hbm>>
      %dma_wait3A_1143 = arith.constant 0 : i32
      %dma_wait3A_1144 = tpu.memref_slice %arg4[%dma_wait3A_1135, %mul3A_2, %dma_wait3A_1143] : memref<50x4096x128xf32, #tpu.memory_space<hbm>> -> memref<1x64x128xf32, #tpu.memory_space<hbm>>
      %dma_wait3A_1145 = tpu.memref_squeeze %dma_wait3A_1144 : memref<1x64x128xf32, #tpu.memory_space<hbm>> -> memref<64x128xf32, #tpu.memory_space<hbm>>
      %dma_wait3A_1146 = arith.constant 0 : i32
      %dma_wait3A_1147 = arith.constant 0 : i32
      %dma_wait3A_1148 = tpu.memref_slice %arg6[%dma_wait3A_1134, %dma_wait3A_1146, %dma_wait3A_1147] : memref<12x64x128xf32, #tpu.memory_space<vmem>> -> memref<1x64x128xf32, #tpu.memory_space<vmem>>
      %dma_wait3A_1149 = tpu.memref_squeeze %dma_wait3A_1148 : memref<1x64x128xf32, #tpu.memory_space<vmem>> -> memref<64x128xf32, #tpu.memory_space<vmem>>
      tpu.wait_dma2 semaphore(%arg25 : memref<!tpu.dma_semaphore, #tpu.memory_space<semaphore_mem>>) src(%dma_wait3A_1149 : memref<64x128xf32, #tpu.memory_space<vmem>>) dst(%dma_wait3A_1145 : memref<64x128xf32, #tpu.memory_space<hbm>>)
      %add3A_1150 = arith.constant 3 : i32
      %add3A_1151 = arith.addi %mul3A_959, %add3A_1150 : i32
      %dma_start3A_1152 = arith.constant 6 : i32
      %dma_start3A_1153 = arith.constant 0 : i32
      %dma_start3A_1154 = arith.constant 0 : i32
      %dma_start3A_1155 = tpu.memref_slice %arg6[%dma_start3A_1152, %dma_start3A_1153, %dma_start3A_1154] : memref<12x64x128xf32, #tpu.memory_space<vmem>> -> memref<1x64x128xf32, #tpu.memory_space<vmem>>
      %dma_start3A_1156 = tpu.memref_squeeze %dma_start3A_1155 : memref<1x64x128xf32, #tpu.memory_space<vmem>> -> memref<64x128xf32, #tpu.memory_space<vmem>>
      %dma_start3A_1157 = arith.constant 0 : i32
      %dma_start3A_1158 = tpu.memref_slice %arg5[%add3A_1151, %dma_start3A_1157] : memref<50x128xi32, #tpu.memory_space<vmem>> -> memref<1x64xi32, #tpu.memory_space<vmem>>
      %dma_start3A_1159 = tpu.memref_squeeze %dma_start3A_1158 : memref<1x64xi32, #tpu.memory_space<vmem>> -> memref<64xi32, #tpu.memory_space<vmem>>
      %dma_start3A_1160 = arith.constant 0 : i32
      %dma_start3A_1161 = arith.constant 0 : i32
      %dma_start3A_1162 = tpu.memref_slice %arg2[%dma_start3A_1160, %dma_start3A_1161] : memref<100000x128xf32, #tpu.memory_space<hbm>> -> memref<100000x128xf32, #tpu.memory_space<hbm>>
      tpu.enqueue_indirect_dma source(%dma_start3A_1162 : memref<100000x128xf32, #tpu.memory_space<hbm>>) target(%dma_start3A_1156 : memref<64x128xf32, #tpu.memory_space<vmem>>) offsets(%dma_start3A_1159 : memref<64xi32, #tpu.memory_space<vmem>>) semaphore(%arg13 : memref<!tpu.dma_semaphore, #tpu.memory_space<semaphore_mem>>)
      %dma_wait3A_1163 = arith.constant 7 : i32
      %dma_wait3A_1164 = arith.constant 0 : i32
      %dma_wait3A_1165 = arith.constant 0 : i32
      %dma_wait3A_1166 = arith.constant 0 : i32
      %dma_wait3A_1167 = tpu.memref_slice %arg6[%dma_wait3A_1163, %dma_wait3A_1165, %dma_wait3A_1166] : memref<12x64x128xf32, #tpu.memory_space<vmem>> -> memref<1x64x128xf32, #tpu.memory_space<vmem>>
      %dma_wait3A_1168 = tpu.memref_squeeze %dma_wait3A_1167 : memref<1x64x128xf32, #tpu.memory_space<vmem>> -> memref<64x128xf32, #tpu.memory_space<vmem>>
      %dma_wait3A_1169 = arith.constant 0 : i32
      %dma_wait3A_1170 = tpu.memref_slice %arg4[%dma_wait3A_1164, %mul3A_2, %dma_wait3A_1169] : memref<50x4096x128xf32, #tpu.memory_space<hbm>> -> memref<1x64x128xf32, #tpu.memory_space<hbm>>
      %dma_wait3A_1171 = tpu.memref_squeeze %dma_wait3A_1170 : memref<1x64x128xf32, #tpu.memory_space<hbm>> -> memref<64x128xf32, #tpu.memory_space<hbm>>
      %dma_wait3A_1172 = arith.constant 0 : i32
      %dma_wait3A_1173 = tpu.memref_slice %arg4[%dma_wait3A_1164, %mul3A_2, %dma_wait3A_1172] : memref<50x4096x128xf32, #tpu.memory_space<hbm>> -> memref<1x64x128xf32, #tpu.memory_space<hbm>>
      %dma_wait3A_1174 = tpu.memref_squeeze %dma_wait3A_1173 : memref<1x64x128xf32, #tpu.memory_space<hbm>> -> memref<64x128xf32, #tpu.memory_space<hbm>>
      %dma_wait3A_1175 = arith.constant 0 : i32
      %dma_wait3A_1176 = arith.constant 0 : i32
      %dma_wait3A_1177 = tpu.memref_slice %arg6[%dma_wait3A_1163, %dma_wait3A_1175, %dma_wait3A_1176] : memref<12x64x128xf32, #tpu.memory_space<vmem>> -> memref<1x64x128xf32, #tpu.memory_space<vmem>>
      %dma_wait3A_1178 = tpu.memref_squeeze %dma_wait3A_1177 : memref<1x64x128xf32, #tpu.memory_space<vmem>> -> memref<64x128xf32, #tpu.memory_space<vmem>>
      tpu.wait_dma2 semaphore(%arg26 : memref<!tpu.dma_semaphore, #tpu.memory_space<semaphore_mem>>) src(%dma_wait3A_1178 : memref<64x128xf32, #tpu.memory_space<vmem>>) dst(%dma_wait3A_1174 : memref<64x128xf32, #tpu.memory_space<hbm>>)
      %add3A_1179 = arith.constant 3 : i32
      %add3A_1180 = arith.addi %mul3A_959, %add3A_1179 : i32
      %dma_start3A_1181 = arith.constant 7 : i32
      %dma_start3A_1182 = arith.constant 0 : i32
      %dma_start3A_1183 = arith.constant 0 : i32
      %dma_start3A_1184 = tpu.memref_slice %arg6[%dma_start3A_1181, %dma_start3A_1182, %dma_start3A_1183] : memref<12x64x128xf32, #tpu.memory_space<vmem>> -> memref<1x64x128xf32, #tpu.memory_space<vmem>>
      %dma_start3A_1185 = tpu.memref_squeeze %dma_start3A_1184 : memref<1x64x128xf32, #tpu.memory_space<vmem>> -> memref<64x128xf32, #tpu.memory_space<vmem>>
      %dma_start3A_1186 = arith.constant 64 : i32
      %dma_start3A_1187 = tpu.memref_slice %arg5[%add3A_1180, %dma_start3A_1186] : memref<50x128xi32, #tpu.memory_space<vmem>> -> memref<1x64xi32, #tpu.memory_space<vmem>>
      %dma_start3A_1188 = tpu.memref_squeeze %dma_start3A_1187 : memref<1x64xi32, #tpu.memory_space<vmem>> -> memref<64xi32, #tpu.memory_space<vmem>>
      %dma_start3A_1189 = arith.constant 0 : i32
      %dma_start3A_1190 = arith.constant 0 : i32
      %dma_start3A_1191 = tpu.memref_slice %arg2[%dma_start3A_1189, %dma_start3A_1190] : memref<100000x128xf32, #tpu.memory_space<hbm>> -> memref<100000x128xf32, #tpu.memory_space<hbm>>
      tpu.enqueue_indirect_dma source(%dma_start3A_1191 : memref<100000x128xf32, #tpu.memory_space<hbm>>) target(%dma_start3A_1185 : memref<64x128xf32, #tpu.memory_space<vmem>>) offsets(%dma_start3A_1188 : memref<64xi32, #tpu.memory_space<vmem>>) semaphore(%arg14 : memref<!tpu.dma_semaphore, #tpu.memory_space<semaphore_mem>>)
      %dma_wait3A_1192 = arith.constant 8 : i32
      %dma_wait3A_1193 = arith.constant 0 : i32
      %dma_wait3A_1194 = arith.constant 0 : i32
      %dma_wait3A_1195 = arith.constant 0 : i32
      %dma_wait3A_1196 = tpu.memref_slice %arg6[%dma_wait3A_1192, %dma_wait3A_1194, %dma_wait3A_1195] : memref<12x64x128xf32, #tpu.memory_space<vmem>> -> memref<1x64x128xf32, #tpu.memory_space<vmem>>
      %dma_wait3A_1197 = tpu.memref_squeeze %dma_wait3A_1196 : memref<1x64x128xf32, #tpu.memory_space<vmem>> -> memref<64x128xf32, #tpu.memory_space<vmem>>
      %dma_wait3A_1198 = arith.constant 0 : i32
      %dma_wait3A_1199 = tpu.memref_slice %arg4[%dma_wait3A_1193, %mul3A_2, %dma_wait3A_1198] : memref<50x4096x128xf32, #tpu.memory_space<hbm>> -> memref<1x64x128xf32, #tpu.memory_space<hbm>>
      %dma_wait3A_1200 = tpu.memref_squeeze %dma_wait3A_1199 : memref<1x64x128xf32, #tpu.memory_space<hbm>> -> memref<64x128xf32, #tpu.memory_space<hbm>>
      %dma_wait3A_1201 = arith.constant 0 : i32
      %dma_wait3A_1202 = tpu.memref_slice %arg4[%dma_wait3A_1193, %mul3A_2, %dma_wait3A_1201] : memref<50x4096x128xf32, #tpu.memory_space<hbm>> -> memref<1x64x128xf32, #tpu.memory_space<hbm>>
      %dma_wait3A_1203 = tpu.memref_squeeze %dma_wait3A_1202 : memref<1x64x128xf32, #tpu.memory_space<hbm>> -> memref<64x128xf32, #tpu.memory_space<hbm>>
      %dma_wait3A_1204 = arith.constant 0 : i32
      %dma_wait3A_1205 = arith.constant 0 : i32
      %dma_wait3A_1206 = tpu.memref_slice %arg6[%dma_wait3A_1192, %dma_wait3A_1204, %dma_wait3A_1205] : memref<12x64x128xf32, #tpu.memory_space<vmem>> -> memref<1x64x128xf32, #tpu.memory_space<vmem>>
      %dma_wait3A_1207 = tpu.memref_squeeze %dma_wait3A_1206 : memref<1x64x128xf32, #tpu.memory_space<vmem>> -> memref<64x128xf32, #tpu.memory_space<vmem>>
      tpu.wait_dma2 semaphore(%arg27 : memref<!tpu.dma_semaphore, #tpu.memory_space<semaphore_mem>>) src(%dma_wait3A_1207 : memref<64x128xf32, #tpu.memory_space<vmem>>) dst(%dma_wait3A_1203 : memref<64x128xf32, #tpu.memory_space<hbm>>)
      %add3A_1208 = arith.constant 4 : i32
      %add3A_1209 = arith.addi %mul3A_959, %add3A_1208 : i32
      %dma_start3A_1210 = arith.constant 8 : i32
      %dma_start3A_1211 = arith.constant 0 : i32
      %dma_start3A_1212 = arith.constant 0 : i32
      %dma_start3A_1213 = tpu.memref_slice %arg6[%dma_start3A_1210, %dma_start3A_1211, %dma_start3A_1212] : memref<12x64x128xf32, #tpu.memory_space<vmem>> -> memref<1x64x128xf32, #tpu.memory_space<vmem>>
      %dma_start3A_1214 = tpu.memref_squeeze %dma_start3A_1213 : memref<1x64x128xf32, #tpu.memory_space<vmem>> -> memref<64x128xf32, #tpu.memory_space<vmem>>
      %dma_start3A_1215 = arith.constant 0 : i32
      %dma_start3A_1216 = tpu.memref_slice %arg5[%add3A_1209, %dma_start3A_1215] : memref<50x128xi32, #tpu.memory_space<vmem>> -> memref<1x64xi32, #tpu.memory_space<vmem>>
      %dma_start3A_1217 = tpu.memref_squeeze %dma_start3A_1216 : memref<1x64xi32, #tpu.memory_space<vmem>> -> memref<64xi32, #tpu.memory_space<vmem>>
      %dma_start3A_1218 = arith.constant 0 : i32
      %dma_start3A_1219 = arith.constant 0 : i32
      %dma_start3A_1220 = tpu.memref_slice %arg2[%dma_start3A_1218, %dma_start3A_1219] : memref<100000x128xf32, #tpu.memory_space<hbm>> -> memref<100000x128xf32, #tpu.memory_space<hbm>>
      tpu.enqueue_indirect_dma source(%dma_start3A_1220 : memref<100000x128xf32, #tpu.memory_space<hbm>>) target(%dma_start3A_1214 : memref<64x128xf32, #tpu.memory_space<vmem>>) offsets(%dma_start3A_1217 : memref<64xi32, #tpu.memory_space<vmem>>) semaphore(%arg15 : memref<!tpu.dma_semaphore, #tpu.memory_space<semaphore_mem>>)
      %dma_wait3A_1221 = arith.constant 9 : i32
      %dma_wait3A_1222 = arith.constant 0 : i32
      %dma_wait3A_1223 = arith.constant 0 : i32
      %dma_wait3A_1224 = arith.constant 0 : i32
      %dma_wait3A_1225 = tpu.memref_slice %arg6[%dma_wait3A_1221, %dma_wait3A_1223, %dma_wait3A_1224] : memref<12x64x128xf32, #tpu.memory_space<vmem>> -> memref<1x64x128xf32, #tpu.memory_space<vmem>>
      %dma_wait3A_1226 = tpu.memref_squeeze %dma_wait3A_1225 : memref<1x64x128xf32, #tpu.memory_space<vmem>> -> memref<64x128xf32, #tpu.memory_space<vmem>>
      %dma_wait3A_1227 = arith.constant 0 : i32
      %dma_wait3A_1228 = tpu.memref_slice %arg4[%dma_wait3A_1222, %mul3A_2, %dma_wait3A_1227] : memref<50x4096x128xf32, #tpu.memory_space<hbm>> -> memref<1x64x128xf32, #tpu.memory_space<hbm>>
      %dma_wait3A_1229 = tpu.memref_squeeze %dma_wait3A_1228 : memref<1x64x128xf32, #tpu.memory_space<hbm>> -> memref<64x128xf32, #tpu.memory_space<hbm>>
      %dma_wait3A_1230 = arith.constant 0 : i32
      %dma_wait3A_1231 = tpu.memref_slice %arg4[%dma_wait3A_1222, %mul3A_2, %dma_wait3A_1230] : memref<50x4096x128xf32, #tpu.memory_space<hbm>> -> memref<1x64x128xf32, #tpu.memory_space<hbm>>
      %dma_wait3A_1232 = tpu.memref_squeeze %dma_wait3A_1231 : memref<1x64x128xf32, #tpu.memory_space<hbm>> -> memref<64x128xf32, #tpu.memory_space<hbm>>
      %dma_wait3A_1233 = arith.constant 0 : i32
      %dma_wait3A_1234 = arith.constant 0 : i32
      %dma_wait3A_1235 = tpu.memref_slice %arg6[%dma_wait3A_1221, %dma_wait3A_1233, %dma_wait3A_1234] : memref<12x64x128xf32, #tpu.memory_space<vmem>> -> memref<1x64x128xf32, #tpu.memory_space<vmem>>
      %dma_wait3A_1236 = tpu.memref_squeeze %dma_wait3A_1235 : memref<1x64x128xf32, #tpu.memory_space<vmem>> -> memref<64x128xf32, #tpu.memory_space<vmem>>
      tpu.wait_dma2 semaphore(%arg28 : memref<!tpu.dma_semaphore, #tpu.memory_space<semaphore_mem>>) src(%dma_wait3A_1236 : memref<64x128xf32, #tpu.memory_space<vmem>>) dst(%dma_wait3A_1232 : memref<64x128xf32, #tpu.memory_space<hbm>>)
      %add3A_1237 = arith.constant 4 : i32
      %add3A_1238 = arith.addi %mul3A_959, %add3A_1237 : i32
      %dma_start3A_1239 = arith.constant 9 : i32
      %dma_start3A_1240 = arith.constant 0 : i32
      %dma_start3A_1241 = arith.constant 0 : i32
      %dma_start3A_1242 = tpu.memref_slice %arg6[%dma_start3A_1239, %dma_start3A_1240, %dma_start3A_1241] : memref<12x64x128xf32, #tpu.memory_space<vmem>> -> memref<1x64x128xf32, #tpu.memory_space<vmem>>
      %dma_start3A_1243 = tpu.memref_squeeze %dma_start3A_1242 : memref<1x64x128xf32, #tpu.memory_space<vmem>> -> memref<64x128xf32, #tpu.memory_space<vmem>>
      %dma_start3A_1244 = arith.constant 64 : i32
      %dma_start3A_1245 = tpu.memref_slice %arg5[%add3A_1238, %dma_start3A_1244] : memref<50x128xi32, #tpu.memory_space<vmem>> -> memref<1x64xi32, #tpu.memory_space<vmem>>
      %dma_start3A_1246 = tpu.memref_squeeze %dma_start3A_1245 : memref<1x64xi32, #tpu.memory_space<vmem>> -> memref<64xi32, #tpu.memory_space<vmem>>
      %dma_start3A_1247 = arith.constant 0 : i32
      %dma_start3A_1248 = arith.constant 0 : i32
      %dma_start3A_1249 = tpu.memref_slice %arg2[%dma_start3A_1247, %dma_start3A_1248] : memref<100000x128xf32, #tpu.memory_space<hbm>> -> memref<100000x128xf32, #tpu.memory_space<hbm>>
      tpu.enqueue_indirect_dma source(%dma_start3A_1249 : memref<100000x128xf32, #tpu.memory_space<hbm>>) target(%dma_start3A_1243 : memref<64x128xf32, #tpu.memory_space<vmem>>) offsets(%dma_start3A_1246 : memref<64xi32, #tpu.memory_space<vmem>>) semaphore(%arg16 : memref<!tpu.dma_semaphore, #tpu.memory_space<semaphore_mem>>)
      %dma_wait3A_1250 = arith.constant 10 : i32
      %dma_wait3A_1251 = arith.constant 0 : i32
      %dma_wait3A_1252 = arith.constant 0 : i32
      %dma_wait3A_1253 = arith.constant 0 : i32
      %dma_wait3A_1254 = tpu.memref_slice %arg6[%dma_wait3A_1250, %dma_wait3A_1252, %dma_wait3A_1253] : memref<12x64x128xf32, #tpu.memory_space<vmem>> -> memref<1x64x128xf32, #tpu.memory_space<vmem>>
      %dma_wait3A_1255 = tpu.memref_squeeze %dma_wait3A_1254 : memref<1x64x128xf32, #tpu.memory_space<vmem>> -> memref<64x128xf32, #tpu.memory_space<vmem>>
      %dma_wait3A_1256 = arith.constant 0 : i32
      %dma_wait3A_1257 = tpu.memref_slice %arg4[%dma_wait3A_1251, %mul3A_2, %dma_wait3A_1256] : memref<50x4096x128xf32, #tpu.memory_space<hbm>> -> memref<1x64x128xf32, #tpu.memory_space<hbm>>
      %dma_wait3A_1258 = tpu.memref_squeeze %dma_wait3A_1257 : memref<1x64x128xf32, #tpu.memory_space<hbm>> -> memref<64x128xf32, #tpu.memory_space<hbm>>
      %dma_wait3A_1259 = arith.constant 0 : i32
      %dma_wait3A_1260 = tpu.memref_slice %arg4[%dma_wait3A_1251, %mul3A_2, %dma_wait3A_1259] : memref<50x4096x128xf32, #tpu.memory_space<hbm>> -> memref<1x64x128xf32, #tpu.memory_space<hbm>>
      %dma_wait3A_1261 = tpu.memref_squeeze %dma_wait3A_1260 : memref<1x64x128xf32, #tpu.memory_space<hbm>> -> memref<64x128xf32, #tpu.memory_space<hbm>>
      %dma_wait3A_1262 = arith.constant 0 : i32
      %dma_wait3A_1263 = arith.constant 0 : i32
      %dma_wait3A_1264 = tpu.memref_slice %arg6[%dma_wait3A_1250, %dma_wait3A_1262, %dma_wait3A_1263] : memref<12x64x128xf32, #tpu.memory_space<vmem>> -> memref<1x64x128xf32, #tpu.memory_space<vmem>>
      %dma_wait3A_1265 = tpu.memref_squeeze %dma_wait3A_1264 : memref<1x64x128xf32, #tpu.memory_space<vmem>> -> memref<64x128xf32, #tpu.memory_space<vmem>>
      tpu.wait_dma2 semaphore(%arg29 : memref<!tpu.dma_semaphore, #tpu.memory_space<semaphore_mem>>) src(%dma_wait3A_1265 : memref<64x128xf32, #tpu.memory_space<vmem>>) dst(%dma_wait3A_1261 : memref<64x128xf32, #tpu.memory_space<hbm>>)
      %add3A_1266 = arith.constant 5 : i32
      %add3A_1267 = arith.addi %mul3A_959, %add3A_1266 : i32
      %dma_start3A_1268 = arith.constant 10 : i32
      %dma_start3A_1269 = arith.constant 0 : i32
      %dma_start3A_1270 = arith.constant 0 : i32
      %dma_start3A_1271 = tpu.memref_slice %arg6[%dma_start3A_1268, %dma_start3A_1269, %dma_start3A_1270] : memref<12x64x128xf32, #tpu.memory_space<vmem>> -> memref<1x64x128xf32, #tpu.memory_space<vmem>>
      %dma_start3A_1272 = tpu.memref_squeeze %dma_start3A_1271 : memref<1x64x128xf32, #tpu.memory_space<vmem>> -> memref<64x128xf32, #tpu.memory_space<vmem>>
      %dma_start3A_1273 = arith.constant 0 : i32
      %dma_start3A_1274 = tpu.memref_slice %arg5[%add3A_1267, %dma_start3A_1273] : memref<50x128xi32, #tpu.memory_space<vmem>> -> memref<1x64xi32, #tpu.memory_space<vmem>>
      %dma_start3A_1275 = tpu.memref_squeeze %dma_start3A_1274 : memref<1x64xi32, #tpu.memory_space<vmem>> -> memref<64xi32, #tpu.memory_space<vmem>>
      %dma_start3A_1276 = arith.constant 0 : i32
      %dma_start3A_1277 = arith.constant 0 : i32
      %dma_start3A_1278 = tpu.memref_slice %arg2[%dma_start3A_1276, %dma_start3A_1277] : memref<100000x128xf32, #tpu.memory_space<hbm>> -> memref<100000x128xf32, #tpu.memory_space<hbm>>
      tpu.enqueue_indirect_dma source(%dma_start3A_1278 : memref<100000x128xf32, #tpu.memory_space<hbm>>) target(%dma_start3A_1272 : memref<64x128xf32, #tpu.memory_space<vmem>>) offsets(%dma_start3A_1275 : memref<64xi32, #tpu.memory_space<vmem>>) semaphore(%arg17 : memref<!tpu.dma_semaphore, #tpu.memory_space<semaphore_mem>>)
      %dma_wait3A_1279 = arith.constant 11 : i32
      %dma_wait3A_1280 = arith.constant 0 : i32
      %dma_wait3A_1281 = arith.constant 0 : i32
      %dma_wait3A_1282 = arith.constant 0 : i32
      %dma_wait3A_1283 = tpu.memref_slice %arg6[%dma_wait3A_1279, %dma_wait3A_1281, %dma_wait3A_1282] : memref<12x64x128xf32, #tpu.memory_space<vmem>> -> memref<1x64x128xf32, #tpu.memory_space<vmem>>
      %dma_wait3A_1284 = tpu.memref_squeeze %dma_wait3A_1283 : memref<1x64x128xf32, #tpu.memory_space<vmem>> -> memref<64x128xf32, #tpu.memory_space<vmem>>
      %dma_wait3A_1285 = arith.constant 0 : i32
      %dma_wait3A_1286 = tpu.memref_slice %arg4[%dma_wait3A_1280, %mul3A_2, %dma_wait3A_1285] : memref<50x4096x128xf32, #tpu.memory_space<hbm>> -> memref<1x64x128xf32, #tpu.memory_space<hbm>>
      %dma_wait3A_1287 = tpu.memref_squeeze %dma_wait3A_1286 : memref<1x64x128xf32, #tpu.memory_space<hbm>> -> memref<64x128xf32, #tpu.memory_space<hbm>>
      %dma_wait3A_1288 = arith.constant 0 : i32
      %dma_wait3A_1289 = tpu.memref_slice %arg4[%dma_wait3A_1280, %mul3A_2, %dma_wait3A_1288] : memref<50x4096x128xf32, #tpu.memory_space<hbm>> -> memref<1x64x128xf32, #tpu.memory_space<hbm>>
      %dma_wait3A_1290 = tpu.memref_squeeze %dma_wait3A_1289 : memref<1x64x128xf32, #tpu.memory_space<hbm>> -> memref<64x128xf32, #tpu.memory_space<hbm>>
      %dma_wait3A_1291 = arith.constant 0 : i32
      %dma_wait3A_1292 = arith.constant 0 : i32
      %dma_wait3A_1293 = tpu.memref_slice %arg6[%dma_wait3A_1279, %dma_wait3A_1291, %dma_wait3A_1292] : memref<12x64x128xf32, #tpu.memory_space<vmem>> -> memref<1x64x128xf32, #tpu.memory_space<vmem>>
      %dma_wait3A_1294 = tpu.memref_squeeze %dma_wait3A_1293 : memref<1x64x128xf32, #tpu.memory_space<vmem>> -> memref<64x128xf32, #tpu.memory_space<vmem>>
      tpu.wait_dma2 semaphore(%arg30 : memref<!tpu.dma_semaphore, #tpu.memory_space<semaphore_mem>>) src(%dma_wait3A_1294 : memref<64x128xf32, #tpu.memory_space<vmem>>) dst(%dma_wait3A_1290 : memref<64x128xf32, #tpu.memory_space<hbm>>)
      %add3A_1295 = arith.constant 5 : i32
      %add3A_1296 = arith.addi %mul3A_959, %add3A_1295 : i32
      %dma_start3A_1297 = arith.constant 11 : i32
      %dma_start3A_1298 = arith.constant 0 : i32
      %dma_start3A_1299 = arith.constant 0 : i32
      %dma_start3A_1300 = tpu.memref_slice %arg6[%dma_start3A_1297, %dma_start3A_1298, %dma_start3A_1299] : memref<12x64x128xf32, #tpu.memory_space<vmem>> -> memref<1x64x128xf32, #tpu.memory_space<vmem>>
      %dma_start3A_1301 = tpu.memref_squeeze %dma_start3A_1300 : memref<1x64x128xf32, #tpu.memory_space<vmem>> -> memref<64x128xf32, #tpu.memory_space<vmem>>
      %dma_start3A_1302 = arith.constant 64 : i32
      %dma_start3A_1303 = tpu.memref_slice %arg5[%add3A_1296, %dma_start3A_1302] : memref<50x128xi32, #tpu.memory_space<vmem>> -> memref<1x64xi32, #tpu.memory_space<vmem>>
      %dma_start3A_1304 = tpu.memref_squeeze %dma_start3A_1303 : memref<1x64xi32, #tpu.memory_space<vmem>> -> memref<64xi32, #tpu.memory_space<vmem>>
      %dma_start3A_1305 = arith.constant 0 : i32
      %dma_start3A_1306 = arith.constant 0 : i32
      %dma_start3A_1307 = tpu.memref_slice %arg2[%dma_start3A_1305, %dma_start3A_1306] : memref<100000x128xf32, #tpu.memory_space<hbm>> -> memref<100000x128xf32, #tpu.memory_space<hbm>>
      tpu.enqueue_indirect_dma source(%dma_start3A_1307 : memref<100000x128xf32, #tpu.memory_space<hbm>>) target(%dma_start3A_1301 : memref<64x128xf32, #tpu.memory_space<vmem>>) offsets(%dma_start3A_1304 : memref<64xi32, #tpu.memory_space<vmem>>) semaphore(%arg18 : memref<!tpu.dma_semaphore, #tpu.memory_space<semaphore_mem>>)
      %dma_wait3A_1308 = arith.constant 0 : i32
      %dma_wait3A_1309 = arith.constant 0 : i32
      %dma_wait3A_1310 = arith.constant 0 : i32
      %dma_wait3A_1311 = arith.constant 0 : i32
      %dma_wait3A_1312 = tpu.memref_slice %arg6[%dma_wait3A_1309, %dma_wait3A_1310, %dma_wait3A_1311] : memref<12x64x128xf32, #tpu.memory_space<vmem>> -> memref<1x64x128xf32, #tpu.memory_space<vmem>>
      %dma_wait3A_1313 = tpu.memref_squeeze %dma_wait3A_1312 : memref<1x64x128xf32, #tpu.memory_space<vmem>> -> memref<64x128xf32, #tpu.memory_space<vmem>>
      %dma_wait3A_1314 = arith.constant 0 : i32
      %dma_wait3A_1315 = tpu.memref_slice %arg5[%dma_wait3A_1308, %dma_wait3A_1314] : memref<50x128xi32, #tpu.memory_space<vmem>> -> memref<1x64xi32, #tpu.memory_space<vmem>>
      %dma_wait3A_1316 = tpu.memref_squeeze %dma_wait3A_1315 : memref<1x64xi32, #tpu.memory_space<vmem>> -> memref<64xi32, #tpu.memory_space<vmem>>
      %dma_wait3A_1317 = arith.constant 0 : i32
      %dma_wait3A_1318 = arith.constant 0 : i32
      %dma_wait3A_1319 = tpu.memref_slice %arg2[%dma_wait3A_1317, %dma_wait3A_1318] : memref<100000x128xf32, #tpu.memory_space<hbm>> -> memref<100000x128xf32, #tpu.memory_space<hbm>>
      tpu.wait_indirect_dma semaphore(%arg7 : memref<!tpu.dma_semaphore, #tpu.memory_space<semaphore_mem>>) src(%dma_wait3A_1319 : memref<100000x128xf32, #tpu.memory_space<hbm>>) dst(%dma_wait3A_1313 : memref<64x128xf32, #tpu.memory_space<vmem>>)
      %add3A_1320 = arith.constant 0 : i32
      %add3A_1321 = arith.addi %mul3A_959, %add3A_1320 : i32
      %add3A_1322 = arith.constant 0 : i32
      %add3A_1323 = arith.addi %mul3A_2, %add3A_1322 : i32
      %dma_start3A_1324 = arith.constant 0 : i32
      %dma_start3A_1325 = arith.constant 0 : i32
      %dma_start3A_1326 = arith.constant 0 : i32
      %dma_start3A_1327 = tpu.memref_slice %arg6[%dma_start3A_1324, %dma_start3A_1325, %dma_start3A_1326] : memref<12x64x128xf32, #tpu.memory_space<vmem>> -> memref<1x64x128xf32, #tpu.memory_space<vmem>>
      %dma_start3A_1328 = tpu.memref_squeeze %dma_start3A_1327 : memref<1x64x128xf32, #tpu.memory_space<vmem>> -> memref<64x128xf32, #tpu.memory_space<vmem>>
      %dma_start3A_1329 = arith.constant 0 : i32
      %dma_start3A_1330 = tpu.memref_slice %arg4[%add3A_1321, %add3A_1323, %dma_start3A_1329] : memref<50x4096x128xf32, #tpu.memory_space<hbm>> -> memref<1x64x128xf32, #tpu.memory_space<hbm>>
      %dma_start3A_1331 = tpu.memref_squeeze %dma_start3A_1330 : memref<1x64x128xf32, #tpu.memory_space<hbm>> -> memref<64x128xf32, #tpu.memory_space<hbm>>
      %dma_start3A_1332 = arith.constant 0 : i32
      %dma_start3A_1333 = tpu.memref_slice %arg4[%add3A_1321, %add3A_1323, %dma_start3A_1332] : memref<50x4096x128xf32, #tpu.memory_space<hbm>> -> memref<1x64x128xf32, #tpu.memory_space<hbm>>
      %dma_start3A_1334 = tpu.memref_squeeze %dma_start3A_1333 : memref<1x64x128xf32, #tpu.memory_space<hbm>> -> memref<64x128xf32, #tpu.memory_space<hbm>>
      %dma_start3A_1335 = arith.constant 0 : i32
      %dma_start3A_1336 = arith.constant 0 : i32
      %dma_start3A_1337 = tpu.memref_slice %arg6[%dma_start3A_1324, %dma_start3A_1335, %dma_start3A_1336] : memref<12x64x128xf32, #tpu.memory_space<vmem>> -> memref<1x64x128xf32, #tpu.memory_space<vmem>>
      %dma_start3A_1338 = tpu.memref_squeeze %dma_start3A_1337 : memref<1x64x128xf32, #tpu.memory_space<vmem>> -> memref<64x128xf32, #tpu.memory_space<vmem>>
      tpu.enqueue_dma source(%dma_start3A_1338 : memref<64x128xf32, #tpu.memory_space<vmem>>) target(%dma_start3A_1334 : memref<64x128xf32, #tpu.memory_space<hbm>>) target_semaphore(%arg19 : memref<!tpu.dma_semaphore, #tpu.memory_space<semaphore_mem>>)
      %dma_wait3A_1339 = arith.constant 0 : i32
      %dma_wait3A_1340 = arith.constant 1 : i32
      %dma_wait3A_1341 = arith.constant 0 : i32
      %dma_wait3A_1342 = arith.constant 0 : i32
      %dma_wait3A_1343 = tpu.memref_slice %arg6[%dma_wait3A_1340, %dma_wait3A_1341, %dma_wait3A_1342] : memref<12x64x128xf32, #tpu.memory_space<vmem>> -> memref<1x64x128xf32, #tpu.memory_space<vmem>>
      %dma_wait3A_1344 = tpu.memref_squeeze %dma_wait3A_1343 : memref<1x64x128xf32, #tpu.memory_space<vmem>> -> memref<64x128xf32, #tpu.memory_space<vmem>>
      %dma_wait3A_1345 = arith.constant 0 : i32
      %dma_wait3A_1346 = tpu.memref_slice %arg5[%dma_wait3A_1339, %dma_wait3A_1345] : memref<50x128xi32, #tpu.memory_space<vmem>> -> memref<1x64xi32, #tpu.memory_space<vmem>>
      %dma_wait3A_1347 = tpu.memref_squeeze %dma_wait3A_1346 : memref<1x64xi32, #tpu.memory_space<vmem>> -> memref<64xi32, #tpu.memory_space<vmem>>
      %dma_wait3A_1348 = arith.constant 0 : i32
      %dma_wait3A_1349 = arith.constant 0 : i32
      %dma_wait3A_1350 = tpu.memref_slice %arg2[%dma_wait3A_1348, %dma_wait3A_1349] : memref<100000x128xf32, #tpu.memory_space<hbm>> -> memref<100000x128xf32, #tpu.memory_space<hbm>>
      tpu.wait_indirect_dma semaphore(%arg8 : memref<!tpu.dma_semaphore, #tpu.memory_space<semaphore_mem>>) src(%dma_wait3A_1350 : memref<100000x128xf32, #tpu.memory_space<hbm>>) dst(%dma_wait3A_1344 : memref<64x128xf32, #tpu.memory_space<vmem>>)
      %add3A_1351 = arith.constant 0 : i32
      %add3A_1352 = arith.addi %mul3A_959, %add3A_1351 : i32
      %add3A_1353 = arith.constant 64 : i32
      %add3A_1354 = arith.addi %mul3A_2, %add3A_1353 : i32
      %dma_start3A_1355 = arith.constant 1 : i32
      %dma_start3A_1356 = arith.constant 0 : i32
      %dma_start3A_1357 = arith.constant 0 : i32
      %dma_start3A_1358 = tpu.memref_slice %arg6[%dma_start3A_1355, %dma_start3A_1356, %dma_start3A_1357] : memref<12x64x128xf32, #tpu.memory_space<vmem>> -> memref<1x64x128xf32, #tpu.memory_space<vmem>>
      %dma_start3A_1359 = tpu.memref_squeeze %dma_start3A_1358 : memref<1x64x128xf32, #tpu.memory_space<vmem>> -> memref<64x128xf32, #tpu.memory_space<vmem>>
      %dma_start3A_1360 = arith.constant 0 : i32
      %dma_start3A_1361 = tpu.memref_slice %arg4[%add3A_1352, %add3A_1354, %dma_start3A_1360] : memref<50x4096x128xf32, #tpu.memory_space<hbm>> -> memref<1x64x128xf32, #tpu.memory_space<hbm>>
      %dma_start3A_1362 = tpu.memref_squeeze %dma_start3A_1361 : memref<1x64x128xf32, #tpu.memory_space<hbm>> -> memref<64x128xf32, #tpu.memory_space<hbm>>
      %dma_start3A_1363 = arith.constant 0 : i32
      %dma_start3A_1364 = tpu.memref_slice %arg4[%add3A_1352, %add3A_1354, %dma_start3A_1363] : memref<50x4096x128xf32, #tpu.memory_space<hbm>> -> memref<1x64x128xf32, #tpu.memory_space<hbm>>
      %dma_start3A_1365 = tpu.memref_squeeze %dma_start3A_1364 : memref<1x64x128xf32, #tpu.memory_space<hbm>> -> memref<64x128xf32, #tpu.memory_space<hbm>>
      %dma_start3A_1366 = arith.constant 0 : i32
      %dma_start3A_1367 = arith.constant 0 : i32
      %dma_start3A_1368 = tpu.memref_slice %arg6[%dma_start3A_1355, %dma_start3A_1366, %dma_start3A_1367] : memref<12x64x128xf32, #tpu.memory_space<vmem>> -> memref<1x64x128xf32, #tpu.memory_space<vmem>>
      %dma_start3A_1369 = tpu.memref_squeeze %dma_start3A_1368 : memref<1x64x128xf32, #tpu.memory_space<vmem>> -> memref<64x128xf32, #tpu.memory_space<vmem>>
      tpu.enqueue_dma source(%dma_start3A_1369 : memref<64x128xf32, #tpu.memory_space<vmem>>) target(%dma_start3A_1365 : memref<64x128xf32, #tpu.memory_space<hbm>>) target_semaphore(%arg20 : memref<!tpu.dma_semaphore, #tpu.memory_space<semaphore_mem>>)
      %dma_wait3A_1370 = arith.constant 0 : i32
      %dma_wait3A_1371 = arith.constant 2 : i32
      %dma_wait3A_1372 = arith.constant 0 : i32
      %dma_wait3A_1373 = arith.constant 0 : i32
      %dma_wait3A_1374 = tpu.memref_slice %arg6[%dma_wait3A_1371, %dma_wait3A_1372, %dma_wait3A_1373] : memref<12x64x128xf32, #tpu.memory_space<vmem>> -> memref<1x64x128xf32, #tpu.memory_space<vmem>>
      %dma_wait3A_1375 = tpu.memref_squeeze %dma_wait3A_1374 : memref<1x64x128xf32, #tpu.memory_space<vmem>> -> memref<64x128xf32, #tpu.memory_space<vmem>>
      %dma_wait3A_1376 = arith.constant 0 : i32
      %dma_wait3A_1377 = tpu.memref_slice %arg5[%dma_wait3A_1370, %dma_wait3A_1376] : memref<50x128xi32, #tpu.memory_space<vmem>> -> memref<1x64xi32, #tpu.memory_space<vmem>>
      %dma_wait3A_1378 = tpu.memref_squeeze %dma_wait3A_1377 : memref<1x64xi32, #tpu.memory_space<vmem>> -> memref<64xi32, #tpu.memory_space<vmem>>
      %dma_wait3A_1379 = arith.constant 0 : i32
      %dma_wait3A_1380 = arith.constant 0 : i32
      %dma_wait3A_1381 = tpu.memref_slice %arg2[%dma_wait3A_1379, %dma_wait3A_1380] : memref<100000x128xf32, #tpu.memory_space<hbm>> -> memref<100000x128xf32, #tpu.memory_space<hbm>>
      tpu.wait_indirect_dma semaphore(%arg9 : memref<!tpu.dma_semaphore, #tpu.memory_space<semaphore_mem>>) src(%dma_wait3A_1381 : memref<100000x128xf32, #tpu.memory_space<hbm>>) dst(%dma_wait3A_1375 : memref<64x128xf32, #tpu.memory_space<vmem>>)
      %add3A_1382 = arith.constant 1 : i32
      %add3A_1383 = arith.addi %mul3A_959, %add3A_1382 : i32
      %add3A_1384 = arith.constant 0 : i32
      %add3A_1385 = arith.addi %mul3A_2, %add3A_1384 : i32
      %dma_start3A_1386 = arith.constant 2 : i32
      %dma_start3A_1387 = arith.constant 0 : i32
      %dma_start3A_1388 = arith.constant 0 : i32
      %dma_start3A_1389 = tpu.memref_slice %arg6[%dma_start3A_1386, %dma_start3A_1387, %dma_start3A_1388] : memref<12x64x128xf32, #tpu.memory_space<vmem>> -> memref<1x64x128xf32, #tpu.memory_space<vmem>>
      %dma_start3A_1390 = tpu.memref_squeeze %dma_start3A_1389 : memref<1x64x128xf32, #tpu.memory_space<vmem>> -> memref<64x128xf32, #tpu.memory_space<vmem>>
      %dma_start3A_1391 = arith.constant 0 : i32
      %dma_start3A_1392 = tpu.memref_slice %arg4[%add3A_1383, %add3A_1385, %dma_start3A_1391] : memref<50x4096x128xf32, #tpu.memory_space<hbm>> -> memref<1x64x128xf32, #tpu.memory_space<hbm>>
      %dma_start3A_1393 = tpu.memref_squeeze %dma_start3A_1392 : memref<1x64x128xf32, #tpu.memory_space<hbm>> -> memref<64x128xf32, #tpu.memory_space<hbm>>
      %dma_start3A_1394 = arith.constant 0 : i32
      %dma_start3A_1395 = tpu.memref_slice %arg4[%add3A_1383, %add3A_1385, %dma_start3A_1394] : memref<50x4096x128xf32, #tpu.memory_space<hbm>> -> memref<1x64x128xf32, #tpu.memory_space<hbm>>
      %dma_start3A_1396 = tpu.memref_squeeze %dma_start3A_1395 : memref<1x64x128xf32, #tpu.memory_space<hbm>> -> memref<64x128xf32, #tpu.memory_space<hbm>>
      %dma_start3A_1397 = arith.constant 0 : i32
      %dma_start3A_1398 = arith.constant 0 : i32
      %dma_start3A_1399 = tpu.memref_slice %arg6[%dma_start3A_1386, %dma_start3A_1397, %dma_start3A_1398] : memref<12x64x128xf32, #tpu.memory_space<vmem>> -> memref<1x64x128xf32, #tpu.memory_space<vmem>>
      %dma_start3A_1400 = tpu.memref_squeeze %dma_start3A_1399 : memref<1x64x128xf32, #tpu.memory_space<vmem>> -> memref<64x128xf32, #tpu.memory_space<vmem>>
      tpu.enqueue_dma source(%dma_start3A_1400 : memref<64x128xf32, #tpu.memory_space<vmem>>) target(%dma_start3A_1396 : memref<64x128xf32, #tpu.memory_space<hbm>>) target_semaphore(%arg21 : memref<!tpu.dma_semaphore, #tpu.memory_space<semaphore_mem>>)
      %dma_wait3A_1401 = arith.constant 0 : i32
      %dma_wait3A_1402 = arith.constant 3 : i32
      %dma_wait3A_1403 = arith.constant 0 : i32
      %dma_wait3A_1404 = arith.constant 0 : i32
      %dma_wait3A_1405 = tpu.memref_slice %arg6[%dma_wait3A_1402, %dma_wait3A_1403, %dma_wait3A_1404] : memref<12x64x128xf32, #tpu.memory_space<vmem>> -> memref<1x64x128xf32, #tpu.memory_space<vmem>>
      %dma_wait3A_1406 = tpu.memref_squeeze %dma_wait3A_1405 : memref<1x64x128xf32, #tpu.memory_space<vmem>> -> memref<64x128xf32, #tpu.memory_space<vmem>>
      %dma_wait3A_1407 = arith.constant 0 : i32
      %dma_wait3A_1408 = tpu.memref_slice %arg5[%dma_wait3A_1401, %dma_wait3A_1407] : memref<50x128xi32, #tpu.memory_space<vmem>> -> memref<1x64xi32, #tpu.memory_space<vmem>>
      %dma_wait3A_1409 = tpu.memref_squeeze %dma_wait3A_1408 : memref<1x64xi32, #tpu.memory_space<vmem>> -> memref<64xi32, #tpu.memory_space<vmem>>
      %dma_wait3A_1410 = arith.constant 0 : i32
      %dma_wait3A_1411 = arith.constant 0 : i32
      %dma_wait3A_1412 = tpu.memref_slice %arg2[%dma_wait3A_1410, %dma_wait3A_1411] : memref<100000x128xf32, #tpu.memory_space<hbm>> -> memref<100000x128xf32, #tpu.memory_space<hbm>>
      tpu.wait_indirect_dma semaphore(%arg10 : memref<!tpu.dma_semaphore, #tpu.memory_space<semaphore_mem>>) src(%dma_wait3A_1412 : memref<100000x128xf32, #tpu.memory_space<hbm>>) dst(%dma_wait3A_1406 : memref<64x128xf32, #tpu.memory_space<vmem>>)
      %add3A_1413 = arith.constant 1 : i32
      %add3A_1414 = arith.addi %mul3A_959, %add3A_1413 : i32
      %add3A_1415 = arith.constant 64 : i32
      %add3A_1416 = arith.addi %mul3A_2, %add3A_1415 : i32
      %dma_start3A_1417 = arith.constant 3 : i32
      %dma_start3A_1418 = arith.constant 0 : i32
      %dma_start3A_1419 = arith.constant 0 : i32
      %dma_start3A_1420 = tpu.memref_slice %arg6[%dma_start3A_1417, %dma_start3A_1418, %dma_start3A_1419] : memref<12x64x128xf32, #tpu.memory_space<vmem>> -> memref<1x64x128xf32, #tpu.memory_space<vmem>>
      %dma_start3A_1421 = tpu.memref_squeeze %dma_start3A_1420 : memref<1x64x128xf32, #tpu.memory_space<vmem>> -> memref<64x128xf32, #tpu.memory_space<vmem>>
      %dma_start3A_1422 = arith.constant 0 : i32
      %dma_start3A_1423 = tpu.memref_slice %arg4[%add3A_1414, %add3A_1416, %dma_start3A_1422] : memref<50x4096x128xf32, #tpu.memory_space<hbm>> -> memref<1x64x128xf32, #tpu.memory_space<hbm>>
      %dma_start3A_1424 = tpu.memref_squeeze %dma_start3A_1423 : memref<1x64x128xf32, #tpu.memory_space<hbm>> -> memref<64x128xf32, #tpu.memory_space<hbm>>
      %dma_start3A_1425 = arith.constant 0 : i32
      %dma_start3A_1426 = tpu.memref_slice %arg4[%add3A_1414, %add3A_1416, %dma_start3A_1425] : memref<50x4096x128xf32, #tpu.memory_space<hbm>> -> memref<1x64x128xf32, #tpu.memory_space<hbm>>
      %dma_start3A_1427 = tpu.memref_squeeze %dma_start3A_1426 : memref<1x64x128xf32, #tpu.memory_space<hbm>> -> memref<64x128xf32, #tpu.memory_space<hbm>>
      %dma_start3A_1428 = arith.constant 0 : i32
      %dma_start3A_1429 = arith.constant 0 : i32
      %dma_start3A_1430 = tpu.memref_slice %arg6[%dma_start3A_1417, %dma_start3A_1428, %dma_start3A_1429] : memref<12x64x128xf32, #tpu.memory_space<vmem>> -> memref<1x64x128xf32, #tpu.memory_space<vmem>>
      %dma_start3A_1431 = tpu.memref_squeeze %dma_start3A_1430 : memref<1x64x128xf32, #tpu.memory_space<vmem>> -> memref<64x128xf32, #tpu.memory_space<vmem>>
      tpu.enqueue_dma source(%dma_start3A_1431 : memref<64x128xf32, #tpu.memory_space<vmem>>) target(%dma_start3A_1427 : memref<64x128xf32, #tpu.memory_space<hbm>>) target_semaphore(%arg22 : memref<!tpu.dma_semaphore, #tpu.memory_space<semaphore_mem>>)
      %dma_wait3A_1432 = arith.constant 0 : i32
      %dma_wait3A_1433 = arith.constant 4 : i32
      %dma_wait3A_1434 = arith.constant 0 : i32
      %dma_wait3A_1435 = arith.constant 0 : i32
      %dma_wait3A_1436 = tpu.memref_slice %arg6[%dma_wait3A_1433, %dma_wait3A_1434, %dma_wait3A_1435] : memref<12x64x128xf32, #tpu.memory_space<vmem>> -> memref<1x64x128xf32, #tpu.memory_space<vmem>>
      %dma_wait3A_1437 = tpu.memref_squeeze %dma_wait3A_1436 : memref<1x64x128xf32, #tpu.memory_space<vmem>> -> memref<64x128xf32, #tpu.memory_space<vmem>>
      %dma_wait3A_1438 = arith.constant 0 : i32
      %dma_wait3A_1439 = tpu.memref_slice %arg5[%dma_wait3A_1432, %dma_wait3A_1438] : memref<50x128xi32, #tpu.memory_space<vmem>> -> memref<1x64xi32, #tpu.memory_space<vmem>>
      %dma_wait3A_1440 = tpu.memref_squeeze %dma_wait3A_1439 : memref<1x64xi32, #tpu.memory_space<vmem>> -> memref<64xi32, #tpu.memory_space<vmem>>
      %dma_wait3A_1441 = arith.constant 0 : i32
      %dma_wait3A_1442 = arith.constant 0 : i32
      %dma_wait3A_1443 = tpu.memref_slice %arg2[%dma_wait3A_1441, %dma_wait3A_1442] : memref<100000x128xf32, #tpu.memory_space<hbm>> -> memref<100000x128xf32, #tpu.memory_space<hbm>>
      tpu.wait_indirect_dma semaphore(%arg11 : memref<!tpu.dma_semaphore, #tpu.memory_space<semaphore_mem>>) src(%dma_wait3A_1443 : memref<100000x128xf32, #tpu.memory_space<hbm>>) dst(%dma_wait3A_1437 : memref<64x128xf32, #tpu.memory_space<vmem>>)
      %add3A_1444 = arith.constant 2 : i32
      %add3A_1445 = arith.addi %mul3A_959, %add3A_1444 : i32
      %add3A_1446 = arith.constant 0 : i32
      %add3A_1447 = arith.addi %mul3A_2, %add3A_1446 : i32
      %dma_start3A_1448 = arith.constant 4 : i32
      %dma_start3A_1449 = arith.constant 0 : i32
      %dma_start3A_1450 = arith.constant 0 : i32
      %dma_start3A_1451 = tpu.memref_slice %arg6[%dma_start3A_1448, %dma_start3A_1449, %dma_start3A_1450] : memref<12x64x128xf32, #tpu.memory_space<vmem>> -> memref<1x64x128xf32, #tpu.memory_space<vmem>>
      %dma_start3A_1452 = tpu.memref_squeeze %dma_start3A_1451 : memref<1x64x128xf32, #tpu.memory_space<vmem>> -> memref<64x128xf32, #tpu.memory_space<vmem>>
      %dma_start3A_1453 = arith.constant 0 : i32
      %dma_start3A_1454 = tpu.memref_slice %arg4[%add3A_1445, %add3A_1447, %dma_start3A_1453] : memref<50x4096x128xf32, #tpu.memory_space<hbm>> -> memref<1x64x128xf32, #tpu.memory_space<hbm>>
      %dma_start3A_1455 = tpu.memref_squeeze %dma_start3A_1454 : memref<1x64x128xf32, #tpu.memory_space<hbm>> -> memref<64x128xf32, #tpu.memory_space<hbm>>
      %dma_start3A_1456 = arith.constant 0 : i32
      %dma_start3A_1457 = tpu.memref_slice %arg4[%add3A_1445, %add3A_1447, %dma_start3A_1456] : memref<50x4096x128xf32, #tpu.memory_space<hbm>> -> memref<1x64x128xf32, #tpu.memory_space<hbm>>
      %dma_start3A_1458 = tpu.memref_squeeze %dma_start3A_1457 : memref<1x64x128xf32, #tpu.memory_space<hbm>> -> memref<64x128xf32, #tpu.memory_space<hbm>>
      %dma_start3A_1459 = arith.constant 0 : i32
      %dma_start3A_1460 = arith.constant 0 : i32
      %dma_start3A_1461 = tpu.memref_slice %arg6[%dma_start3A_1448, %dma_start3A_1459, %dma_start3A_1460] : memref<12x64x128xf32, #tpu.memory_space<vmem>> -> memref<1x64x128xf32, #tpu.memory_space<vmem>>
      %dma_start3A_1462 = tpu.memref_squeeze %dma_start3A_1461 : memref<1x64x128xf32, #tpu.memory_space<vmem>> -> memref<64x128xf32, #tpu.memory_space<vmem>>
      tpu.enqueue_dma source(%dma_start3A_1462 : memref<64x128xf32, #tpu.memory_space<vmem>>) target(%dma_start3A_1458 : memref<64x128xf32, #tpu.memory_space<hbm>>) target_semaphore(%arg23 : memref<!tpu.dma_semaphore, #tpu.memory_space<semaphore_mem>>)
      %dma_wait3A_1463 = arith.constant 0 : i32
      %dma_wait3A_1464 = arith.constant 5 : i32
      %dma_wait3A_1465 = arith.constant 0 : i32
      %dma_wait3A_1466 = arith.constant 0 : i32
      %dma_wait3A_1467 = tpu.memref_slice %arg6[%dma_wait3A_1464, %dma_wait3A_1465, %dma_wait3A_1466] : memref<12x64x128xf32, #tpu.memory_space<vmem>> -> memref<1x64x128xf32, #tpu.memory_space<vmem>>
      %dma_wait3A_1468 = tpu.memref_squeeze %dma_wait3A_1467 : memref<1x64x128xf32, #tpu.memory_space<vmem>> -> memref<64x128xf32, #tpu.memory_space<vmem>>
      %dma_wait3A_1469 = arith.constant 0 : i32
      %dma_wait3A_1470 = tpu.memref_slice %arg5[%dma_wait3A_1463, %dma_wait3A_1469] : memref<50x128xi32, #tpu.memory_space<vmem>> -> memref<1x64xi32, #tpu.memory_space<vmem>>
      %dma_wait3A_1471 = tpu.memref_squeeze %dma_wait3A_1470 : memref<1x64xi32, #tpu.memory_space<vmem>> -> memref<64xi32, #tpu.memory_space<vmem>>
      %dma_wait3A_1472 = arith.constant 0 : i32
      %dma_wait3A_1473 = arith.constant 0 : i32
      %dma_wait3A_1474 = tpu.memref_slice %arg2[%dma_wait3A_1472, %dma_wait3A_1473] : memref<100000x128xf32, #tpu.memory_space<hbm>> -> memref<100000x128xf32, #tpu.memory_space<hbm>>
      tpu.wait_indirect_dma semaphore(%arg12 : memref<!tpu.dma_semaphore, #tpu.memory_space<semaphore_mem>>) src(%dma_wait3A_1474 : memref<100000x128xf32, #tpu.memory_space<hbm>>) dst(%dma_wait3A_1468 : memref<64x128xf32, #tpu.memory_space<vmem>>)
      %add3A_1475 = arith.constant 2 : i32
      %add3A_1476 = arith.addi %mul3A_959, %add3A_1475 : i32
      %add3A_1477 = arith.constant 64 : i32
      %add3A_1478 = arith.addi %mul3A_2, %add3A_1477 : i32
      %dma_start3A_1479 = arith.constant 5 : i32
      %dma_start3A_1480 = arith.constant 0 : i32
      %dma_start3A_1481 = arith.constant 0 : i32
      %dma_start3A_1482 = tpu.memref_slice %arg6[%dma_start3A_1479, %dma_start3A_1480, %dma_start3A_1481] : memref<12x64x128xf32, #tpu.memory_space<vmem>> -> memref<1x64x128xf32, #tpu.memory_space<vmem>>
      %dma_start3A_1483 = tpu.memref_squeeze %dma_start3A_1482 : memref<1x64x128xf32, #tpu.memory_space<vmem>> -> memref<64x128xf32, #tpu.memory_space<vmem>>
      %dma_start3A_1484 = arith.constant 0 : i32
      %dma_start3A_1485 = tpu.memref_slice %arg4[%add3A_1476, %add3A_1478, %dma_start3A_1484] : memref<50x4096x128xf32, #tpu.memory_space<hbm>> -> memref<1x64x128xf32, #tpu.memory_space<hbm>>
      %dma_start3A_1486 = tpu.memref_squeeze %dma_start3A_1485 : memref<1x64x128xf32, #tpu.memory_space<hbm>> -> memref<64x128xf32, #tpu.memory_space<hbm>>
      %dma_start3A_1487 = arith.constant 0 : i32
      %dma_start3A_1488 = tpu.memref_slice %arg4[%add3A_1476, %add3A_1478, %dma_start3A_1487] : memref<50x4096x128xf32, #tpu.memory_space<hbm>> -> memref<1x64x128xf32, #tpu.memory_space<hbm>>
      %dma_start3A_1489 = tpu.memref_squeeze %dma_start3A_1488 : memref<1x64x128xf32, #tpu.memory_space<hbm>> -> memref<64x128xf32, #tpu.memory_space<hbm>>
      %dma_start3A_1490 = arith.constant 0 : i32
      %dma_start3A_1491 = arith.constant 0 : i32
      %dma_start3A_1492 = tpu.memref_slice %arg6[%dma_start3A_1479, %dma_start3A_1490, %dma_start3A_1491] : memref<12x64x128xf32, #tpu.memory_space<vmem>> -> memref<1x64x128xf32, #tpu.memory_space<vmem>>
      %dma_start3A_1493 = tpu.memref_squeeze %dma_start3A_1492 : memref<1x64x128xf32, #tpu.memory_space<vmem>> -> memref<64x128xf32, #tpu.memory_space<vmem>>
      tpu.enqueue_dma source(%dma_start3A_1493 : memref<64x128xf32, #tpu.memory_space<vmem>>) target(%dma_start3A_1489 : memref<64x128xf32, #tpu.memory_space<hbm>>) target_semaphore(%arg24 : memref<!tpu.dma_semaphore, #tpu.memory_space<semaphore_mem>>)
      %dma_wait3A_1494 = arith.constant 0 : i32
      %dma_wait3A_1495 = arith.constant 6 : i32
      %dma_wait3A_1496 = arith.constant 0 : i32
      %dma_wait3A_1497 = arith.constant 0 : i32
      %dma_wait3A_1498 = tpu.memref_slice %arg6[%dma_wait3A_1495, %dma_wait3A_1496, %dma_wait3A_1497] : memref<12x64x128xf32, #tpu.memory_space<vmem>> -> memref<1x64x128xf32, #tpu.memory_space<vmem>>
      %dma_wait3A_1499 = tpu.memref_squeeze %dma_wait3A_1498 : memref<1x64x128xf32, #tpu.memory_space<vmem>> -> memref<64x128xf32, #tpu.memory_space<vmem>>
      %dma_wait3A_1500 = arith.constant 0 : i32
      %dma_wait3A_1501 = tpu.memref_slice %arg5[%dma_wait3A_1494, %dma_wait3A_1500] : memref<50x128xi32, #tpu.memory_space<vmem>> -> memref<1x64xi32, #tpu.memory_space<vmem>>
      %dma_wait3A_1502 = tpu.memref_squeeze %dma_wait3A_1501 : memref<1x64xi32, #tpu.memory_space<vmem>> -> memref<64xi32, #tpu.memory_space<vmem>>
      %dma_wait3A_1503 = arith.constant 0 : i32
      %dma_wait3A_1504 = arith.constant 0 : i32
      %dma_wait3A_1505 = tpu.memref_slice %arg2[%dma_wait3A_1503, %dma_wait3A_1504] : memref<100000x128xf32, #tpu.memory_space<hbm>> -> memref<100000x128xf32, #tpu.memory_space<hbm>>
      tpu.wait_indirect_dma semaphore(%arg13 : memref<!tpu.dma_semaphore, #tpu.memory_space<semaphore_mem>>) src(%dma_wait3A_1505 : memref<100000x128xf32, #tpu.memory_space<hbm>>) dst(%dma_wait3A_1499 : memref<64x128xf32, #tpu.memory_space<vmem>>)
      %add3A_1506 = arith.constant 3 : i32
      %add3A_1507 = arith.addi %mul3A_959, %add3A_1506 : i32
      %add3A_1508 = arith.constant 0 : i32
      %add3A_1509 = arith.addi %mul3A_2, %add3A_1508 : i32
      %dma_start3A_1510 = arith.constant 6 : i32
      %dma_start3A_1511 = arith.constant 0 : i32
      %dma_start3A_1512 = arith.constant 0 : i32
      %dma_start3A_1513 = tpu.memref_slice %arg6[%dma_start3A_1510, %dma_start3A_1511, %dma_start3A_1512] : memref<12x64x128xf32, #tpu.memory_space<vmem>> -> memref<1x64x128xf32, #tpu.memory_space<vmem>>
      %dma_start3A_1514 = tpu.memref_squeeze %dma_start3A_1513 : memref<1x64x128xf32, #tpu.memory_space<vmem>> -> memref<64x128xf32, #tpu.memory_space<vmem>>
      %dma_start3A_1515 = arith.constant 0 : i32
      %dma_start3A_1516 = tpu.memref_slice %arg4[%add3A_1507, %add3A_1509, %dma_start3A_1515] : memref<50x4096x128xf32, #tpu.memory_space<hbm>> -> memref<1x64x128xf32, #tpu.memory_space<hbm>>
      %dma_start3A_1517 = tpu.memref_squeeze %dma_start3A_1516 : memref<1x64x128xf32, #tpu.memory_space<hbm>> -> memref<64x128xf32, #tpu.memory_space<hbm>>
      %dma_start3A_1518 = arith.constant 0 : i32
      %dma_start3A_1519 = tpu.memref_slice %arg4[%add3A_1507, %add3A_1509, %dma_start3A_1518] : memref<50x4096x128xf32, #tpu.memory_space<hbm>> -> memref<1x64x128xf32, #tpu.memory_space<hbm>>
      %dma_start3A_1520 = tpu.memref_squeeze %dma_start3A_1519 : memref<1x64x128xf32, #tpu.memory_space<hbm>> -> memref<64x128xf32, #tpu.memory_space<hbm>>
      %dma_start3A_1521 = arith.constant 0 : i32
      %dma_start3A_1522 = arith.constant 0 : i32
      %dma_start3A_1523 = tpu.memref_slice %arg6[%dma_start3A_1510, %dma_start3A_1521, %dma_start3A_1522] : memref<12x64x128xf32, #tpu.memory_space<vmem>> -> memref<1x64x128xf32, #tpu.memory_space<vmem>>
      %dma_start3A_1524 = tpu.memref_squeeze %dma_start3A_1523 : memref<1x64x128xf32, #tpu.memory_space<vmem>> -> memref<64x128xf32, #tpu.memory_space<vmem>>
      tpu.enqueue_dma source(%dma_start3A_1524 : memref<64x128xf32, #tpu.memory_space<vmem>>) target(%dma_start3A_1520 : memref<64x128xf32, #tpu.memory_space<hbm>>) target_semaphore(%arg25 : memref<!tpu.dma_semaphore, #tpu.memory_space<semaphore_mem>>)
      %dma_wait3A_1525 = arith.constant 0 : i32
      %dma_wait3A_1526 = arith.constant 7 : i32
      %dma_wait3A_1527 = arith.constant 0 : i32
      %dma_wait3A_1528 = arith.constant 0 : i32
      %dma_wait3A_1529 = tpu.memref_slice %arg6[%dma_wait3A_1526, %dma_wait3A_1527, %dma_wait3A_1528] : memref<12x64x128xf32, #tpu.memory_space<vmem>> -> memref<1x64x128xf32, #tpu.memory_space<vmem>>
      %dma_wait3A_1530 = tpu.memref_squeeze %dma_wait3A_1529 : memref<1x64x128xf32, #tpu.memory_space<vmem>> -> memref<64x128xf32, #tpu.memory_space<vmem>>
      %dma_wait3A_1531 = arith.constant 0 : i32
      %dma_wait3A_1532 = tpu.memref_slice %arg5[%dma_wait3A_1525, %dma_wait3A_1531] : memref<50x128xi32, #tpu.memory_space<vmem>> -> memref<1x64xi32, #tpu.memory_space<vmem>>
      %dma_wait3A_1533 = tpu.memref_squeeze %dma_wait3A_1532 : memref<1x64xi32, #tpu.memory_space<vmem>> -> memref<64xi32, #tpu.memory_space<vmem>>
      %dma_wait3A_1534 = arith.constant 0 : i32
      %dma_wait3A_1535 = arith.constant 0 : i32
      %dma_wait3A_1536 = tpu.memref_slice %arg2[%dma_wait3A_1534, %dma_wait3A_1535] : memref<100000x128xf32, #tpu.memory_space<hbm>> -> memref<100000x128xf32, #tpu.memory_space<hbm>>
      tpu.wait_indirect_dma semaphore(%arg14 : memref<!tpu.dma_semaphore, #tpu.memory_space<semaphore_mem>>) src(%dma_wait3A_1536 : memref<100000x128xf32, #tpu.memory_space<hbm>>) dst(%dma_wait3A_1530 : memref<64x128xf32, #tpu.memory_space<vmem>>)
      %add3A_1537 = arith.constant 3 : i32
      %add3A_1538 = arith.addi %mul3A_959, %add3A_1537 : i32
      %add3A_1539 = arith.constant 64 : i32
      %add3A_1540 = arith.addi %mul3A_2, %add3A_1539 : i32
      %dma_start3A_1541 = arith.constant 7 : i32
      %dma_start3A_1542 = arith.constant 0 : i32
      %dma_start3A_1543 = arith.constant 0 : i32
      %dma_start3A_1544 = tpu.memref_slice %arg6[%dma_start3A_1541, %dma_start3A_1542, %dma_start3A_1543] : memref<12x64x128xf32, #tpu.memory_space<vmem>> -> memref<1x64x128xf32, #tpu.memory_space<vmem>>
      %dma_start3A_1545 = tpu.memref_squeeze %dma_start3A_1544 : memref<1x64x128xf32, #tpu.memory_space<vmem>> -> memref<64x128xf32, #tpu.memory_space<vmem>>
      %dma_start3A_1546 = arith.constant 0 : i32
      %dma_start3A_1547 = tpu.memref_slice %arg4[%add3A_1538, %add3A_1540, %dma_start3A_1546] : memref<50x4096x128xf32, #tpu.memory_space<hbm>> -> memref<1x64x128xf32, #tpu.memory_space<hbm>>
      %dma_start3A_1548 = tpu.memref_squeeze %dma_start3A_1547 : memref<1x64x128xf32, #tpu.memory_space<hbm>> -> memref<64x128xf32, #tpu.memory_space<hbm>>
      %dma_start3A_1549 = arith.constant 0 : i32
      %dma_start3A_1550 = tpu.memref_slice %arg4[%add3A_1538, %add3A_1540, %dma_start3A_1549] : memref<50x4096x128xf32, #tpu.memory_space<hbm>> -> memref<1x64x128xf32, #tpu.memory_space<hbm>>
      %dma_start3A_1551 = tpu.memref_squeeze %dma_start3A_1550 : memref<1x64x128xf32, #tpu.memory_space<hbm>> -> memref<64x128xf32, #tpu.memory_space<hbm>>
      %dma_start3A_1552 = arith.constant 0 : i32
      %dma_start3A_1553 = arith.constant 0 : i32
      %dma_start3A_1554 = tpu.memref_slice %arg6[%dma_start3A_1541, %dma_start3A_1552, %dma_start3A_1553] : memref<12x64x128xf32, #tpu.memory_space<vmem>> -> memref<1x64x128xf32, #tpu.memory_space<vmem>>
      %dma_start3A_1555 = tpu.memref_squeeze %dma_start3A_1554 : memref<1x64x128xf32, #tpu.memory_space<vmem>> -> memref<64x128xf32, #tpu.memory_space<vmem>>
      tpu.enqueue_dma source(%dma_start3A_1555 : memref<64x128xf32, #tpu.memory_space<vmem>>) target(%dma_start3A_1551 : memref<64x128xf32, #tpu.memory_space<hbm>>) target_semaphore(%arg26 : memref<!tpu.dma_semaphore, #tpu.memory_space<semaphore_mem>>)
      %dma_wait3A_1556 = arith.constant 0 : i32
      %dma_wait3A_1557 = arith.constant 8 : i32
      %dma_wait3A_1558 = arith.constant 0 : i32
      %dma_wait3A_1559 = arith.constant 0 : i32
      %dma_wait3A_1560 = tpu.memref_slice %arg6[%dma_wait3A_1557, %dma_wait3A_1558, %dma_wait3A_1559] : memref<12x64x128xf32, #tpu.memory_space<vmem>> -> memref<1x64x128xf32, #tpu.memory_space<vmem>>
      %dma_wait3A_1561 = tpu.memref_squeeze %dma_wait3A_1560 : memref<1x64x128xf32, #tpu.memory_space<vmem>> -> memref<64x128xf32, #tpu.memory_space<vmem>>
      %dma_wait3A_1562 = arith.constant 0 : i32
      %dma_wait3A_1563 = tpu.memref_slice %arg5[%dma_wait3A_1556, %dma_wait3A_1562] : memref<50x128xi32, #tpu.memory_space<vmem>> -> memref<1x64xi32, #tpu.memory_space<vmem>>
      %dma_wait3A_1564 = tpu.memref_squeeze %dma_wait3A_1563 : memref<1x64xi32, #tpu.memory_space<vmem>> -> memref<64xi32, #tpu.memory_space<vmem>>
      %dma_wait3A_1565 = arith.constant 0 : i32
      %dma_wait3A_1566 = arith.constant 0 : i32
      %dma_wait3A_1567 = tpu.memref_slice %arg2[%dma_wait3A_1565, %dma_wait3A_1566] : memref<100000x128xf32, #tpu.memory_space<hbm>> -> memref<100000x128xf32, #tpu.memory_space<hbm>>
      tpu.wait_indirect_dma semaphore(%arg15 : memref<!tpu.dma_semaphore, #tpu.memory_space<semaphore_mem>>) src(%dma_wait3A_1567 : memref<100000x128xf32, #tpu.memory_space<hbm>>) dst(%dma_wait3A_1561 : memref<64x128xf32, #tpu.memory_space<vmem>>)
      %add3A_1568 = arith.constant 4 : i32
      %add3A_1569 = arith.addi %mul3A_959, %add3A_1568 : i32
      %add3A_1570 = arith.constant 0 : i32
      %add3A_1571 = arith.addi %mul3A_2, %add3A_1570 : i32
      %dma_start3A_1572 = arith.constant 8 : i32
      %dma_start3A_1573 = arith.constant 0 : i32
      %dma_start3A_1574 = arith.constant 0 : i32
      %dma_start3A_1575 = tpu.memref_slice %arg6[%dma_start3A_1572, %dma_start3A_1573, %dma_start3A_1574] : memref<12x64x128xf32, #tpu.memory_space<vmem>> -> memref<1x64x128xf32, #tpu.memory_space<vmem>>
      %dma_start3A_1576 = tpu.memref_squeeze %dma_start3A_1575 : memref<1x64x128xf32, #tpu.memory_space<vmem>> -> memref<64x128xf32, #tpu.memory_space<vmem>>
      %dma_start3A_1577 = arith.constant 0 : i32
      %dma_start3A_1578 = tpu.memref_slice %arg4[%add3A_1569, %add3A_1571, %dma_start3A_1577] : memref<50x4096x128xf32, #tpu.memory_space<hbm>> -> memref<1x64x128xf32, #tpu.memory_space<hbm>>
      %dma_start3A_1579 = tpu.memref_squeeze %dma_start3A_1578 : memref<1x64x128xf32, #tpu.memory_space<hbm>> -> memref<64x128xf32, #tpu.memory_space<hbm>>
      %dma_start3A_1580 = arith.constant 0 : i32
      %dma_start3A_1581 = tpu.memref_slice %arg4[%add3A_1569, %add3A_1571, %dma_start3A_1580] : memref<50x4096x128xf32, #tpu.memory_space<hbm>> -> memref<1x64x128xf32, #tpu.memory_space<hbm>>
      %dma_start3A_1582 = tpu.memref_squeeze %dma_start3A_1581 : memref<1x64x128xf32, #tpu.memory_space<hbm>> -> memref<64x128xf32, #tpu.memory_space<hbm>>
      %dma_start3A_1583 = arith.constant 0 : i32
      %dma_start3A_1584 = arith.constant 0 : i32
      %dma_start3A_1585 = tpu.memref_slice %arg6[%dma_start3A_1572, %dma_start3A_1583, %dma_start3A_1584] : memref<12x64x128xf32, #tpu.memory_space<vmem>> -> memref<1x64x128xf32, #tpu.memory_space<vmem>>
      %dma_start3A_1586 = tpu.memref_squeeze %dma_start3A_1585 : memref<1x64x128xf32, #tpu.memory_space<vmem>> -> memref<64x128xf32, #tpu.memory_space<vmem>>
      tpu.enqueue_dma source(%dma_start3A_1586 : memref<64x128xf32, #tpu.memory_space<vmem>>) target(%dma_start3A_1582 : memref<64x128xf32, #tpu.memory_space<hbm>>) target_semaphore(%arg27 : memref<!tpu.dma_semaphore, #tpu.memory_space<semaphore_mem>>)
      %dma_wait3A_1587 = arith.constant 0 : i32
      %dma_wait3A_1588 = arith.constant 9 : i32
      %dma_wait3A_1589 = arith.constant 0 : i32
      %dma_wait3A_1590 = arith.constant 0 : i32
      %dma_wait3A_1591 = tpu.memref_slice %arg6[%dma_wait3A_1588, %dma_wait3A_1589, %dma_wait3A_1590] : memref<12x64x128xf32, #tpu.memory_space<vmem>> -> memref<1x64x128xf32, #tpu.memory_space<vmem>>
      %dma_wait3A_1592 = tpu.memref_squeeze %dma_wait3A_1591 : memref<1x64x128xf32, #tpu.memory_space<vmem>> -> memref<64x128xf32, #tpu.memory_space<vmem>>
      %dma_wait3A_1593 = arith.constant 0 : i32
      %dma_wait3A_1594 = tpu.memref_slice %arg5[%dma_wait3A_1587, %dma_wait3A_1593] : memref<50x128xi32, #tpu.memory_space<vmem>> -> memref<1x64xi32, #tpu.memory_space<vmem>>
      %dma_wait3A_1595 = tpu.memref_squeeze %dma_wait3A_1594 : memref<1x64xi32, #tpu.memory_space<vmem>> -> memref<64xi32, #tpu.memory_space<vmem>>
      %dma_wait3A_1596 = arith.constant 0 : i32
      %dma_wait3A_1597 = arith.constant 0 : i32
      %dma_wait3A_1598 = tpu.memref_slice %arg2[%dma_wait3A_1596, %dma_wait3A_1597] : memref<100000x128xf32, #tpu.memory_space<hbm>> -> memref<100000x128xf32, #tpu.memory_space<hbm>>
      tpu.wait_indirect_dma semaphore(%arg16 : memref<!tpu.dma_semaphore, #tpu.memory_space<semaphore_mem>>) src(%dma_wait3A_1598 : memref<100000x128xf32, #tpu.memory_space<hbm>>) dst(%dma_wait3A_1592 : memref<64x128xf32, #tpu.memory_space<vmem>>)
      %add3A_1599 = arith.constant 4 : i32
      %add3A_1600 = arith.addi %mul3A_959, %add3A_1599 : i32
      %add3A_1601 = arith.constant 64 : i32
      %add3A_1602 = arith.addi %mul3A_2, %add3A_1601 : i32
      %dma_start3A_1603 = arith.constant 9 : i32
      %dma_start3A_1604 = arith.constant 0 : i32
      %dma_start3A_1605 = arith.constant 0 : i32
      %dma_start3A_1606 = tpu.memref_slice %arg6[%dma_start3A_1603, %dma_start3A_1604, %dma_start3A_1605] : memref<12x64x128xf32, #tpu.memory_space<vmem>> -> memref<1x64x128xf32, #tpu.memory_space<vmem>>
      %dma_start3A_1607 = tpu.memref_squeeze %dma_start3A_1606 : memref<1x64x128xf32, #tpu.memory_space<vmem>> -> memref<64x128xf32, #tpu.memory_space<vmem>>
      %dma_start3A_1608 = arith.constant 0 : i32
      %dma_start3A_1609 = tpu.memref_slice %arg4[%add3A_1600, %add3A_1602, %dma_start3A_1608] : memref<50x4096x128xf32, #tpu.memory_space<hbm>> -> memref<1x64x128xf32, #tpu.memory_space<hbm>>
      %dma_start3A_1610 = tpu.memref_squeeze %dma_start3A_1609 : memref<1x64x128xf32, #tpu.memory_space<hbm>> -> memref<64x128xf32, #tpu.memory_space<hbm>>
      %dma_start3A_1611 = arith.constant 0 : i32
      %dma_start3A_1612 = tpu.memref_slice %arg4[%add3A_1600, %add3A_1602, %dma_start3A_1611] : memref<50x4096x128xf32, #tpu.memory_space<hbm>> -> memref<1x64x128xf32, #tpu.memory_space<hbm>>
      %dma_start3A_1613 = tpu.memref_squeeze %dma_start3A_1612 : memref<1x64x128xf32, #tpu.memory_space<hbm>> -> memref<64x128xf32, #tpu.memory_space<hbm>>
      %dma_start3A_1614 = arith.constant 0 : i32
      %dma_start3A_1615 = arith.constant 0 : i32
      %dma_start3A_1616 = tpu.memref_slice %arg6[%dma_start3A_1603, %dma_start3A_1614, %dma_start3A_1615] : memref<12x64x128xf32, #tpu.memory_space<vmem>> -> memref<1x64x128xf32, #tpu.memory_space<vmem>>
      %dma_start3A_1617 = tpu.memref_squeeze %dma_start3A_1616 : memref<1x64x128xf32, #tpu.memory_space<vmem>> -> memref<64x128xf32, #tpu.memory_space<vmem>>
      tpu.enqueue_dma source(%dma_start3A_1617 : memref<64x128xf32, #tpu.memory_space<vmem>>) target(%dma_start3A_1613 : memref<64x128xf32, #tpu.memory_space<hbm>>) target_semaphore(%arg28 : memref<!tpu.dma_semaphore, #tpu.memory_space<semaphore_mem>>)
      %dma_wait3A_1618 = arith.constant 0 : i32
      %dma_wait3A_1619 = arith.constant 10 : i32
      %dma_wait3A_1620 = arith.constant 0 : i32
      %dma_wait3A_1621 = arith.constant 0 : i32
      %dma_wait3A_1622 = tpu.memref_slice %arg6[%dma_wait3A_1619, %dma_wait3A_1620, %dma_wait3A_1621] : memref<12x64x128xf32, #tpu.memory_space<vmem>> -> memref<1x64x128xf32, #tpu.memory_space<vmem>>
      %dma_wait3A_1623 = tpu.memref_squeeze %dma_wait3A_1622 : memref<1x64x128xf32, #tpu.memory_space<vmem>> -> memref<64x128xf32, #tpu.memory_space<vmem>>
      %dma_wait3A_1624 = arith.constant 0 : i32
      %dma_wait3A_1625 = tpu.memref_slice %arg5[%dma_wait3A_1618, %dma_wait3A_1624] : memref<50x128xi32, #tpu.memory_space<vmem>> -> memref<1x64xi32, #tpu.memory_space<vmem>>
      %dma_wait3A_1626 = tpu.memref_squeeze %dma_wait3A_1625 : memref<1x64xi32, #tpu.memory_space<vmem>> -> memref<64xi32, #tpu.memory_space<vmem>>
      %dma_wait3A_1627 = arith.constant 0 : i32
      %dma_wait3A_1628 = arith.constant 0 : i32
      %dma_wait3A_1629 = tpu.memref_slice %arg2[%dma_wait3A_1627, %dma_wait3A_1628] : memref<100000x128xf32, #tpu.memory_space<hbm>> -> memref<100000x128xf32, #tpu.memory_space<hbm>>
      tpu.wait_indirect_dma semaphore(%arg17 : memref<!tpu.dma_semaphore, #tpu.memory_space<semaphore_mem>>) src(%dma_wait3A_1629 : memref<100000x128xf32, #tpu.memory_space<hbm>>) dst(%dma_wait3A_1623 : memref<64x128xf32, #tpu.memory_space<vmem>>)
      %add3A_1630 = arith.constant 5 : i32
      %add3A_1631 = arith.addi %mul3A_959, %add3A_1630 : i32
      %add3A_1632 = arith.constant 0 : i32
      %add3A_1633 = arith.addi %mul3A_2, %add3A_1632 : i32
      %dma_start3A_1634 = arith.constant 10 : i32
      %dma_start3A_1635 = arith.constant 0 : i32
      %dma_start3A_1636 = arith.constant 0 : i32
      %dma_start3A_1637 = tpu.memref_slice %arg6[%dma_start3A_1634, %dma_start3A_1635, %dma_start3A_1636] : memref<12x64x128xf32, #tpu.memory_space<vmem>> -> memref<1x64x128xf32, #tpu.memory_space<vmem>>
      %dma_start3A_1638 = tpu.memref_squeeze %dma_start3A_1637 : memref<1x64x128xf32, #tpu.memory_space<vmem>> -> memref<64x128xf32, #tpu.memory_space<vmem>>
      %dma_start3A_1639 = arith.constant 0 : i32
      %dma_start3A_1640 = tpu.memref_slice %arg4[%add3A_1631, %add3A_1633, %dma_start3A_1639] : memref<50x4096x128xf32, #tpu.memory_space<hbm>> -> memref<1x64x128xf32, #tpu.memory_space<hbm>>
      %dma_start3A_1641 = tpu.memref_squeeze %dma_start3A_1640 : memref<1x64x128xf32, #tpu.memory_space<hbm>> -> memref<64x128xf32, #tpu.memory_space<hbm>>
      %dma_start3A_1642 = arith.constant 0 : i32
      %dma_start3A_1643 = tpu.memref_slice %arg4[%add3A_1631, %add3A_1633, %dma_start3A_1642] : memref<50x4096x128xf32, #tpu.memory_space<hbm>> -> memref<1x64x128xf32, #tpu.memory_space<hbm>>
      %dma_start3A_1644 = tpu.memref_squeeze %dma_start3A_1643 : memref<1x64x128xf32, #tpu.memory_space<hbm>> -> memref<64x128xf32, #tpu.memory_space<hbm>>
      %dma_start3A_1645 = arith.constant 0 : i32
      %dma_start3A_1646 = arith.constant 0 : i32
      %dma_start3A_1647 = tpu.memref_slice %arg6[%dma_start3A_1634, %dma_start3A_1645, %dma_start3A_1646] : memref<12x64x128xf32, #tpu.memory_space<vmem>> -> memref<1x64x128xf32, #tpu.memory_space<vmem>>
      %dma_start3A_1648 = tpu.memref_squeeze %dma_start3A_1647 : memref<1x64x128xf32, #tpu.memory_space<vmem>> -> memref<64x128xf32, #tpu.memory_space<vmem>>
      tpu.enqueue_dma source(%dma_start3A_1648 : memref<64x128xf32, #tpu.memory_space<vmem>>) target(%dma_start3A_1644 : memref<64x128xf32, #tpu.memory_space<hbm>>) target_semaphore(%arg29 : memref<!tpu.dma_semaphore, #tpu.memory_space<semaphore_mem>>)
      %dma_wait3A_1649 = arith.constant 0 : i32
      %dma_wait3A_1650 = arith.constant 11 : i32
      %dma_wait3A_1651 = arith.constant 0 : i32
      %dma_wait3A_1652 = arith.constant 0 : i32
      %dma_wait3A_1653 = tpu.memref_slice %arg6[%dma_wait3A_1650, %dma_wait3A_1651, %dma_wait3A_1652] : memref<12x64x128xf32, #tpu.memory_space<vmem>> -> memref<1x64x128xf32, #tpu.memory_space<vmem>>
      %dma_wait3A_1654 = tpu.memref_squeeze %dma_wait3A_1653 : memref<1x64x128xf32, #tpu.memory_space<vmem>> -> memref<64x128xf32, #tpu.memory_space<vmem>>
      %dma_wait3A_1655 = arith.constant 0 : i32
      %dma_wait3A_1656 = tpu.memref_slice %arg5[%dma_wait3A_1649, %dma_wait3A_1655] : memref<50x128xi32, #tpu.memory_space<vmem>> -> memref<1x64xi32, #tpu.memory_space<vmem>>
      %dma_wait3A_1657 = tpu.memref_squeeze %dma_wait3A_1656 : memref<1x64xi32, #tpu.memory_space<vmem>> -> memref<64xi32, #tpu.memory_space<vmem>>
      %dma_wait3A_1658 = arith.constant 0 : i32
      %dma_wait3A_1659 = arith.constant 0 : i32
      %dma_wait3A_1660 = tpu.memref_slice %arg2[%dma_wait3A_1658, %dma_wait3A_1659] : memref<100000x128xf32, #tpu.memory_space<hbm>> -> memref<100000x128xf32, #tpu.memory_space<hbm>>
      tpu.wait_indirect_dma semaphore(%arg18 : memref<!tpu.dma_semaphore, #tpu.memory_space<semaphore_mem>>) src(%dma_wait3A_1660 : memref<100000x128xf32, #tpu.memory_space<hbm>>) dst(%dma_wait3A_1654 : memref<64x128xf32, #tpu.memory_space<vmem>>)
      %add3A_1661 = arith.constant 5 : i32
      %add3A_1662 = arith.addi %mul3A_959, %add3A_1661 : i32
      %add3A_1663 = arith.constant 64 : i32
      %add3A_1664 = arith.addi %mul3A_2, %add3A_1663 : i32
      %dma_start3A_1665 = arith.constant 11 : i32
      %dma_start3A_1666 = arith.constant 0 : i32
      %dma_start3A_1667 = arith.constant 0 : i32
      %dma_start3A_1668 = tpu.memref_slice %arg6[%dma_start3A_1665, %dma_start3A_1666, %dma_start3A_1667] : memref<12x64x128xf32, #tpu.memory_space<vmem>> -> memref<1x64x128xf32, #tpu.memory_space<vmem>>
      %dma_start3A_1669 = tpu.memref_squeeze %dma_start3A_1668 : memref<1x64x128xf32, #tpu.memory_space<vmem>> -> memref<64x128xf32, #tpu.memory_space<vmem>>
      %dma_start3A_1670 = arith.constant 0 : i32
      %dma_start3A_1671 = tpu.memref_slice %arg4[%add3A_1662, %add3A_1664, %dma_start3A_1670] : memref<50x4096x128xf32, #tpu.memory_space<hbm>> -> memref<1x64x128xf32, #tpu.memory_space<hbm>>
      %dma_start3A_1672 = tpu.memref_squeeze %dma_start3A_1671 : memref<1x64x128xf32, #tpu.memory_space<hbm>> -> memref<64x128xf32, #tpu.memory_space<hbm>>
      %dma_start3A_1673 = arith.constant 0 : i32
      %dma_start3A_1674 = tpu.memref_slice %arg4[%add3A_1662, %add3A_1664, %dma_start3A_1673] : memref<50x4096x128xf32, #tpu.memory_space<hbm>> -> memref<1x64x128xf32, #tpu.memory_space<hbm>>
      %dma_start3A_1675 = tpu.memref_squeeze %dma_start3A_1674 : memref<1x64x128xf32, #tpu.memory_space<hbm>> -> memref<64x128xf32, #tpu.memory_space<hbm>>
      %dma_start3A_1676 = arith.constant 0 : i32
      %dma_start3A_1677 = arith.constant 0 : i32
      %dma_start3A_1678 = tpu.memref_slice %arg6[%dma_start3A_1665, %dma_start3A_1676, %dma_start3A_1677] : memref<12x64x128xf32, #tpu.memory_space<vmem>> -> memref<1x64x128xf32, #tpu.memory_space<vmem>>
      %dma_start3A_1679 = tpu.memref_squeeze %dma_start3A_1678 : memref<1x64x128xf32, #tpu.memory_space<vmem>> -> memref<64x128xf32, #tpu.memory_space<vmem>>
      tpu.enqueue_dma source(%dma_start3A_1679 : memref<64x128xf32, #tpu.memory_space<vmem>>) target(%dma_start3A_1675 : memref<64x128xf32, #tpu.memory_space<hbm>>) target_semaphore(%arg30 : memref<!tpu.dma_semaphore, #tpu.memory_space<semaphore_mem>>)
    }
    %scan3A_528 = arith.constant 7 : i32
    %dma_wait3A_529 = arith.constant 0 : i32
    %dma_wait3A_530 = arith.constant 0 : i32
    %dma_wait3A_531 = arith.constant 0 : i32
    %dma_wait3A_532 = arith.constant 0 : i32
    %dma_wait3A_533 = tpu.memref_slice %arg6[%dma_wait3A_529, %dma_wait3A_531, %dma_wait3A_532] : memref<12x64x128xf32, #tpu.memory_space<vmem>> -> memref<1x64x128xf32, #tpu.memory_space<vmem>>
    %dma_wait3A_534 = tpu.memref_squeeze %dma_wait3A_533 : memref<1x64x128xf32, #tpu.memory_space<vmem>> -> memref<64x128xf32, #tpu.memory_space<vmem>>
    %dma_wait3A_535 = arith.constant 0 : i32
    %dma_wait3A_536 = tpu.memref_slice %arg4[%dma_wait3A_530, %mul3A_2, %dma_wait3A_535] : memref<50x4096x128xf32, #tpu.memory_space<hbm>> -> memref<1x64x128xf32, #tpu.memory_space<hbm>>
    %dma_wait3A_537 = tpu.memref_squeeze %dma_wait3A_536 : memref<1x64x128xf32, #tpu.memory_space<hbm>> -> memref<64x128xf32, #tpu.memory_space<hbm>>
    %dma_wait3A_538 = arith.constant 0 : i32
    %dma_wait3A_539 = tpu.memref_slice %arg4[%dma_wait3A_530, %mul3A_2, %dma_wait3A_538] : memref<50x4096x128xf32, #tpu.memory_space<hbm>> -> memref<1x64x128xf32, #tpu.memory_space<hbm>>
    %dma_wait3A_540 = tpu.memref_squeeze %dma_wait3A_539 : memref<1x64x128xf32, #tpu.memory_space<hbm>> -> memref<64x128xf32, #tpu.memory_space<hbm>>
    %dma_wait3A_541 = arith.constant 0 : i32
    %dma_wait3A_542 = arith.constant 0 : i32
    %dma_wait3A_543 = tpu.memref_slice %arg6[%dma_wait3A_529, %dma_wait3A_541, %dma_wait3A_542] : memref<12x64x128xf32, #tpu.memory_space<vmem>> -> memref<1x64x128xf32, #tpu.memory_space<vmem>>
    %dma_wait3A_544 = tpu.memref_squeeze %dma_wait3A_543 : memref<1x64x128xf32, #tpu.memory_space<vmem>> -> memref<64x128xf32, #tpu.memory_space<vmem>>
    tpu.wait_dma2 semaphore(%arg19 : memref<!tpu.dma_semaphore, #tpu.memory_space<semaphore_mem>>) src(%dma_wait3A_544 : memref<64x128xf32, #tpu.memory_space<vmem>>) dst(%dma_wait3A_540 : memref<64x128xf32, #tpu.memory_space<hbm>>)
    %dma_start3A_545 = arith.constant 48 : i32
    %dma_start3A_546 = arith.constant 0 : i32
    %dma_start3A_547 = arith.constant 0 : i32
    %dma_start3A_548 = arith.constant 0 : i32
    %dma_start3A_549 = tpu.memref_slice %arg6[%dma_start3A_546, %dma_start3A_547, %dma_start3A_548] : memref<12x64x128xf32, #tpu.memory_space<vmem>> -> memref<1x64x128xf32, #tpu.memory_space<vmem>>
    %dma_start3A_550 = tpu.memref_squeeze %dma_start3A_549 : memref<1x64x128xf32, #tpu.memory_space<vmem>> -> memref<64x128xf32, #tpu.memory_space<vmem>>
    %dma_start3A_551 = arith.constant 0 : i32
    %dma_start3A_552 = tpu.memref_slice %arg5[%dma_start3A_545, %dma_start3A_551] : memref<50x128xi32, #tpu.memory_space<vmem>> -> memref<1x64xi32, #tpu.memory_space<vmem>>
    %dma_start3A_553 = tpu.memref_squeeze %dma_start3A_552 : memref<1x64xi32, #tpu.memory_space<vmem>> -> memref<64xi32, #tpu.memory_space<vmem>>
    %dma_start3A_554 = arith.constant 0 : i32
    %dma_start3A_555 = arith.constant 0 : i32
    %dma_start3A_556 = tpu.memref_slice %arg2[%dma_start3A_554, %dma_start3A_555] : memref<100000x128xf32, #tpu.memory_space<hbm>> -> memref<100000x128xf32, #tpu.memory_space<hbm>>
    tpu.enqueue_indirect_dma source(%dma_start3A_556 : memref<100000x128xf32, #tpu.memory_space<hbm>>) target(%dma_start3A_550 : memref<64x128xf32, #tpu.memory_space<vmem>>) offsets(%dma_start3A_553 : memref<64xi32, #tpu.memory_space<vmem>>) semaphore(%arg7 : memref<!tpu.dma_semaphore, #tpu.memory_space<semaphore_mem>>)
    %dma_wait3A_557 = arith.constant 1 : i32
    %dma_wait3A_558 = arith.constant 0 : i32
    %dma_wait3A_559 = arith.constant 0 : i32
    %dma_wait3A_560 = arith.constant 0 : i32
    %dma_wait3A_561 = tpu.memref_slice %arg6[%dma_wait3A_557, %dma_wait3A_559, %dma_wait3A_560] : memref<12x64x128xf32, #tpu.memory_space<vmem>> -> memref<1x64x128xf32, #tpu.memory_space<vmem>>
    %dma_wait3A_562 = tpu.memref_squeeze %dma_wait3A_561 : memref<1x64x128xf32, #tpu.memory_space<vmem>> -> memref<64x128xf32, #tpu.memory_space<vmem>>
    %dma_wait3A_563 = arith.constant 0 : i32
    %dma_wait3A_564 = tpu.memref_slice %arg4[%dma_wait3A_558, %mul3A_2, %dma_wait3A_563] : memref<50x4096x128xf32, #tpu.memory_space<hbm>> -> memref<1x64x128xf32, #tpu.memory_space<hbm>>
    %dma_wait3A_565 = tpu.memref_squeeze %dma_wait3A_564 : memref<1x64x128xf32, #tpu.memory_space<hbm>> -> memref<64x128xf32, #tpu.memory_space<hbm>>
    %dma_wait3A_566 = arith.constant 0 : i32
    %dma_wait3A_567 = tpu.memref_slice %arg4[%dma_wait3A_558, %mul3A_2, %dma_wait3A_566] : memref<50x4096x128xf32, #tpu.memory_space<hbm>> -> memref<1x64x128xf32, #tpu.memory_space<hbm>>
    %dma_wait3A_568 = tpu.memref_squeeze %dma_wait3A_567 : memref<1x64x128xf32, #tpu.memory_space<hbm>> -> memref<64x128xf32, #tpu.memory_space<hbm>>
    %dma_wait3A_569 = arith.constant 0 : i32
    %dma_wait3A_570 = arith.constant 0 : i32
    %dma_wait3A_571 = tpu.memref_slice %arg6[%dma_wait3A_557, %dma_wait3A_569, %dma_wait3A_570] : memref<12x64x128xf32, #tpu.memory_space<vmem>> -> memref<1x64x128xf32, #tpu.memory_space<vmem>>
    %dma_wait3A_572 = tpu.memref_squeeze %dma_wait3A_571 : memref<1x64x128xf32, #tpu.memory_space<vmem>> -> memref<64x128xf32, #tpu.memory_space<vmem>>
    tpu.wait_dma2 semaphore(%arg20 : memref<!tpu.dma_semaphore, #tpu.memory_space<semaphore_mem>>) src(%dma_wait3A_572 : memref<64x128xf32, #tpu.memory_space<vmem>>) dst(%dma_wait3A_568 : memref<64x128xf32, #tpu.memory_space<hbm>>)
    %dma_start3A_573 = arith.constant 48 : i32
    %dma_start3A_574 = arith.constant 1 : i32
    %dma_start3A_575 = arith.constant 0 : i32
    %dma_start3A_576 = arith.constant 0 : i32
    %dma_start3A_577 = tpu.memref_slice %arg6[%dma_start3A_574, %dma_start3A_575, %dma_start3A_576] : memref<12x64x128xf32, #tpu.memory_space<vmem>> -> memref<1x64x128xf32, #tpu.memory_space<vmem>>
    %dma_start3A_578 = tpu.memref_squeeze %dma_start3A_577 : memref<1x64x128xf32, #tpu.memory_space<vmem>> -> memref<64x128xf32, #tpu.memory_space<vmem>>
    %dma_start3A_579 = arith.constant 64 : i32
    %dma_start3A_580 = tpu.memref_slice %arg5[%dma_start3A_573, %dma_start3A_579] : memref<50x128xi32, #tpu.memory_space<vmem>> -> memref<1x64xi32, #tpu.memory_space<vmem>>
    %dma_start3A_581 = tpu.memref_squeeze %dma_start3A_580 : memref<1x64xi32, #tpu.memory_space<vmem>> -> memref<64xi32, #tpu.memory_space<vmem>>
    %dma_start3A_582 = arith.constant 0 : i32
    %dma_start3A_583 = arith.constant 0 : i32
    %dma_start3A_584 = tpu.memref_slice %arg2[%dma_start3A_582, %dma_start3A_583] : memref<100000x128xf32, #tpu.memory_space<hbm>> -> memref<100000x128xf32, #tpu.memory_space<hbm>>
    tpu.enqueue_indirect_dma source(%dma_start3A_584 : memref<100000x128xf32, #tpu.memory_space<hbm>>) target(%dma_start3A_578 : memref<64x128xf32, #tpu.memory_space<vmem>>) offsets(%dma_start3A_581 : memref<64xi32, #tpu.memory_space<vmem>>) semaphore(%arg8 : memref<!tpu.dma_semaphore, #tpu.memory_space<semaphore_mem>>)
    %dma_wait3A_585 = arith.constant 2 : i32
    %dma_wait3A_586 = arith.constant 0 : i32
    %dma_wait3A_587 = arith.constant 0 : i32
    %dma_wait3A_588 = arith.constant 0 : i32
    %dma_wait3A_589 = tpu.memref_slice %arg6[%dma_wait3A_585, %dma_wait3A_587, %dma_wait3A_588] : memref<12x64x128xf32, #tpu.memory_space<vmem>> -> memref<1x64x128xf32, #tpu.memory_space<vmem>>
    %dma_wait3A_590 = tpu.memref_squeeze %dma_wait3A_589 : memref<1x64x128xf32, #tpu.memory_space<vmem>> -> memref<64x128xf32, #tpu.memory_space<vmem>>
    %dma_wait3A_591 = arith.constant 0 : i32
    %dma_wait3A_592 = tpu.memref_slice %arg4[%dma_wait3A_586, %mul3A_2, %dma_wait3A_591] : memref<50x4096x128xf32, #tpu.memory_space<hbm>> -> memref<1x64x128xf32, #tpu.memory_space<hbm>>
    %dma_wait3A_593 = tpu.memref_squeeze %dma_wait3A_592 : memref<1x64x128xf32, #tpu.memory_space<hbm>> -> memref<64x128xf32, #tpu.memory_space<hbm>>
    %dma_wait3A_594 = arith.constant 0 : i32
    %dma_wait3A_595 = tpu.memref_slice %arg4[%dma_wait3A_586, %mul3A_2, %dma_wait3A_594] : memref<50x4096x128xf32, #tpu.memory_space<hbm>> -> memref<1x64x128xf32, #tpu.memory_space<hbm>>
    %dma_wait3A_596 = tpu.memref_squeeze %dma_wait3A_595 : memref<1x64x128xf32, #tpu.memory_space<hbm>> -> memref<64x128xf32, #tpu.memory_space<hbm>>
    %dma_wait3A_597 = arith.constant 0 : i32
    %dma_wait3A_598 = arith.constant 0 : i32
    %dma_wait3A_599 = tpu.memref_slice %arg6[%dma_wait3A_585, %dma_wait3A_597, %dma_wait3A_598] : memref<12x64x128xf32, #tpu.memory_space<vmem>> -> memref<1x64x128xf32, #tpu.memory_space<vmem>>
    %dma_wait3A_600 = tpu.memref_squeeze %dma_wait3A_599 : memref<1x64x128xf32, #tpu.memory_space<vmem>> -> memref<64x128xf32, #tpu.memory_space<vmem>>
    tpu.wait_dma2 semaphore(%arg21 : memref<!tpu.dma_semaphore, #tpu.memory_space<semaphore_mem>>) src(%dma_wait3A_600 : memref<64x128xf32, #tpu.memory_space<vmem>>) dst(%dma_wait3A_596 : memref<64x128xf32, #tpu.memory_space<hbm>>)
    %dma_start3A_601 = arith.constant 49 : i32
    %dma_start3A_602 = arith.constant 2 : i32
    %dma_start3A_603 = arith.constant 0 : i32
    %dma_start3A_604 = arith.constant 0 : i32
    %dma_start3A_605 = tpu.memref_slice %arg6[%dma_start3A_602, %dma_start3A_603, %dma_start3A_604] : memref<12x64x128xf32, #tpu.memory_space<vmem>> -> memref<1x64x128xf32, #tpu.memory_space<vmem>>
    %dma_start3A_606 = tpu.memref_squeeze %dma_start3A_605 : memref<1x64x128xf32, #tpu.memory_space<vmem>> -> memref<64x128xf32, #tpu.memory_space<vmem>>
    %dma_start3A_607 = arith.constant 0 : i32
    %dma_start3A_608 = tpu.memref_slice %arg5[%dma_start3A_601, %dma_start3A_607] : memref<50x128xi32, #tpu.memory_space<vmem>> -> memref<1x64xi32, #tpu.memory_space<vmem>>
    %dma_start3A_609 = tpu.memref_squeeze %dma_start3A_608 : memref<1x64xi32, #tpu.memory_space<vmem>> -> memref<64xi32, #tpu.memory_space<vmem>>
    %dma_start3A_610 = arith.constant 0 : i32
    %dma_start3A_611 = arith.constant 0 : i32
    %dma_start3A_612 = tpu.memref_slice %arg2[%dma_start3A_610, %dma_start3A_611] : memref<100000x128xf32, #tpu.memory_space<hbm>> -> memref<100000x128xf32, #tpu.memory_space<hbm>>
    tpu.enqueue_indirect_dma source(%dma_start3A_612 : memref<100000x128xf32, #tpu.memory_space<hbm>>) target(%dma_start3A_606 : memref<64x128xf32, #tpu.memory_space<vmem>>) offsets(%dma_start3A_609 : memref<64xi32, #tpu.memory_space<vmem>>) semaphore(%arg9 : memref<!tpu.dma_semaphore, #tpu.memory_space<semaphore_mem>>)
    %dma_wait3A_613 = arith.constant 3 : i32
    %dma_wait3A_614 = arith.constant 0 : i32
    %dma_wait3A_615 = arith.constant 0 : i32
    %dma_wait3A_616 = arith.constant 0 : i32
    %dma_wait3A_617 = tpu.memref_slice %arg6[%dma_wait3A_613, %dma_wait3A_615, %dma_wait3A_616] : memref<12x64x128xf32, #tpu.memory_space<vmem>> -> memref<1x64x128xf32, #tpu.memory_space<vmem>>
    %dma_wait3A_618 = tpu.memref_squeeze %dma_wait3A_617 : memref<1x64x128xf32, #tpu.memory_space<vmem>> -> memref<64x128xf32, #tpu.memory_space<vmem>>
    %dma_wait3A_619 = arith.constant 0 : i32
    %dma_wait3A_620 = tpu.memref_slice %arg4[%dma_wait3A_614, %mul3A_2, %dma_wait3A_619] : memref<50x4096x128xf32, #tpu.memory_space<hbm>> -> memref<1x64x128xf32, #tpu.memory_space<hbm>>
    %dma_wait3A_621 = tpu.memref_squeeze %dma_wait3A_620 : memref<1x64x128xf32, #tpu.memory_space<hbm>> -> memref<64x128xf32, #tpu.memory_space<hbm>>
    %dma_wait3A_622 = arith.constant 0 : i32
    %dma_wait3A_623 = tpu.memref_slice %arg4[%dma_wait3A_614, %mul3A_2, %dma_wait3A_622] : memref<50x4096x128xf32, #tpu.memory_space<hbm>> -> memref<1x64x128xf32, #tpu.memory_space<hbm>>
    %dma_wait3A_624 = tpu.memref_squeeze %dma_wait3A_623 : memref<1x64x128xf32, #tpu.memory_space<hbm>> -> memref<64x128xf32, #tpu.memory_space<hbm>>
    %dma_wait3A_625 = arith.constant 0 : i32
    %dma_wait3A_626 = arith.constant 0 : i32
    %dma_wait3A_627 = tpu.memref_slice %arg6[%dma_wait3A_613, %dma_wait3A_625, %dma_wait3A_626] : memref<12x64x128xf32, #tpu.memory_space<vmem>> -> memref<1x64x128xf32, #tpu.memory_space<vmem>>
    %dma_wait3A_628 = tpu.memref_squeeze %dma_wait3A_627 : memref<1x64x128xf32, #tpu.memory_space<vmem>> -> memref<64x128xf32, #tpu.memory_space<vmem>>
    tpu.wait_dma2 semaphore(%arg22 : memref<!tpu.dma_semaphore, #tpu.memory_space<semaphore_mem>>) src(%dma_wait3A_628 : memref<64x128xf32, #tpu.memory_space<vmem>>) dst(%dma_wait3A_624 : memref<64x128xf32, #tpu.memory_space<hbm>>)
    %dma_start3A_629 = arith.constant 49 : i32
    %dma_start3A_630 = arith.constant 3 : i32
    %dma_start3A_631 = arith.constant 0 : i32
    %dma_start3A_632 = arith.constant 0 : i32
    %dma_start3A_633 = tpu.memref_slice %arg6[%dma_start3A_630, %dma_start3A_631, %dma_start3A_632] : memref<12x64x128xf32, #tpu.memory_space<vmem>> -> memref<1x64x128xf32, #tpu.memory_space<vmem>>
    %dma_start3A_634 = tpu.memref_squeeze %dma_start3A_633 : memref<1x64x128xf32, #tpu.memory_space<vmem>> -> memref<64x128xf32, #tpu.memory_space<vmem>>
    %dma_start3A_635 = arith.constant 64 : i32
    %dma_start3A_636 = tpu.memref_slice %arg5[%dma_start3A_629, %dma_start3A_635] : memref<50x128xi32, #tpu.memory_space<vmem>> -> memref<1x64xi32, #tpu.memory_space<vmem>>
    %dma_start3A_637 = tpu.memref_squeeze %dma_start3A_636 : memref<1x64xi32, #tpu.memory_space<vmem>> -> memref<64xi32, #tpu.memory_space<vmem>>
    %dma_start3A_638 = arith.constant 0 : i32
    %dma_start3A_639 = arith.constant 0 : i32
    %dma_start3A_640 = tpu.memref_slice %arg2[%dma_start3A_638, %dma_start3A_639] : memref<100000x128xf32, #tpu.memory_space<hbm>> -> memref<100000x128xf32, #tpu.memory_space<hbm>>
    tpu.enqueue_indirect_dma source(%dma_start3A_640 : memref<100000x128xf32, #tpu.memory_space<hbm>>) target(%dma_start3A_634 : memref<64x128xf32, #tpu.memory_space<vmem>>) offsets(%dma_start3A_637 : memref<64xi32, #tpu.memory_space<vmem>>) semaphore(%arg10 : memref<!tpu.dma_semaphore, #tpu.memory_space<semaphore_mem>>)
    %dma_wait3A_641 = arith.constant 0 : i32
    %dma_wait3A_642 = arith.constant 0 : i32
    %dma_wait3A_643 = arith.constant 0 : i32
    %dma_wait3A_644 = arith.constant 0 : i32
    %dma_wait3A_645 = tpu.memref_slice %arg6[%dma_wait3A_642, %dma_wait3A_643, %dma_wait3A_644] : memref<12x64x128xf32, #tpu.memory_space<vmem>> -> memref<1x64x128xf32, #tpu.memory_space<vmem>>
    %dma_wait3A_646 = tpu.memref_squeeze %dma_wait3A_645 : memref<1x64x128xf32, #tpu.memory_space<vmem>> -> memref<64x128xf32, #tpu.memory_space<vmem>>
    %dma_wait3A_647 = arith.constant 0 : i32
    %dma_wait3A_648 = tpu.memref_slice %arg5[%dma_wait3A_641, %dma_wait3A_647] : memref<50x128xi32, #tpu.memory_space<vmem>> -> memref<1x64xi32, #tpu.memory_space<vmem>>
    %dma_wait3A_649 = tpu.memref_squeeze %dma_wait3A_648 : memref<1x64xi32, #tpu.memory_space<vmem>> -> memref<64xi32, #tpu.memory_space<vmem>>
    %dma_wait3A_650 = arith.constant 0 : i32
    %dma_wait3A_651 = arith.constant 0 : i32
    %dma_wait3A_652 = tpu.memref_slice %arg2[%dma_wait3A_650, %dma_wait3A_651] : memref<100000x128xf32, #tpu.memory_space<hbm>> -> memref<100000x128xf32, #tpu.memory_space<hbm>>
    tpu.wait_indirect_dma semaphore(%arg7 : memref<!tpu.dma_semaphore, #tpu.memory_space<semaphore_mem>>) src(%dma_wait3A_652 : memref<100000x128xf32, #tpu.memory_space<hbm>>) dst(%dma_wait3A_646 : memref<64x128xf32, #tpu.memory_space<vmem>>)
    %add3A_653 = arith.constant 0 : i32
    %add3A_654 = arith.addi %mul3A_2, %add3A_653 : i32
    %dma_start3A_655 = arith.constant 0 : i32
    %dma_start3A_656 = arith.constant 48 : i32
    %dma_start3A_657 = arith.constant 0 : i32
    %dma_start3A_658 = arith.constant 0 : i32
    %dma_start3A_659 = tpu.memref_slice %arg6[%dma_start3A_655, %dma_start3A_657, %dma_start3A_658] : memref<12x64x128xf32, #tpu.memory_space<vmem>> -> memref<1x64x128xf32, #tpu.memory_space<vmem>>
    %dma_start3A_660 = tpu.memref_squeeze %dma_start3A_659 : memref<1x64x128xf32, #tpu.memory_space<vmem>> -> memref<64x128xf32, #tpu.memory_space<vmem>>
    %dma_start3A_661 = arith.constant 0 : i32
    %dma_start3A_662 = tpu.memref_slice %arg4[%dma_start3A_656, %add3A_654, %dma_start3A_661] : memref<50x4096x128xf32, #tpu.memory_space<hbm>> -> memref<1x64x128xf32, #tpu.memory_space<hbm>>
    %dma_start3A_663 = tpu.memref_squeeze %dma_start3A_662 : memref<1x64x128xf32, #tpu.memory_space<hbm>> -> memref<64x128xf32, #tpu.memory_space<hbm>>
    %dma_start3A_664 = arith.constant 0 : i32
    %dma_start3A_665 = tpu.memref_slice %arg4[%dma_start3A_656, %add3A_654, %dma_start3A_664] : memref<50x4096x128xf32, #tpu.memory_space<hbm>> -> memref<1x64x128xf32, #tpu.memory_space<hbm>>
    %dma_start3A_666 = tpu.memref_squeeze %dma_start3A_665 : memref<1x64x128xf32, #tpu.memory_space<hbm>> -> memref<64x128xf32, #tpu.memory_space<hbm>>
    %dma_start3A_667 = arith.constant 0 : i32
    %dma_start3A_668 = arith.constant 0 : i32
    %dma_start3A_669 = tpu.memref_slice %arg6[%dma_start3A_655, %dma_start3A_667, %dma_start3A_668] : memref<12x64x128xf32, #tpu.memory_space<vmem>> -> memref<1x64x128xf32, #tpu.memory_space<vmem>>
    %dma_start3A_670 = tpu.memref_squeeze %dma_start3A_669 : memref<1x64x128xf32, #tpu.memory_space<vmem>> -> memref<64x128xf32, #tpu.memory_space<vmem>>
    tpu.enqueue_dma source(%dma_start3A_670 : memref<64x128xf32, #tpu.memory_space<vmem>>) target(%dma_start3A_666 : memref<64x128xf32, #tpu.memory_space<hbm>>) target_semaphore(%arg19 : memref<!tpu.dma_semaphore, #tpu.memory_space<semaphore_mem>>)
    %dma_wait3A_671 = arith.constant 0 : i32
    %dma_wait3A_672 = arith.constant 1 : i32
    %dma_wait3A_673 = arith.constant 0 : i32
    %dma_wait3A_674 = arith.constant 0 : i32
    %dma_wait3A_675 = tpu.memref_slice %arg6[%dma_wait3A_672, %dma_wait3A_673, %dma_wait3A_674] : memref<12x64x128xf32, #tpu.memory_space<vmem>> -> memref<1x64x128xf32, #tpu.memory_space<vmem>>
    %dma_wait3A_676 = tpu.memref_squeeze %dma_wait3A_675 : memref<1x64x128xf32, #tpu.memory_space<vmem>> -> memref<64x128xf32, #tpu.memory_space<vmem>>
    %dma_wait3A_677 = arith.constant 0 : i32
    %dma_wait3A_678 = tpu.memref_slice %arg5[%dma_wait3A_671, %dma_wait3A_677] : memref<50x128xi32, #tpu.memory_space<vmem>> -> memref<1x64xi32, #tpu.memory_space<vmem>>
    %dma_wait3A_679 = tpu.memref_squeeze %dma_wait3A_678 : memref<1x64xi32, #tpu.memory_space<vmem>> -> memref<64xi32, #tpu.memory_space<vmem>>
    %dma_wait3A_680 = arith.constant 0 : i32
    %dma_wait3A_681 = arith.constant 0 : i32
    %dma_wait3A_682 = tpu.memref_slice %arg2[%dma_wait3A_680, %dma_wait3A_681] : memref<100000x128xf32, #tpu.memory_space<hbm>> -> memref<100000x128xf32, #tpu.memory_space<hbm>>
    tpu.wait_indirect_dma semaphore(%arg8 : memref<!tpu.dma_semaphore, #tpu.memory_space<semaphore_mem>>) src(%dma_wait3A_682 : memref<100000x128xf32, #tpu.memory_space<hbm>>) dst(%dma_wait3A_676 : memref<64x128xf32, #tpu.memory_space<vmem>>)
    %add3A_683 = arith.constant 64 : i32
    %add3A_684 = arith.addi %mul3A_2, %add3A_683 : i32
    %dma_start3A_685 = arith.constant 1 : i32
    %dma_start3A_686 = arith.constant 48 : i32
    %dma_start3A_687 = arith.constant 0 : i32
    %dma_start3A_688 = arith.constant 0 : i32
    %dma_start3A_689 = tpu.memref_slice %arg6[%dma_start3A_685, %dma_start3A_687, %dma_start3A_688] : memref<12x64x128xf32, #tpu.memory_space<vmem>> -> memref<1x64x128xf32, #tpu.memory_space<vmem>>
    %dma_start3A_690 = tpu.memref_squeeze %dma_start3A_689 : memref<1x64x128xf32, #tpu.memory_space<vmem>> -> memref<64x128xf32, #tpu.memory_space<vmem>>
    %dma_start3A_691 = arith.constant 0 : i32
    %dma_start3A_692 = tpu.memref_slice %arg4[%dma_start3A_686, %add3A_684, %dma_start3A_691] : memref<50x4096x128xf32, #tpu.memory_space<hbm>> -> memref<1x64x128xf32, #tpu.memory_space<hbm>>
    %dma_start3A_693 = tpu.memref_squeeze %dma_start3A_692 : memref<1x64x128xf32, #tpu.memory_space<hbm>> -> memref<64x128xf32, #tpu.memory_space<hbm>>
    %dma_start3A_694 = arith.constant 0 : i32
    %dma_start3A_695 = tpu.memref_slice %arg4[%dma_start3A_686, %add3A_684, %dma_start3A_694] : memref<50x4096x128xf32, #tpu.memory_space<hbm>> -> memref<1x64x128xf32, #tpu.memory_space<hbm>>
    %dma_start3A_696 = tpu.memref_squeeze %dma_start3A_695 : memref<1x64x128xf32, #tpu.memory_space<hbm>> -> memref<64x128xf32, #tpu.memory_space<hbm>>
    %dma_start3A_697 = arith.constant 0 : i32
    %dma_start3A_698 = arith.constant 0 : i32
    %dma_start3A_699 = tpu.memref_slice %arg6[%dma_start3A_685, %dma_start3A_697, %dma_start3A_698] : memref<12x64x128xf32, #tpu.memory_space<vmem>> -> memref<1x64x128xf32, #tpu.memory_space<vmem>>
    %dma_start3A_700 = tpu.memref_squeeze %dma_start3A_699 : memref<1x64x128xf32, #tpu.memory_space<vmem>> -> memref<64x128xf32, #tpu.memory_space<vmem>>
    tpu.enqueue_dma source(%dma_start3A_700 : memref<64x128xf32, #tpu.memory_space<vmem>>) target(%dma_start3A_696 : memref<64x128xf32, #tpu.memory_space<hbm>>) target_semaphore(%arg20 : memref<!tpu.dma_semaphore, #tpu.memory_space<semaphore_mem>>)
    %dma_wait3A_701 = arith.constant 0 : i32
    %dma_wait3A_702 = arith.constant 2 : i32
    %dma_wait3A_703 = arith.constant 0 : i32
    %dma_wait3A_704 = arith.constant 0 : i32
    %dma_wait3A_705 = tpu.memref_slice %arg6[%dma_wait3A_702, %dma_wait3A_703, %dma_wait3A_704] : memref<12x64x128xf32, #tpu.memory_space<vmem>> -> memref<1x64x128xf32, #tpu.memory_space<vmem>>
    %dma_wait3A_706 = tpu.memref_squeeze %dma_wait3A_705 : memref<1x64x128xf32, #tpu.memory_space<vmem>> -> memref<64x128xf32, #tpu.memory_space<vmem>>
    %dma_wait3A_707 = arith.constant 0 : i32
    %dma_wait3A_708 = tpu.memref_slice %arg5[%dma_wait3A_701, %dma_wait3A_707] : memref<50x128xi32, #tpu.memory_space<vmem>> -> memref<1x64xi32, #tpu.memory_space<vmem>>
    %dma_wait3A_709 = tpu.memref_squeeze %dma_wait3A_708 : memref<1x64xi32, #tpu.memory_space<vmem>> -> memref<64xi32, #tpu.memory_space<vmem>>
    %dma_wait3A_710 = arith.constant 0 : i32
    %dma_wait3A_711 = arith.constant 0 : i32
    %dma_wait3A_712 = tpu.memref_slice %arg2[%dma_wait3A_710, %dma_wait3A_711] : memref<100000x128xf32, #tpu.memory_space<hbm>> -> memref<100000x128xf32, #tpu.memory_space<hbm>>
    tpu.wait_indirect_dma semaphore(%arg9 : memref<!tpu.dma_semaphore, #tpu.memory_space<semaphore_mem>>) src(%dma_wait3A_712 : memref<100000x128xf32, #tpu.memory_space<hbm>>) dst(%dma_wait3A_706 : memref<64x128xf32, #tpu.memory_space<vmem>>)
    %add3A_713 = arith.constant 0 : i32
    %add3A_714 = arith.addi %mul3A_2, %add3A_713 : i32
    %dma_start3A_715 = arith.constant 2 : i32
    %dma_start3A_716 = arith.constant 49 : i32
    %dma_start3A_717 = arith.constant 0 : i32
    %dma_start3A_718 = arith.constant 0 : i32
    %dma_start3A_719 = tpu.memref_slice %arg6[%dma_start3A_715, %dma_start3A_717, %dma_start3A_718] : memref<12x64x128xf32, #tpu.memory_space<vmem>> -> memref<1x64x128xf32, #tpu.memory_space<vmem>>
    %dma_start3A_720 = tpu.memref_squeeze %dma_start3A_719 : memref<1x64x128xf32, #tpu.memory_space<vmem>> -> memref<64x128xf32, #tpu.memory_space<vmem>>
    %dma_start3A_721 = arith.constant 0 : i32
    %dma_start3A_722 = tpu.memref_slice %arg4[%dma_start3A_716, %add3A_714, %dma_start3A_721] : memref<50x4096x128xf32, #tpu.memory_space<hbm>> -> memref<1x64x128xf32, #tpu.memory_space<hbm>>
    %dma_start3A_723 = tpu.memref_squeeze %dma_start3A_722 : memref<1x64x128xf32, #tpu.memory_space<hbm>> -> memref<64x128xf32, #tpu.memory_space<hbm>>
    %dma_start3A_724 = arith.constant 0 : i32
    %dma_start3A_725 = tpu.memref_slice %arg4[%dma_start3A_716, %add3A_714, %dma_start3A_724] : memref<50x4096x128xf32, #tpu.memory_space<hbm>> -> memref<1x64x128xf32, #tpu.memory_space<hbm>>
    %dma_start3A_726 = tpu.memref_squeeze %dma_start3A_725 : memref<1x64x128xf32, #tpu.memory_space<hbm>> -> memref<64x128xf32, #tpu.memory_space<hbm>>
    %dma_start3A_727 = arith.constant 0 : i32
    %dma_start3A_728 = arith.constant 0 : i32
    %dma_start3A_729 = tpu.memref_slice %arg6[%dma_start3A_715, %dma_start3A_727, %dma_start3A_728] : memref<12x64x128xf32, #tpu.memory_space<vmem>> -> memref<1x64x128xf32, #tpu.memory_space<vmem>>
    %dma_start3A_730 = tpu.memref_squeeze %dma_start3A_729 : memref<1x64x128xf32, #tpu.memory_space<vmem>> -> memref<64x128xf32, #tpu.memory_space<vmem>>
    tpu.enqueue_dma source(%dma_start3A_730 : memref<64x128xf32, #tpu.memory_space<vmem>>) target(%dma_start3A_726 : memref<64x128xf32, #tpu.memory_space<hbm>>) target_semaphore(%arg21 : memref<!tpu.dma_semaphore, #tpu.memory_space<semaphore_mem>>)
    %dma_wait3A_731 = arith.constant 0 : i32
    %dma_wait3A_732 = arith.constant 3 : i32
    %dma_wait3A_733 = arith.constant 0 : i32
    %dma_wait3A_734 = arith.constant 0 : i32
    %dma_wait3A_735 = tpu.memref_slice %arg6[%dma_wait3A_732, %dma_wait3A_733, %dma_wait3A_734] : memref<12x64x128xf32, #tpu.memory_space<vmem>> -> memref<1x64x128xf32, #tpu.memory_space<vmem>>
    %dma_wait3A_736 = tpu.memref_squeeze %dma_wait3A_735 : memref<1x64x128xf32, #tpu.memory_space<vmem>> -> memref<64x128xf32, #tpu.memory_space<vmem>>
    %dma_wait3A_737 = arith.constant 0 : i32
    %dma_wait3A_738 = tpu.memref_slice %arg5[%dma_wait3A_731, %dma_wait3A_737] : memref<50x128xi32, #tpu.memory_space<vmem>> -> memref<1x64xi32, #tpu.memory_space<vmem>>
    %dma_wait3A_739 = tpu.memref_squeeze %dma_wait3A_738 : memref<1x64xi32, #tpu.memory_space<vmem>> -> memref<64xi32, #tpu.memory_space<vmem>>
    %dma_wait3A_740 = arith.constant 0 : i32
    %dma_wait3A_741 = arith.constant 0 : i32
    %dma_wait3A_742 = tpu.memref_slice %arg2[%dma_wait3A_740, %dma_wait3A_741] : memref<100000x128xf32, #tpu.memory_space<hbm>> -> memref<100000x128xf32, #tpu.memory_space<hbm>>
    tpu.wait_indirect_dma semaphore(%arg10 : memref<!tpu.dma_semaphore, #tpu.memory_space<semaphore_mem>>) src(%dma_wait3A_742 : memref<100000x128xf32, #tpu.memory_space<hbm>>) dst(%dma_wait3A_736 : memref<64x128xf32, #tpu.memory_space<vmem>>)
    %add3A_743 = arith.constant 64 : i32
    %add3A_744 = arith.addi %mul3A_2, %add3A_743 : i32
    %dma_start3A_745 = arith.constant 3 : i32
    %dma_start3A_746 = arith.constant 49 : i32
    %dma_start3A_747 = arith.constant 0 : i32
    %dma_start3A_748 = arith.constant 0 : i32
    %dma_start3A_749 = tpu.memref_slice %arg6[%dma_start3A_745, %dma_start3A_747, %dma_start3A_748] : memref<12x64x128xf32, #tpu.memory_space<vmem>> -> memref<1x64x128xf32, #tpu.memory_space<vmem>>
    %dma_start3A_750 = tpu.memref_squeeze %dma_start3A_749 : memref<1x64x128xf32, #tpu.memory_space<vmem>> -> memref<64x128xf32, #tpu.memory_space<vmem>>
    %dma_start3A_751 = arith.constant 0 : i32
    %dma_start3A_752 = tpu.memref_slice %arg4[%dma_start3A_746, %add3A_744, %dma_start3A_751] : memref<50x4096x128xf32, #tpu.memory_space<hbm>> -> memref<1x64x128xf32, #tpu.memory_space<hbm>>
    %dma_start3A_753 = tpu.memref_squeeze %dma_start3A_752 : memref<1x64x128xf32, #tpu.memory_space<hbm>> -> memref<64x128xf32, #tpu.memory_space<hbm>>
    %dma_start3A_754 = arith.constant 0 : i32
    %dma_start3A_755 = tpu.memref_slice %arg4[%dma_start3A_746, %add3A_744, %dma_start3A_754] : memref<50x4096x128xf32, #tpu.memory_space<hbm>> -> memref<1x64x128xf32, #tpu.memory_space<hbm>>
    %dma_start3A_756 = tpu.memref_squeeze %dma_start3A_755 : memref<1x64x128xf32, #tpu.memory_space<hbm>> -> memref<64x128xf32, #tpu.memory_space<hbm>>
    %dma_start3A_757 = arith.constant 0 : i32
    %dma_start3A_758 = arith.constant 0 : i32
    %dma_start3A_759 = tpu.memref_slice %arg6[%dma_start3A_745, %dma_start3A_757, %dma_start3A_758] : memref<12x64x128xf32, #tpu.memory_space<vmem>> -> memref<1x64x128xf32, #tpu.memory_space<vmem>>
    %dma_start3A_760 = tpu.memref_squeeze %dma_start3A_759 : memref<1x64x128xf32, #tpu.memory_space<vmem>> -> memref<64x128xf32, #tpu.memory_space<vmem>>
    tpu.enqueue_dma source(%dma_start3A_760 : memref<64x128xf32, #tpu.memory_space<vmem>>) target(%dma_start3A_756 : memref<64x128xf32, #tpu.memory_space<hbm>>) target_semaphore(%arg22 : memref<!tpu.dma_semaphore, #tpu.memory_space<semaphore_mem>>)
    %dma_wait3A_761 = arith.constant 0 : i32
    %dma_wait3A_762 = arith.constant 0 : i32
    %dma_wait3A_763 = arith.constant 0 : i32
    %dma_wait3A_764 = arith.constant 0 : i32
    %dma_wait3A_765 = tpu.memref_slice %arg6[%dma_wait3A_761, %dma_wait3A_763, %dma_wait3A_764] : memref<12x64x128xf32, #tpu.memory_space<vmem>> -> memref<1x64x128xf32, #tpu.memory_space<vmem>>
    %dma_wait3A_766 = tpu.memref_squeeze %dma_wait3A_765 : memref<1x64x128xf32, #tpu.memory_space<vmem>> -> memref<64x128xf32, #tpu.memory_space<vmem>>
    %dma_wait3A_767 = arith.constant 0 : i32
    %dma_wait3A_768 = tpu.memref_slice %arg4[%dma_wait3A_762, %mul3A_2, %dma_wait3A_767] : memref<50x4096x128xf32, #tpu.memory_space<hbm>> -> memref<1x64x128xf32, #tpu.memory_space<hbm>>
    %dma_wait3A_769 = tpu.memref_squeeze %dma_wait3A_768 : memref<1x64x128xf32, #tpu.memory_space<hbm>> -> memref<64x128xf32, #tpu.memory_space<hbm>>
    %dma_wait3A_770 = arith.constant 0 : i32
    %dma_wait3A_771 = tpu.memref_slice %arg4[%dma_wait3A_762, %mul3A_2, %dma_wait3A_770] : memref<50x4096x128xf32, #tpu.memory_space<hbm>> -> memref<1x64x128xf32, #tpu.memory_space<hbm>>
    %dma_wait3A_772 = tpu.memref_squeeze %dma_wait3A_771 : memref<1x64x128xf32, #tpu.memory_space<hbm>> -> memref<64x128xf32, #tpu.memory_space<hbm>>
    %dma_wait3A_773 = arith.constant 0 : i32
    %dma_wait3A_774 = arith.constant 0 : i32
    %dma_wait3A_775 = tpu.memref_slice %arg6[%dma_wait3A_761, %dma_wait3A_773, %dma_wait3A_774] : memref<12x64x128xf32, #tpu.memory_space<vmem>> -> memref<1x64x128xf32, #tpu.memory_space<vmem>>
    %dma_wait3A_776 = tpu.memref_squeeze %dma_wait3A_775 : memref<1x64x128xf32, #tpu.memory_space<vmem>> -> memref<64x128xf32, #tpu.memory_space<vmem>>
    tpu.wait_dma2 semaphore(%arg19 : memref<!tpu.dma_semaphore, #tpu.memory_space<semaphore_mem>>) src(%dma_wait3A_776 : memref<64x128xf32, #tpu.memory_space<vmem>>) dst(%dma_wait3A_772 : memref<64x128xf32, #tpu.memory_space<hbm>>)
    %dma_wait3A_777 = arith.constant 1 : i32
    %dma_wait3A_778 = arith.constant 0 : i32
    %dma_wait3A_779 = arith.constant 0 : i32
    %dma_wait3A_780 = arith.constant 0 : i32
    %dma_wait3A_781 = tpu.memref_slice %arg6[%dma_wait3A_777, %dma_wait3A_779, %dma_wait3A_780] : memref<12x64x128xf32, #tpu.memory_space<vmem>> -> memref<1x64x128xf32, #tpu.memory_space<vmem>>
    %dma_wait3A_782 = tpu.memref_squeeze %dma_wait3A_781 : memref<1x64x128xf32, #tpu.memory_space<vmem>> -> memref<64x128xf32, #tpu.memory_space<vmem>>
    %dma_wait3A_783 = arith.constant 0 : i32
    %dma_wait3A_784 = tpu.memref_slice %arg4[%dma_wait3A_778, %mul3A_2, %dma_wait3A_783] : memref<50x4096x128xf32, #tpu.memory_space<hbm>> -> memref<1x64x128xf32, #tpu.memory_space<hbm>>
    %dma_wait3A_785 = tpu.memref_squeeze %dma_wait3A_784 : memref<1x64x128xf32, #tpu.memory_space<hbm>> -> memref<64x128xf32, #tpu.memory_space<hbm>>
    %dma_wait3A_786 = arith.constant 0 : i32
    %dma_wait3A_787 = tpu.memref_slice %arg4[%dma_wait3A_778, %mul3A_2, %dma_wait3A_786] : memref<50x4096x128xf32, #tpu.memory_space<hbm>> -> memref<1x64x128xf32, #tpu.memory_space<hbm>>
    %dma_wait3A_788 = tpu.memref_squeeze %dma_wait3A_787 : memref<1x64x128xf32, #tpu.memory_space<hbm>> -> memref<64x128xf32, #tpu.memory_space<hbm>>
    %dma_wait3A_789 = arith.constant 0 : i32
    %dma_wait3A_790 = arith.constant 0 : i32
    %dma_wait3A_791 = tpu.memref_slice %arg6[%dma_wait3A_777, %dma_wait3A_789, %dma_wait3A_790] : memref<12x64x128xf32, #tpu.memory_space<vmem>> -> memref<1x64x128xf32, #tpu.memory_space<vmem>>
    %dma_wait3A_792 = tpu.memref_squeeze %dma_wait3A_791 : memref<1x64x128xf32, #tpu.memory_space<vmem>> -> memref<64x128xf32, #tpu.memory_space<vmem>>
    tpu.wait_dma2 semaphore(%arg20 : memref<!tpu.dma_semaphore, #tpu.memory_space<semaphore_mem>>) src(%dma_wait3A_792 : memref<64x128xf32, #tpu.memory_space<vmem>>) dst(%dma_wait3A_788 : memref<64x128xf32, #tpu.memory_space<hbm>>)
    %dma_wait3A_793 = arith.constant 2 : i32
    %dma_wait3A_794 = arith.constant 0 : i32
    %dma_wait3A_795 = arith.constant 0 : i32
    %dma_wait3A_796 = arith.constant 0 : i32
    %dma_wait3A_797 = tpu.memref_slice %arg6[%dma_wait3A_793, %dma_wait3A_795, %dma_wait3A_796] : memref<12x64x128xf32, #tpu.memory_space<vmem>> -> memref<1x64x128xf32, #tpu.memory_space<vmem>>
    %dma_wait3A_798 = tpu.memref_squeeze %dma_wait3A_797 : memref<1x64x128xf32, #tpu.memory_space<vmem>> -> memref<64x128xf32, #tpu.memory_space<vmem>>
    %dma_wait3A_799 = arith.constant 0 : i32
    %dma_wait3A_800 = tpu.memref_slice %arg4[%dma_wait3A_794, %mul3A_2, %dma_wait3A_799] : memref<50x4096x128xf32, #tpu.memory_space<hbm>> -> memref<1x64x128xf32, #tpu.memory_space<hbm>>
    %dma_wait3A_801 = tpu.memref_squeeze %dma_wait3A_800 : memref<1x64x128xf32, #tpu.memory_space<hbm>> -> memref<64x128xf32, #tpu.memory_space<hbm>>
    %dma_wait3A_802 = arith.constant 0 : i32
    %dma_wait3A_803 = tpu.memref_slice %arg4[%dma_wait3A_794, %mul3A_2, %dma_wait3A_802] : memref<50x4096x128xf32, #tpu.memory_space<hbm>> -> memref<1x64x128xf32, #tpu.memory_space<hbm>>
    %dma_wait3A_804 = tpu.memref_squeeze %dma_wait3A_803 : memref<1x64x128xf32, #tpu.memory_space<hbm>> -> memref<64x128xf32, #tpu.memory_space<hbm>>
    %dma_wait3A_805 = arith.constant 0 : i32
    %dma_wait3A_806 = arith.constant 0 : i32
    %dma_wait3A_807 = tpu.memref_slice %arg6[%dma_wait3A_793, %dma_wait3A_805, %dma_wait3A_806] : memref<12x64x128xf32, #tpu.memory_space<vmem>> -> memref<1x64x128xf32, #tpu.memory_space<vmem>>
    %dma_wait3A_808 = tpu.memref_squeeze %dma_wait3A_807 : memref<1x64x128xf32, #tpu.memory_space<vmem>> -> memref<64x128xf32, #tpu.memory_space<vmem>>
    tpu.wait_dma2 semaphore(%arg21 : memref<!tpu.dma_semaphore, #tpu.memory_space<semaphore_mem>>) src(%dma_wait3A_808 : memref<64x128xf32, #tpu.memory_space<vmem>>) dst(%dma_wait3A_804 : memref<64x128xf32, #tpu.memory_space<hbm>>)
    %dma_wait3A_809 = arith.constant 3 : i32
    %dma_wait3A_810 = arith.constant 0 : i32
    %dma_wait3A_811 = arith.constant 0 : i32
    %dma_wait3A_812 = arith.constant 0 : i32
    %dma_wait3A_813 = tpu.memref_slice %arg6[%dma_wait3A_809, %dma_wait3A_811, %dma_wait3A_812] : memref<12x64x128xf32, #tpu.memory_space<vmem>> -> memref<1x64x128xf32, #tpu.memory_space<vmem>>
    %dma_wait3A_814 = tpu.memref_squeeze %dma_wait3A_813 : memref<1x64x128xf32, #tpu.memory_space<vmem>> -> memref<64x128xf32, #tpu.memory_space<vmem>>
    %dma_wait3A_815 = arith.constant 0 : i32
    %dma_wait3A_816 = tpu.memref_slice %arg4[%dma_wait3A_810, %mul3A_2, %dma_wait3A_815] : memref<50x4096x128xf32, #tpu.memory_space<hbm>> -> memref<1x64x128xf32, #tpu.memory_space<hbm>>
    %dma_wait3A_817 = tpu.memref_squeeze %dma_wait3A_816 : memref<1x64x128xf32, #tpu.memory_space<hbm>> -> memref<64x128xf32, #tpu.memory_space<hbm>>
    %dma_wait3A_818 = arith.constant 0 : i32
    %dma_wait3A_819 = tpu.memref_slice %arg4[%dma_wait3A_810, %mul3A_2, %dma_wait3A_818] : memref<50x4096x128xf32, #tpu.memory_space<hbm>> -> memref<1x64x128xf32, #tpu.memory_space<hbm>>
    %dma_wait3A_820 = tpu.memref_squeeze %dma_wait3A_819 : memref<1x64x128xf32, #tpu.memory_space<hbm>> -> memref<64x128xf32, #tpu.memory_space<hbm>>
    %dma_wait3A_821 = arith.constant 0 : i32
    %dma_wait3A_822 = arith.constant 0 : i32
    %dma_wait3A_823 = tpu.memref_slice %arg6[%dma_wait3A_809, %dma_wait3A_821, %dma_wait3A_822] : memref<12x64x128xf32, #tpu.memory_space<vmem>> -> memref<1x64x128xf32, #tpu.memory_space<vmem>>
    %dma_wait3A_824 = tpu.memref_squeeze %dma_wait3A_823 : memref<1x64x128xf32, #tpu.memory_space<vmem>> -> memref<64x128xf32, #tpu.memory_space<vmem>>
    tpu.wait_dma2 semaphore(%arg22 : memref<!tpu.dma_semaphore, #tpu.memory_space<semaphore_mem>>) src(%dma_wait3A_824 : memref<64x128xf32, #tpu.memory_space<vmem>>) dst(%dma_wait3A_820 : memref<64x128xf32, #tpu.memory_space<hbm>>)
    %dma_wait3A_825 = arith.constant 4 : i32
    %dma_wait3A_826 = arith.constant 0 : i32
    %dma_wait3A_827 = arith.constant 0 : i32
    %dma_wait3A_828 = arith.constant 0 : i32
    %dma_wait3A_829 = tpu.memref_slice %arg6[%dma_wait3A_825, %dma_wait3A_827, %dma_wait3A_828] : memref<12x64x128xf32, #tpu.memory_space<vmem>> -> memref<1x64x128xf32, #tpu.memory_space<vmem>>
    %dma_wait3A_830 = tpu.memref_squeeze %dma_wait3A_829 : memref<1x64x128xf32, #tpu.memory_space<vmem>> -> memref<64x128xf32, #tpu.memory_space<vmem>>
    %dma_wait3A_831 = arith.constant 0 : i32
    %dma_wait3A_832 = tpu.memref_slice %arg4[%dma_wait3A_826, %mul3A_2, %dma_wait3A_831] : memref<50x4096x128xf32, #tpu.memory_space<hbm>> -> memref<1x64x128xf32, #tpu.memory_space<hbm>>
    %dma_wait3A_833 = tpu.memref_squeeze %dma_wait3A_832 : memref<1x64x128xf32, #tpu.memory_space<hbm>> -> memref<64x128xf32, #tpu.memory_space<hbm>>
    %dma_wait3A_834 = arith.constant 0 : i32
    %dma_wait3A_835 = tpu.memref_slice %arg4[%dma_wait3A_826, %mul3A_2, %dma_wait3A_834] : memref<50x4096x128xf32, #tpu.memory_space<hbm>> -> memref<1x64x128xf32, #tpu.memory_space<hbm>>
    %dma_wait3A_836 = tpu.memref_squeeze %dma_wait3A_835 : memref<1x64x128xf32, #tpu.memory_space<hbm>> -> memref<64x128xf32, #tpu.memory_space<hbm>>
    %dma_wait3A_837 = arith.constant 0 : i32
    %dma_wait3A_838 = arith.constant 0 : i32
    %dma_wait3A_839 = tpu.memref_slice %arg6[%dma_wait3A_825, %dma_wait3A_837, %dma_wait3A_838] : memref<12x64x128xf32, #tpu.memory_space<vmem>> -> memref<1x64x128xf32, #tpu.memory_space<vmem>>
    %dma_wait3A_840 = tpu.memref_squeeze %dma_wait3A_839 : memref<1x64x128xf32, #tpu.memory_space<vmem>> -> memref<64x128xf32, #tpu.memory_space<vmem>>
    tpu.wait_dma2 semaphore(%arg23 : memref<!tpu.dma_semaphore, #tpu.memory_space<semaphore_mem>>) src(%dma_wait3A_840 : memref<64x128xf32, #tpu.memory_space<vmem>>) dst(%dma_wait3A_836 : memref<64x128xf32, #tpu.memory_space<hbm>>)
    %dma_wait3A_841 = arith.constant 5 : i32
    %dma_wait3A_842 = arith.constant 0 : i32
    %dma_wait3A_843 = arith.constant 0 : i32
    %dma_wait3A_844 = arith.constant 0 : i32
    %dma_wait3A_845 = tpu.memref_slice %arg6[%dma_wait3A_841, %dma_wait3A_843, %dma_wait3A_844] : memref<12x64x128xf32, #tpu.memory_space<vmem>> -> memref<1x64x128xf32, #tpu.memory_space<vmem>>
    %dma_wait3A_846 = tpu.memref_squeeze %dma_wait3A_845 : memref<1x64x128xf32, #tpu.memory_space<vmem>> -> memref<64x128xf32, #tpu.memory_space<vmem>>
    %dma_wait3A_847 = arith.constant 0 : i32
    %dma_wait3A_848 = tpu.memref_slice %arg4[%dma_wait3A_842, %mul3A_2, %dma_wait3A_847] : memref<50x4096x128xf32, #tpu.memory_space<hbm>> -> memref<1x64x128xf32, #tpu.memory_space<hbm>>
    %dma_wait3A_849 = tpu.memref_squeeze %dma_wait3A_848 : memref<1x64x128xf32, #tpu.memory_space<hbm>> -> memref<64x128xf32, #tpu.memory_space<hbm>>
    %dma_wait3A_850 = arith.constant 0 : i32
    %dma_wait3A_851 = tpu.memref_slice %arg4[%dma_wait3A_842, %mul3A_2, %dma_wait3A_850] : memref<50x4096x128xf32, #tpu.memory_space<hbm>> -> memref<1x64x128xf32, #tpu.memory_space<hbm>>
    %dma_wait3A_852 = tpu.memref_squeeze %dma_wait3A_851 : memref<1x64x128xf32, #tpu.memory_space<hbm>> -> memref<64x128xf32, #tpu.memory_space<hbm>>
    %dma_wait3A_853 = arith.constant 0 : i32
    %dma_wait3A_854 = arith.constant 0 : i32
    %dma_wait3A_855 = tpu.memref_slice %arg6[%dma_wait3A_841, %dma_wait3A_853, %dma_wait3A_854] : memref<12x64x128xf32, #tpu.memory_space<vmem>> -> memref<1x64x128xf32, #tpu.memory_space<vmem>>
    %dma_wait3A_856 = tpu.memref_squeeze %dma_wait3A_855 : memref<1x64x128xf32, #tpu.memory_space<vmem>> -> memref<64x128xf32, #tpu.memory_space<vmem>>
    tpu.wait_dma2 semaphore(%arg24 : memref<!tpu.dma_semaphore, #tpu.memory_space<semaphore_mem>>) src(%dma_wait3A_856 : memref<64x128xf32, #tpu.memory_space<vmem>>) dst(%dma_wait3A_852 : memref<64x128xf32, #tpu.memory_space<hbm>>)
    %dma_wait3A_857 = arith.constant 6 : i32
    %dma_wait3A_858 = arith.constant 0 : i32
    %dma_wait3A_859 = arith.constant 0 : i32
    %dma_wait3A_860 = arith.constant 0 : i32
    %dma_wait3A_861 = tpu.memref_slice %arg6[%dma_wait3A_857, %dma_wait3A_859, %dma_wait3A_860] : memref<12x64x128xf32, #tpu.memory_space<vmem>> -> memref<1x64x128xf32, #tpu.memory_space<vmem>>
    %dma_wait3A_862 = tpu.memref_squeeze %dma_wait3A_861 : memref<1x64x128xf32, #tpu.memory_space<vmem>> -> memref<64x128xf32, #tpu.memory_space<vmem>>
    %dma_wait3A_863 = arith.constant 0 : i32
    %dma_wait3A_864 = tpu.memref_slice %arg4[%dma_wait3A_858, %mul3A_2, %dma_wait3A_863] : memref<50x4096x128xf32, #tpu.memory_space<hbm>> -> memref<1x64x128xf32, #tpu.memory_space<hbm>>
    %dma_wait3A_865 = tpu.memref_squeeze %dma_wait3A_864 : memref<1x64x128xf32, #tpu.memory_space<hbm>> -> memref<64x128xf32, #tpu.memory_space<hbm>>
    %dma_wait3A_866 = arith.constant 0 : i32
    %dma_wait3A_867 = tpu.memref_slice %arg4[%dma_wait3A_858, %mul3A_2, %dma_wait3A_866] : memref<50x4096x128xf32, #tpu.memory_space<hbm>> -> memref<1x64x128xf32, #tpu.memory_space<hbm>>
    %dma_wait3A_868 = tpu.memref_squeeze %dma_wait3A_867 : memref<1x64x128xf32, #tpu.memory_space<hbm>> -> memref<64x128xf32, #tpu.memory_space<hbm>>
    %dma_wait3A_869 = arith.constant 0 : i32
    %dma_wait3A_870 = arith.constant 0 : i32
    %dma_wait3A_871 = tpu.memref_slice %arg6[%dma_wait3A_857, %dma_wait3A_869, %dma_wait3A_870] : memref<12x64x128xf32, #tpu.memory_space<vmem>> -> memref<1x64x128xf32, #tpu.memory_space<vmem>>
    %dma_wait3A_872 = tpu.memref_squeeze %dma_wait3A_871 : memref<1x64x128xf32, #tpu.memory_space<vmem>> -> memref<64x128xf32, #tpu.memory_space<vmem>>
    tpu.wait_dma2 semaphore(%arg25 : memref<!tpu.dma_semaphore, #tpu.memory_space<semaphore_mem>>) src(%dma_wait3A_872 : memref<64x128xf32, #tpu.memory_space<vmem>>) dst(%dma_wait3A_868 : memref<64x128xf32, #tpu.memory_space<hbm>>)
    %dma_wait3A_873 = arith.constant 7 : i32
    %dma_wait3A_874 = arith.constant 0 : i32
    %dma_wait3A_875 = arith.constant 0 : i32
    %dma_wait3A_876 = arith.constant 0 : i32
    %dma_wait3A_877 = tpu.memref_slice %arg6[%dma_wait3A_873, %dma_wait3A_875, %dma_wait3A_876] : memref<12x64x128xf32, #tpu.memory_space<vmem>> -> memref<1x64x128xf32, #tpu.memory_space<vmem>>
    %dma_wait3A_878 = tpu.memref_squeeze %dma_wait3A_877 : memref<1x64x128xf32, #tpu.memory_space<vmem>> -> memref<64x128xf32, #tpu.memory_space<vmem>>
    %dma_wait3A_879 = arith.constant 0 : i32
    %dma_wait3A_880 = tpu.memref_slice %arg4[%dma_wait3A_874, %mul3A_2, %dma_wait3A_879] : memref<50x4096x128xf32, #tpu.memory_space<hbm>> -> memref<1x64x128xf32, #tpu.memory_space<hbm>>
    %dma_wait3A_881 = tpu.memref_squeeze %dma_wait3A_880 : memref<1x64x128xf32, #tpu.memory_space<hbm>> -> memref<64x128xf32, #tpu.memory_space<hbm>>
    %dma_wait3A_882 = arith.constant 0 : i32
    %dma_wait3A_883 = tpu.memref_slice %arg4[%dma_wait3A_874, %mul3A_2, %dma_wait3A_882] : memref<50x4096x128xf32, #tpu.memory_space<hbm>> -> memref<1x64x128xf32, #tpu.memory_space<hbm>>
    %dma_wait3A_884 = tpu.memref_squeeze %dma_wait3A_883 : memref<1x64x128xf32, #tpu.memory_space<hbm>> -> memref<64x128xf32, #tpu.memory_space<hbm>>
    %dma_wait3A_885 = arith.constant 0 : i32
    %dma_wait3A_886 = arith.constant 0 : i32
    %dma_wait3A_887 = tpu.memref_slice %arg6[%dma_wait3A_873, %dma_wait3A_885, %dma_wait3A_886] : memref<12x64x128xf32, #tpu.memory_space<vmem>> -> memref<1x64x128xf32, #tpu.memory_space<vmem>>
    %dma_wait3A_888 = tpu.memref_squeeze %dma_wait3A_887 : memref<1x64x128xf32, #tpu.memory_space<vmem>> -> memref<64x128xf32, #tpu.memory_space<vmem>>
    tpu.wait_dma2 semaphore(%arg26 : memref<!tpu.dma_semaphore, #tpu.memory_space<semaphore_mem>>) src(%dma_wait3A_888 : memref<64x128xf32, #tpu.memory_space<vmem>>) dst(%dma_wait3A_884 : memref<64x128xf32, #tpu.memory_space<hbm>>)
    %dma_wait3A_889 = arith.constant 8 : i32
    %dma_wait3A_890 = arith.constant 0 : i32
    %dma_wait3A_891 = arith.constant 0 : i32
    %dma_wait3A_892 = arith.constant 0 : i32
    %dma_wait3A_893 = tpu.memref_slice %arg6[%dma_wait3A_889, %dma_wait3A_891, %dma_wait3A_892] : memref<12x64x128xf32, #tpu.memory_space<vmem>> -> memref<1x64x128xf32, #tpu.memory_space<vmem>>
    %dma_wait3A_894 = tpu.memref_squeeze %dma_wait3A_893 : memref<1x64x128xf32, #tpu.memory_space<vmem>> -> memref<64x128xf32, #tpu.memory_space<vmem>>
    %dma_wait3A_895 = arith.constant 0 : i32
    %dma_wait3A_896 = tpu.memref_slice %arg4[%dma_wait3A_890, %mul3A_2, %dma_wait3A_895] : memref<50x4096x128xf32, #tpu.memory_space<hbm>> -> memref<1x64x128xf32, #tpu.memory_space<hbm>>
    %dma_wait3A_897 = tpu.memref_squeeze %dma_wait3A_896 : memref<1x64x128xf32, #tpu.memory_space<hbm>> -> memref<64x128xf32, #tpu.memory_space<hbm>>
    %dma_wait3A_898 = arith.constant 0 : i32
    %dma_wait3A_899 = tpu.memref_slice %arg4[%dma_wait3A_890, %mul3A_2, %dma_wait3A_898] : memref<50x4096x128xf32, #tpu.memory_space<hbm>> -> memref<1x64x128xf32, #tpu.memory_space<hbm>>
    %dma_wait3A_900 = tpu.memref_squeeze %dma_wait3A_899 : memref<1x64x128xf32, #tpu.memory_space<hbm>> -> memref<64x128xf32, #tpu.memory_space<hbm>>
    %dma_wait3A_901 = arith.constant 0 : i32
    %dma_wait3A_902 = arith.constant 0 : i32
    %dma_wait3A_903 = tpu.memref_slice %arg6[%dma_wait3A_889, %dma_wait3A_901, %dma_wait3A_902] : memref<12x64x128xf32, #tpu.memory_space<vmem>> -> memref<1x64x128xf32, #tpu.memory_space<vmem>>
    %dma_wait3A_904 = tpu.memref_squeeze %dma_wait3A_903 : memref<1x64x128xf32, #tpu.memory_space<vmem>> -> memref<64x128xf32, #tpu.memory_space<vmem>>
    tpu.wait_dma2 semaphore(%arg27 : memref<!tpu.dma_semaphore, #tpu.memory_space<semaphore_mem>>) src(%dma_wait3A_904 : memref<64x128xf32, #tpu.memory_space<vmem>>) dst(%dma_wait3A_900 : memref<64x128xf32, #tpu.memory_space<hbm>>)
    %dma_wait3A_905 = arith.constant 9 : i32
    %dma_wait3A_906 = arith.constant 0 : i32
    %dma_wait3A_907 = arith.constant 0 : i32
    %dma_wait3A_908 = arith.constant 0 : i32
    %dma_wait3A_909 = tpu.memref_slice %arg6[%dma_wait3A_905, %dma_wait3A_907, %dma_wait3A_908] : memref<12x64x128xf32, #tpu.memory_space<vmem>> -> memref<1x64x128xf32, #tpu.memory_space<vmem>>
    %dma_wait3A_910 = tpu.memref_squeeze %dma_wait3A_909 : memref<1x64x128xf32, #tpu.memory_space<vmem>> -> memref<64x128xf32, #tpu.memory_space<vmem>>
    %dma_wait3A_911 = arith.constant 0 : i32
    %dma_wait3A_912 = tpu.memref_slice %arg4[%dma_wait3A_906, %mul3A_2, %dma_wait3A_911] : memref<50x4096x128xf32, #tpu.memory_space<hbm>> -> memref<1x64x128xf32, #tpu.memory_space<hbm>>
    %dma_wait3A_913 = tpu.memref_squeeze %dma_wait3A_912 : memref<1x64x128xf32, #tpu.memory_space<hbm>> -> memref<64x128xf32, #tpu.memory_space<hbm>>
    %dma_wait3A_914 = arith.constant 0 : i32
    %dma_wait3A_915 = tpu.memref_slice %arg4[%dma_wait3A_906, %mul3A_2, %dma_wait3A_914] : memref<50x4096x128xf32, #tpu.memory_space<hbm>> -> memref<1x64x128xf32, #tpu.memory_space<hbm>>
    %dma_wait3A_916 = tpu.memref_squeeze %dma_wait3A_915 : memref<1x64x128xf32, #tpu.memory_space<hbm>> -> memref<64x128xf32, #tpu.memory_space<hbm>>
    %dma_wait3A_917 = arith.constant 0 : i32
    %dma_wait3A_918 = arith.constant 0 : i32
    %dma_wait3A_919 = tpu.memref_slice %arg6[%dma_wait3A_905, %dma_wait3A_917, %dma_wait3A_918] : memref<12x64x128xf32, #tpu.memory_space<vmem>> -> memref<1x64x128xf32, #tpu.memory_space<vmem>>
    %dma_wait3A_920 = tpu.memref_squeeze %dma_wait3A_919 : memref<1x64x128xf32, #tpu.memory_space<vmem>> -> memref<64x128xf32, #tpu.memory_space<vmem>>
    tpu.wait_dma2 semaphore(%arg28 : memref<!tpu.dma_semaphore, #tpu.memory_space<semaphore_mem>>) src(%dma_wait3A_920 : memref<64x128xf32, #tpu.memory_space<vmem>>) dst(%dma_wait3A_916 : memref<64x128xf32, #tpu.memory_space<hbm>>)
    %dma_wait3A_921 = arith.constant 10 : i32
    %dma_wait3A_922 = arith.constant 0 : i32
    %dma_wait3A_923 = arith.constant 0 : i32
    %dma_wait3A_924 = arith.constant 0 : i32
    %dma_wait3A_925 = tpu.memref_slice %arg6[%dma_wait3A_921, %dma_wait3A_923, %dma_wait3A_924] : memref<12x64x128xf32, #tpu.memory_space<vmem>> -> memref<1x64x128xf32, #tpu.memory_space<vmem>>
    %dma_wait3A_926 = tpu.memref_squeeze %dma_wait3A_925 : memref<1x64x128xf32, #tpu.memory_space<vmem>> -> memref<64x128xf32, #tpu.memory_space<vmem>>
    %dma_wait3A_927 = arith.constant 0 : i32
    %dma_wait3A_928 = tpu.memref_slice %arg4[%dma_wait3A_922, %mul3A_2, %dma_wait3A_927] : memref<50x4096x128xf32, #tpu.memory_space<hbm>> -> memref<1x64x128xf32, #tpu.memory_space<hbm>>
    %dma_wait3A_929 = tpu.memref_squeeze %dma_wait3A_928 : memref<1x64x128xf32, #tpu.memory_space<hbm>> -> memref<64x128xf32, #tpu.memory_space<hbm>>
    %dma_wait3A_930 = arith.constant 0 : i32
    %dma_wait3A_931 = tpu.memref_slice %arg4[%dma_wait3A_922, %mul3A_2, %dma_wait3A_930] : memref<50x4096x128xf32, #tpu.memory_space<hbm>> -> memref<1x64x128xf32, #tpu.memory_space<hbm>>
    %dma_wait3A_932 = tpu.memref_squeeze %dma_wait3A_931 : memref<1x64x128xf32, #tpu.memory_space<hbm>> -> memref<64x128xf32, #tpu.memory_space<hbm>>
    %dma_wait3A_933 = arith.constant 0 : i32
    %dma_wait3A_934 = arith.constant 0 : i32
    %dma_wait3A_935 = tpu.memref_slice %arg6[%dma_wait3A_921, %dma_wait3A_933, %dma_wait3A_934] : memref<12x64x128xf32, #tpu.memory_space<vmem>> -> memref<1x64x128xf32, #tpu.memory_space<vmem>>
    %dma_wait3A_936 = tpu.memref_squeeze %dma_wait3A_935 : memref<1x64x128xf32, #tpu.memory_space<vmem>> -> memref<64x128xf32, #tpu.memory_space<vmem>>
    tpu.wait_dma2 semaphore(%arg29 : memref<!tpu.dma_semaphore, #tpu.memory_space<semaphore_mem>>) src(%dma_wait3A_936 : memref<64x128xf32, #tpu.memory_space<vmem>>) dst(%dma_wait3A_932 : memref<64x128xf32, #tpu.memory_space<hbm>>)
    %dma_wait3A_937 = arith.constant 11 : i32
    %dma_wait3A_938 = arith.constant 0 : i32
    %dma_wait3A_939 = arith.constant 0 : i32
    %dma_wait3A_940 = arith.constant 0 : i32
    %dma_wait3A_941 = tpu.memref_slice %arg6[%dma_wait3A_937, %dma_wait3A_939, %dma_wait3A_940] : memref<12x64x128xf32, #tpu.memory_space<vmem>> -> memref<1x64x128xf32, #tpu.memory_space<vmem>>
    %dma_wait3A_942 = tpu.memref_squeeze %dma_wait3A_941 : memref<1x64x128xf32, #tpu.memory_space<vmem>> -> memref<64x128xf32, #tpu.memory_space<vmem>>
    %dma_wait3A_943 = arith.constant 0 : i32
    %dma_wait3A_944 = tpu.memref_slice %arg4[%dma_wait3A_938, %mul3A_2, %dma_wait3A_943] : memref<50x4096x128xf32, #tpu.memory_space<hbm>> -> memref<1x64x128xf32, #tpu.memory_space<hbm>>
    %dma_wait3A_945 = tpu.memref_squeeze %dma_wait3A_944 : memref<1x64x128xf32, #tpu.memory_space<hbm>> -> memref<64x128xf32, #tpu.memory_space<hbm>>
    %dma_wait3A_946 = arith.constant 0 : i32
    %dma_wait3A_947 = tpu.memref_slice %arg4[%dma_wait3A_938, %mul3A_2, %dma_wait3A_946] : memref<50x4096x128xf32, #tpu.memory_space<hbm>> -> memref<1x64x128xf32, #tpu.memory_space<hbm>>
    %dma_wait3A_948 = tpu.memref_squeeze %dma_wait3A_947 : memref<1x64x128xf32, #tpu.memory_space<hbm>> -> memref<64x128xf32, #tpu.memory_space<hbm>>
    %dma_wait3A_949 = arith.constant 0 : i32
    %dma_wait3A_950 = arith.constant 0 : i32
    %dma_wait3A_951 = tpu.memref_slice %arg6[%dma_wait3A_937, %dma_wait3A_949, %dma_wait3A_950] : memref<12x64x128xf32, #tpu.memory_space<vmem>> -> memref<1x64x128xf32, #tpu.memory_space<vmem>>
    %dma_wait3A_952 = tpu.memref_squeeze %dma_wait3A_951 : memref<1x64x128xf32, #tpu.memory_space<vmem>> -> memref<64x128xf32, #tpu.memory_space<vmem>>
    tpu.wait_dma2 semaphore(%arg30 : memref<!tpu.dma_semaphore, #tpu.memory_space<semaphore_mem>>) src(%dma_wait3A_952 : memref<64x128xf32, #tpu.memory_space<vmem>>) dst(%dma_wait3A_948 : memref<64x128xf32, #tpu.memory_space<hbm>>)
    return
  }
}

</mosaic_0001>

<sc_bundles>
// kernel: kernel.3.cloned.1.call-start
scs
__scs_entry_jumppad:
0x0: {  	(pc) =	sbr.rel $0x88, $3  }
0x1: {  	(tag) =	ssettag $0x0;
	lr =	simm.s32 $0x1  }
0x2: {  	[smem:$0x3F9F] =	sst lr;
	_ =	strace $0xD0000000  }
0x3: {  	_ = 	snop  }
0x4: {  	_ = 	snop  }
0x5: {  	_ = 	snop  }
0x6: {  	_ = 	snop  }
0x7: {  	_ = 	snop  }
__scs_overlays_trampoline_lowered:
0x8: {  	[smem:$0x3FAE] =	sst s0  }
0x9: {  	[smem:$0x3FAF] =	sst s1  }
0xa: {  	[smem:$0x3FB0] =	sst s2  }
0xb: {  	[smem:$0x3FB1] =	sst s3  }
0xc: {  	[smem:$0x3FB2] =	sst s4  }
0xd: {  	[smem:$0x3FB3] =	sst s5  }
0xe: {  	[smem:$0x3FB4] =	sst s6  }
0xf: {  	[smem:$0x3FB5] =	sst s7  }
0x10: {  	[smem:$0x3FB6] =	sst s8  }
0x11: {  	[smem:$0x3FB7] =	sst s9;
	s0 =	simm.s32 @!p0 $0x0  }
0x12: {  	s1 =	sld [smem:$0x3F9D];
	s0 =	simm.s32 @p0 $0x1  }
0x13: {  	[smem:$0x3FB8] =	sst s0;
	s0 =	simm.s32 @!p1 $0x0  }
0x14: {  	s2 =	sld [smem:$0x3F9C];
	s0 =	simm.s32 @p1 $0x1  }
0x15: {  	[smem:$0x3FB9] =	sst s0;
	s0 =	simm.s32 @!p2 $0x0  }
0x16: {  	s3 =	sld [smem:$0x3FDB];
	s0 =	simm.s32 @p2 $0x1  }
0x17: {  	s4 =	simm.s32 $0x1BF5;
	[smem:$0x3FBB] =	sst s0  }
0x18: {  	s0 =	sld [smem:$0x3F9E];
	_ =	swait.ge [sflag:s4], $0x0  }
0x19: {  	s7 =	sld [smem:$0x3F9F]  }
0x1a: {  	s8 =	sadd.s32 $0xFFFFE003, lr  }
0x1b: {  	s9 =	sadd.s32 $0xFFFFFEF7, lr;
	s5 =	simm.s32 $0xFFFFFFFF;
	p2 =	slt.u32 s8, $0xFFFFF086  }
0x1c: {  	p1 =	slt.u32 s9, $0xF7A;
	s5 =	simm.s32 @!p2 $0x0  }
0x1d: {  	s5 =	simm.s32 @p1 $0x1;
	p0 =	seq.s32 s7, s2  }
0x1e: {  	s7 =	smul.u32 @!p0 $0xF7A, s2;
	p2 =	seq.s32 @!p0 s5, $0x0  }
0x1f: {  	s9 =	smul.u32 $0xF7A, s1;
	s8 =	simm.s32 @!p0 $0x1BF5;
	p2 =	por !p2, p0  }
0x20: {  	[sflag:s8] =	ssyncset.s32 @!p0 $0xFFFFF086;
	s6 =	sadd.s32 @!p0 s3, s7;
	s7 =	simm.s32 @!p0 $0x108  }
0x21: {  	s3 =	sadd.s32 s3, s9;
	s6 =	sadd.s32 @!p0 $0x88, s6;
	s7 =	simm.s32 @p2 $0x1082  }
0x22: {  	[simem:s7], [sflag:s8] =	dma.local @!p0 [hbm:s6], $0xF7A  }
0x23: {  	s9 =	sor.u32 $0xD0000000, s2;
	s6 =	simm.s32 $0x108;
	_ =	swait.ge @!p0 [sflag:s8], $0x0  }
0x24: {  	s3 =	sadd.s32 $0x88, s3;
	s6 =	simm.s32 @!p1 $0x1082;
	[sflag:s4] =	ssyncset.s32 $0xFFFFF086  }
0x25: {  	[simem:s6], [sflag:s4] =	dma.local [hbm:s3], $0xF7A  }
0x26: {  	[smem:$0x3F9F] =	sst s1;
	(tag) =	ssettag s2;
	_ =	strace s9  }
0x27: {  	s1 =	sld [smem:$0x3FAF]  }
0x28: {  	s2 =	sld [smem:$0x3FB0]  }
0x29: {  	s4 =	sld [smem:$0x3FB2]  }
0x2a: {  	p0 =	seq.s32 s5, $0x0;
	s5 =	sld [smem:$0x3FB3]  }
0x2b: {  	s6 =	sld [smem:$0x3FB4]  }
0x2c: {  	s7 =	sld [smem:$0x3FB5]  }
0x2d: {  	s3 =	simm.s32 $0x108;
	s8 =	sld [smem:$0x3FB6]  }
0x2e: {  	s3 =	simm.s32 @!p0 $0x1082;
	s9 =	sld [smem:$0x3FB7]  }
0x2f: {  	lr =	sadd.s32 s0, s3;
	s0 =	sld [smem:$0x3FAE]  }
0x30: {  	s3 =	sld [smem:$0x3FB1]  }
0x31: {  	[smem:$0x3FBA] =	sst s10  }
0x32: {  	s10 =	sld [smem:$0x3FB8];
	_ =	sdelay $0x3  }
0x33: {  	p0 =	seq.s32 s10, $0x1;
	s10 =	sld [smem:$0x3FBA];
	_ =	sdelay $0x3  }
0x34: {  	[smem:$0x3FBA] =	sst s10  }
0x35: {  	s10 =	sld [smem:$0x3FB9];
	_ =	sdelay $0x3  }
0x36: {  	p1 =	seq.s32 s10, $0x1;
	s10 =	sld [smem:$0x3FBA];
	_ =	sdelay $0x3  }
0x37: {  	[smem:$0x3FBA] =	sst s10  }
0x38: {  	s10 =	sld [smem:$0x3FBB]  }
0x39: {  	_ = 	snop;
	(pc) =	sbr.ind lr, $3  }
0x3a: {  	_ = 	snop  }
0x3b: {  	_ = 	snop  }
0x3c: {  	p2 =	seq.s32 s10, $0x1;
	s10 =	sld [smem:$0x3FBA]  }
0x3d: {  	_ =	shalt  }
0x3e: {  	_ =	shalt  }
0x3f: {  	_ =	shalt  }
0x40: {  	_ =	shalt  }
0x41: {  	_ =	shalt  }
0x42: {  	_ =	shalt  }
0x43: {  	_ =	shalt  }
0x44: {  	_ =	shalt  }
0x45: {  	_ =	shalt  }
0x46: {  	_ =	shalt  }
0x47: {  	_ =	shalt  }
0x48: {  	_ =	shalt  }
0x49: {  	_ =	shalt  }
0x4a: {  	_ =	shalt  }
0x4b: {  	_ =	shalt  }
0x4c: {  	_ =	shalt  }
0x4d: {  	_ =	shalt  }
0x4e: {  	_ =	shalt  }
0x4f: {  	_ =	shalt  }
0x50: {  	_ =	shalt  }
0x51: {  	_ =	shalt  }
0x52: {  	_ =	shalt  }
0x53: {  	_ =	shalt  }
0x54: {  	_ =	shalt  }
0x55: {  	_ =	shalt  }
0x56: {  	_ =	shalt  }
0x57: {  	_ =	shalt  }
0x58: {  	_ =	shalt  }
0x59: {  	_ =	shalt  }
0x5a: {  	_ =	shalt  }
0x5b: {  	_ =	shalt  }
0x5c: {  	_ =	shalt  }
0x5d: {  	_ =	shalt  }
0x5e: {  	_ =	shalt  }
0x5f: {  	_ =	shalt  }
0x60: {  	_ =	shalt  }
0x61: {  	_ =	shalt  }
0x62: {  	_ =	shalt  }
0x63: {  	_ =	shalt  }
0x64: {  	_ =	shalt  }
0x65: {  	_ =	shalt  }
0x66: {  	_ =	shalt  }
0x67: {  	_ =	shalt  }
0x68: {  	_ =	shalt  }
0x69: {  	_ =	shalt  }
0x6a: {  	_ =	shalt  }
0x6b: {  	_ =	shalt  }
0x6c: {  	_ =	shalt  }
0x6d: {  	_ =	shalt  }
0x6e: {  	_ =	shalt  }
0x6f: {  	_ =	shalt  }
0x70: {  	_ =	shalt  }
0x71: {  	_ =	shalt  }
0x72: {  	_ =	shalt  }
0x73: {  	_ =	shalt  }
0x74: {  	_ =	shalt  }
0x75: {  	_ =	shalt  }
0x76: {  	_ =	shalt  }
0x77: {  	_ =	shalt  }
0x78: {  	_ =	shalt  }
0x79: {  	_ =	shalt  }
0x7a: {  	_ =	shalt  }
0x7b: {  	_ =	shalt  }
0x7c: {  	_ =	shalt  }
0x7d: {  	_ =	shalt  }
0x7e: {  	_ =	shalt  }
0x7f: {  	_ =	shalt  }
0x80: {  	_ =	shalt  }
0x81: {  	_ =	shalt  }
0x82: {  	_ =	shalt  }
0x83: {  	_ =	shalt  }
0x84: {  	_ =	shalt  }
0x85: {  	_ =	shalt  }
0x86: {  	_ =	shalt  }
0x87: {  	_ =	shalt  }
.Lfunc_end0:
.L_simem_size_0:
called_computation_lowered:
.L_overlay_start_0:
0x88: {  	s2 =	sld [smem:$0x3FD9]  }
0x89: {  	s3 =	sld [smem:$0x3FFE];
	_ =	sdelay $0x1  }
0x8a: {  	s1 =	srdreg.scid  }
0x8b: {  	s0 =	sand.u32 $0x1, s1  }
0x8c: {  	s18 =	sshll.u32 s0, $0xA;
	s2 =	sadd.s32 s3, s2  }
0x8d: {  	s2 =	sadd.s32 s2, s18  }
0x8e: {  	[smem:$0x3FC6] =	sst s2  }
0x8f: {  	_ = 	snop  }
0x90: {  	s2 =	sld [smem:$0x3FC9]  }
0x91: {  	s19 =	sld [smem:$0x3FC8]  }
0x92: {  	s4 =	sld [smem:$0x3FD0];
	(tm) =	ssettm $0x1  }
0x93: {  	s5 =	sld [smem:$0x3FFB];
	_ =	sdelay $0x3  }
0x94: {  	_ =	strace s5  }
0x95: {  	s5 =	sld [smem:$0x3FFC];
	_ =	sdelay $0x3  }
0x96: {  	_ =	strace s5  }
0x97: {  	s5 =	sld [smem:$0x3FFD];
	_ =	sdelay $0x3  }
0x98: {  	_ =	strace s5  }
0x99: {  	_ =	strace $0x8FFFFFFF  }
0x9a: {  	s20 =	sld [smem:$0x3FDB];
	_ =	sdelay $0x1  }
0x9b: {  	s6 =	simm.s32 $_scs_section_size  }
0x9c: {  	s7 =	simm.s32 $_size__tile_overlayer_lowered;
	s8 =	simm.s32 $_tile_overlayer_lowered  }
0x9d: {  	s23 =	simm.s32 $0x1BFF;
	s22 =	sshll.u32 s8, $0x1;
	s5 =	sadd.s32 s6, s20  }
0x9e: {  	s9 =	simm.s32 $0x0;
	s21 =	sshll.u32 s7, $0x1;
	s7 =	sadd.s32 s22, s5  }
0x9f: {  	[timem:s9], [sflag:s23] =	dma.local [hbm:s7], s21  }
0xa0: {  	_ =	swait.ge [sflag:s23], s21  }
0xa1: {  	s6 =	ssub.s32 $0x0, s21;
	[sflag:s23] =	ssyncset.done $0x0  }
0xa2: {  	[sflag:s23] =	ssyncadd.s32 s6;
	_ =	sdelay $0x1  }
0xa3: {  	s24 =	simm.s32 $0x1B8B  }
0xa4: {  	_ =	swait.ge [sflag:s24], $0x1  }
0xa5: {  	[sflag:s24] =	ssyncset.done $0x0  }
0xa6: {  	s25 =	simm.s32 $0x1B8E;
	[sflag:s24] =	ssyncadd.s32 $0xFFFFFFFF  }
0xa7: {  	s26 =	simm.s32 $execute0_lowered;
	[smem:$0x3FD2] =	sst s25  }
0xa8: {  	s6 =	sshll.u32 s26, $0x1;
	_ =	strace $0x80000046;
	[dreg:$0x1] =	wrdreg $0xFFFFFFFF  }
0xa9: {  	s28 =	simm.s32 $_size_execute0_lowered;
	s5 =	sadd.s32 s5, s6;
	[dreg:$0x0] =	wrdreg $0x0  }
0xaa: {  	s6 =	sshll.u32 s28, $0x1;
	[dreg:$0x2] =	wrdreg s5  }
0xab: {  	[dreg:$0x3] =	wrdreg s6  }
0xac: {  	[dreg:$0x4] =	wrdreg $0xC0  }
0xad: {  	_ =	task [dreg:s9], $0x5FFFF  }
0xae: {  	[dreg:$0x1] =	wrdreg $0xFFFFFFFF  }
0xaf: {  	[dreg:$0x0] =	wrdreg $0x60  }
0xb0: {  	[dreg:$0x2] =	wrdreg s19  }
0xb1: {  	[dreg:$0x3] =	wrdreg s2  }
0xb2: {  	[dreg:$0x4] =	wrdreg s4  }
0xb3: {  	[dreg:$0x5] =	wrdreg $0x9  }
0xb4: {  	_ =	task.clear_ibuf [dreg:s9], $0x6FFFF;
	_ =	strace $0x90000046  }
0xb5: {  	s29 =	simm.s32 $0x9;
	_ =	strace $0x80000048  }
0xb6: {  	_ =	swait.ge [sflag:s29], $0x1  }
0xb7: {  	[sflag:s29] =	ssyncadd.s32 $0xFFFFFFFF  }
0xb8: {  	_ =	strace $0x90000048  }
0xb9: {  	_ =	sfence  }
0xba: {  	s30 =	sld [smem:$0x0];
	_ =	sdelay $0x2  }
0xbb: {  	s31 =	sshll.u32 s1, $0xD;
	s1 =	sshrl.u32 s1, $0x2  }
0xbc: {  	s3 =	sand.u32 $0x4000, s31;
	s1 =	sadd.s32 s1, s30  }
0xbd: {  	s0 =	sor.u32 s3, s0;
	s1 =	sshll.u32 s1, $0x11  }
0xbe: {  	s0 =	sor.u32 s1, s0  }
0xbf: {  	s0 =	sadd.s32 $0x8F2B, s0  }
0xc0: {  	[sflag:s0] =	ssyncadd.remote.s32 $0x1  }
0xc1: {  	_ =	sfence.sel $0xFFFF  }
0xc2: {  	[dreg:$0x0] =	wrdreg $0xFFFFFFFF;
	(pc) =	sbr.abs _section_cstart, $3  }
0xc3: {  	[dreg:$0x1] =	wrdreg $0xFFFFFFFF  }
0xc4: {  	_ =	task.clear_ibuf [dreg:s9], $0x2FFFF;
	_ =	strace $0x9FFFFFFF  }
0xc5: {  	(tm) =	ssettm $0x7FFFFFFF  }
tec
execute0_lowered:
.L_overlay_start_1:
0x0: {  	(tag) =	ssettag $0x1  }
0x1: {  	s1 =	rddreg [dreg:$0x0]  }
0x2: {  	s0 =	rddreg [dreg:$0x1]  }
0x3: {  	s16 =	rddreg [dreg:$0x2]  }
0x4: {  	s2 =	srdreg.scid;
	s8 =	stileid.u32  }
0x5: {  	s4 =	simm.s32 $0x0;
	s2 =	sand.u32 $0x1, s2;
	s3 =	sshll.u32 s8, $0x8  }
0x6: {  	[smem:$0x7FF] =	sst s4;
	s21 =	sshll.u32 s8, $0xF;
	s5 =	sshll.u32 s2, $0x7  }
0x7: {  	_ =	strace $0x80000047;
	s11 =	ssub.s32 $0x2, s2;
	s2 =	sshll.u32 s2, $0xE  }
0x8: {  	s3 =	sor.u32 s5, s3;
	s7 =	sshrl.u32 s11, $0x1;
	s2 =	sor.u32 s2, s21  }
0x9: {  	s6 =	sshll.u32 s3, $0x4;
	s3 =	sadd.s32 s0, s3;
	s0 =	ssub.s32 s11, s7  }
0xa: {  	s31 =	sor.u32 $0x382000, s2;
	[dreg:$0xf] =	wrdreg s3;
	s3 =	sadd.s32 $0x1000, s3  }
0xb: {  	s7 =	sor.u32 $0x380000, s2;
	s5 =	sshrl.u32 s31, $0x3;
	[dreg:$0x11] =	wrdreg s3  }
0xc: {  	s9 =	sor.u32 $0x582000, s2;
	s8 =	sshrl.u32 s7, $0x3;
	[dreg:$0x5] =	wrdreg s5  }
0xd: {  	s10 =	sshrl.u32 s9, $0x3;
	[dreg:$0x6] =	wrdreg s8  }
0xe: {  	s6 =	sadd.s32 s16, s6;
	[dreg:$0x7] =	wrdreg s10  }
0xf: {  	s0 =	smax.u32 s0, $0x1;
	[dreg:$0x10] =	wrdreg s6  }
0x10: {  	s12 =	sadd.s32 $0x400, s6;
	[smem:$0x7FC] =	sst s0  }
0x11: {  	s13 =	sadd.s32 $0x10000, s6;
	[dreg:$0x12] =	wrdreg s12  }
0x12: {  	s14 =	sadd.s32 $0x10400, s6;
	[dreg:$0x13] =	wrdreg s13  }
0x13: {  	s15 =	sadd.s32 $0x20000, s6;
	[dreg:$0x14] =	wrdreg s14  }
0x14: {  	s17 =	sadd.s32 $0x20400, s6;
	[dreg:$0x15] =	wrdreg s15  }
0x15: {  	s18 =	sadd.s32 $0x30000, s6;
	[dreg:$0x16] =	wrdreg s17  }
0x16: {  	s19 =	sadd.s32 $0x30400, s6;
	[dreg:$0x17] =	wrdreg s18  }
0x17: {  	s30 =	simm.s32 $0x40;
	s20 =	sadd.s32 $0x40000, s6;
	[dreg:$0x18] =	wrdreg s19  }
0x18: {  	s28 =	simm.s32 $0x15;
	s22 =	sadd.s32 $0x40400, s6;
	[dreg:$0x19] =	wrdreg s20  }
0x19: {  	s26 =	sor.u32 $0x302000, s2;
	s23 =	sadd.s32 $0x50000, s6;
	[dreg:$0x1a] =	wrdreg s22  }
0x1a: {  	s11 =	sor.u32 $0x580000, s2;
	s24 =	sadd.s32 $0x50400, s6;
	[dreg:$0x1b] =	wrdreg s23  }
0x1b: {  	s9 =	simm.s32 $0x17;
	s25 =	sadd.s32 $0x300000, s6;
	[dreg:$0x1c] =	wrdreg s24  }
0x1c: {  	s29 =	sadd.s32 $0x300400, s6;
	s3 =	sshrl.u32 s26, $0x3;
	[dreg:$0x1d] =	wrdreg s25  }
0x1d: {  	s26 =	sor.u32 $0x400000, s2;
	s8 =	simm.s32 $0x16;
	[dreg:$0x1e] =	wrdreg s29  }
0x1e: {  	s10 =	simm.s32 $0x18;
	[dreg:$0x4] =	wrdreg s3;
	s12 =	sshrl.u32 s11, $0x3  }
0x1f: {  	s13 =	sor.u32 $0x502000, s2;
	s23 =	sadd.s32 $0x310000, s6;
	[dreg:$0x8] =	wrdreg s12  }
0x20: {  	s15 =	sor.u32 $0x500000, s2;
	s25 =	sadd.s32 $0x310400, s6;
	[dreg:$0x1f] =	wrdreg s23  }
0x21: {  	s18 =	sor.u32 $0x482000, s2;
	s29 =	sor.u32 $0x300000, s2;
	[smem:$0x7FB] =	sst s25  }
0x22: {  	s20 =	sor.u32 $0x480000, s2;
	s31 =	sshrl.u32 s26, $0x3;
	[smem:$0x7FD] =	sst s29  }
0x23: {  	s22 =	sor.u32 $0x402000, s2;
	s14 =	sshrl.u32 s13, $0x3;
	[dreg:$0xe] =	wrdreg s31  }
0x24: {  	s3 =	simm.s32 $0x0;
	s17 =	sshrl.u32 s15, $0x3;
	[dreg:$0x9] =	wrdreg s14  }
0x25: {  	s19 =	sshrl.u32 s18, $0x3;
	s21 =	sshrl.u32 s20, $0x3;
	[dreg:$0xa] =	wrdreg s17  }
0x26: {  	s24 =	sshrl.u32 s22, $0x3;
	s20 =	simm.s32 $0xDC00;
	[dreg:$0xb] =	wrdreg s19  }
0x27: {  	s22 =	simm.s32 $0xFC00;
	s23 =	simm.s32 $0x5;
	[dreg:$0xc] =	wrdreg s21  }
0x28: {  	s25 =	simm.s32 $0x7;
	[dreg:$0xd] =	wrdreg s24;
	s14 =	simm.s32 $0x1800  }
0x29: {  	s19 =	simm.s32 $0x9C00;
	s21 =	simm.s32 $0xBC00;
	s24 =	simm.s32 $0xA  }
.LBB2_1:
0x2a: {  	[smem:$0x7FA] =	sst s3  }
0x2b: {  	s11 =	rddreg [dreg:$0xf];
	s3 =	simm.s32 $0x1A  }
0x2c: {  	[tilespmem:s4], [sflag:$0x1A] =	stream.linear.gather [hbm4b:s11+s4], $0x400, $0x38;
	[tilespmem:$0x19C00] =	vst v63  }
0x2d: {  	_ =	swait.ge [sflag:s3], $0x400  }
0x2e: {  	s12 =	simm.s32 $0x8000;
	[sflag:s3] =	ssyncset.done $0x0  }
0x2f: {  	s13 =	simm.s32 $0x400;
	s5 =	rddreg [dreg:$0x11];
	[sflag:s3] =	ssyncadd.s32 $0xFFFFFC00  }
0x30: {  	[tilespmem:s13], [sflag:$0x19] =	stream.strided.gather [hbm4b:s5+s13], $0x1400, s12, s13, $0x38;
	[tilespmem:$0x19C00] =	vst v63  }
0x31: {  	s11 =	sadd.s32 $0x5000, s5  }
0x32: {  	[tilespmem:s14], [sflag:$0x19] =	stream.linear.gather [hbm4b:s11+s4], $0x100, $0x38;
	[tilespmem:$0x19C00] =	vst v63  }
0x33: {  	s17 =	simm.s32 $0x1C00  }
0x34: {  	[tilespmem:s17], [sflag:$0x1] =	stream.indirect.gather [hbm4b:s1+s30], $0x80, s4, s30, $0xb8;
	[tilespmem:$0x19C00] =	vst v63  }
0x35: {  	s18 =	simm.s32 $0x3C00  }
0x36: {  	[tilespmem:s18], [sflag:$0x2] =	stream.indirect.gather [hbm4b:s1+s30], $0x80, s30, s30, $0xb8;
	[tilespmem:$0x19C00] =	vst v63  }
0x37: {  	s6 =	simm.s32 $0x80;
	s0 =	simm.s32 $0x5C00  }
0x38: {  	[tilespmem:s0], [sflag:$0x3] =	stream.indirect.gather [hbm4b:s1+s30], $0x80, s6, s30, $0xb8;
	[tilespmem:$0x19C00] =	vst v63  }
0x39: {  	s7 =	simm.s32 $0x7C00;
	s5 =	simm.s32 $0xC0  }
0x3a: {  	[tilespmem:s7], [sflag:$0x4] =	stream.indirect.gather [hbm4b:s1+s30], $0x80, s5, s30, $0xb8;
	[tilespmem:$0x19C00] =	vst v63  }
0x3b: {  	s11 =	simm.s32 $0x100  }
0x3c: {  	[tilespmem:s19], [sflag:$0x5] =	stream.indirect.gather [hbm4b:s1+s30], $0x80, s11, s30, $0xb8;
	[tilespmem:$0x19C00] =	vst v63  }
0x3d: {  	s12 =	simm.s32 $0x140  }
0x3e: {  	[tilespmem:s21], [sflag:$0x6] =	stream.indirect.gather [hbm4b:s1+s30], $0x80, s12, s30, $0xb8;
	[tilespmem:$0x19C00] =	vst v63  }
0x3f: {  	s13 =	simm.s32 $0x180  }
0x40: {  	[tilespmem:s20], [sflag:$0x7] =	stream.indirect.gather [hbm4b:s1+s30], $0x80, s13, s30, $0xb8;
	[tilespmem:$0x19C00] =	vst v63  }
0x41: {  	s14 =	simm.s32 $0x1C0  }
0x42: {  	[tilespmem:s22], [sflag:$0x8] =	stream.indirect.gather [hbm4b:s1+s30], $0x80, s14, s30, $0xb8;
	[tilespmem:$0x19C00] =	vst v63  }
0x43: {  	s15 =	simm.s32 $0x200;
	s26 =	simm.s32 $0x11C00  }
0x44: {  	[tilespmem:s26], [sflag:$0x9] =	stream.indirect.gather [hbm4b:s1+s30], $0x80, s15, s30, $0xb8;
	[tilespmem:$0x19C00] =	vst v63  }
0x45: {  	s29 =	simm.s32 $0x240;
	s2 =	simm.s32 $0x13C00  }
0x46: {  	[tilespmem:s2], [sflag:$0xA] =	stream.indirect.gather [hbm4b:s1+s30], $0x80, s29, s30, $0xb8;
	[tilespmem:$0x19C00] =	vst v63  }
0x47: {  	s7 =	simm.s32 $0x15C00;
	s2 =	simm.s32 $0x280  }
0x48: {  	[tilespmem:s7], [sflag:$0xB] =	stream.indirect.gather [hbm4b:s1+s30], $0x80, s2, s30, $0xb8;
	[tilespmem:$0x19C00] =	vst v63  }
0x49: {  	s11 =	simm.s32 $0x2C0;
	s12 =	simm.s32 $0x19;
	s13 =	simm.s32 $0x17C00  }
0x4a: {  	[tilespmem:s13], [sflag:$0xC] =	stream.indirect.gather [hbm4b:s1+s30], $0x80, s11, s30, $0xb8;
	[tilespmem:$0x19C00] =	vst v63  }
0x4b: {  	_ =	swait.ge [sflag:s12], $0x1500  }
0x4c: {  	[sflag:s12] =	ssyncset.done $0x0  }
0x4d: {  	s5 =	simm.s32 $0x1;
	[sflag:s12] =	ssyncadd.s32 $0xFFFFEB00  }
0x4e: {  	_ =	swait.ge [sflag:s5], $0x2000  }
0x4f: {  	[sflag:s5] =	ssyncset.done $0x0  }
0x50: {  	s29 =	simm.s32 $0x2;
	s14 =	rddreg [dreg:$0x10];
	[sflag:s5] =	ssyncadd.s32 $0xFFFFE000  }
0x51: {  	[hbm4b:s14+s4] =	stream.linear.scatter [tilespmem:s17], [sflag:$0xD], $0x2000, $0x38;
	[tilespmem:$0x19C00] =	vst v63  }
0x52: {  	_ =	swait.ge [sflag:s29], $0x2000  }
0x53: {  	[sflag:s29] =	ssyncset.done $0x0  }
0x54: {  	s12 =	simm.s32 $0x3;
	s15 =	rddreg [dreg:$0x12];
	[sflag:s29] =	ssyncadd.s32 $0xFFFFE000  }
0x55: {  	[hbm4b:s15+s4] =	stream.linear.scatter [tilespmem:s18], [sflag:$0xE], $0x2000, $0x38;
	[tilespmem:$0x19C00] =	vst v63  }
0x56: {  	_ =	swait.ge [sflag:s12], $0x2000  }
0x57: {  	s6 =	simm.s32 $0x5C00;
	[sflag:s12] =	ssyncset.done $0x0  }
0x58: {  	s14 =	simm.s32 $0x4;
	s26 =	rddreg [dreg:$0x13];
	[sflag:s12] =	ssyncadd.s32 $0xFFFFE000  }
0x59: {  	[hbm4b:s26+s4] =	stream.linear.scatter [tilespmem:s6], [sflag:$0xF], $0x2000, $0x38;
	[tilespmem:$0x19C00] =	vst v63  }
0x5a: {  	_ =	swait.ge [sflag:s14], $0x2000  }
0x5b: {  	[sflag:s14] =	ssyncset.done $0x0  }
0x5c: {  	s3 =	simm.s32 $0x7C00;
	s6 =	rddreg [dreg:$0x14];
	[sflag:s14] =	ssyncadd.s32 $0xFFFFE000  }
0x5d: {  	[hbm4b:s6+s4] =	stream.linear.scatter [tilespmem:s3], [sflag:$0x10], $0x2000, $0x38;
	[tilespmem:$0x19C00] =	vst v63  }
0x5e: {  	_ =	swait.ge [sflag:s23], $0x2000  }
0x5f: {  	[sflag:s23] =	ssyncset.done $0x0  }
0x60: {  	s6 =	simm.s32 $0x6;
	s7 =	rddreg [dreg:$0x15];
	[sflag:s23] =	ssyncadd.s32 $0xFFFFE000  }
0x61: {  	[hbm4b:s7+s4] =	stream.linear.scatter [tilespmem:s19], [sflag:$0x11], $0x2000, $0x38;
	[tilespmem:$0x19C00] =	vst v63  }
0x62: {  	_ =	swait.ge [sflag:s6], $0x2000  }
0x63: {  	[sflag:s6] =	ssyncset.done $0x0  }
0x64: {  	s15 =	rddreg [dreg:$0x16];
	[sflag:s6] =	ssyncadd.s32 $0xFFFFE000  }
0x65: {  	[hbm4b:s15+s4] =	stream.linear.scatter [tilespmem:s21], [sflag:$0x12], $0x2000, $0x38;
	[tilespmem:$0x19C00] =	vst v63  }
0x66: {  	_ =	swait.ge [sflag:s25], $0x2000  }
0x67: {  	[sflag:s25] =	ssyncset.done $0x0  }
0x68: {  	s15 =	simm.s32 $0x8;
	s3 =	rddreg [dreg:$0x17];
	[sflag:s25] =	ssyncadd.s32 $0xFFFFE000  }
0x69: {  	[hbm4b:s3+s4] =	stream.linear.scatter [tilespmem:s20], [sflag:$0x13], $0x2000, $0x38;
	[tilespmem:$0x19C00] =	vst v63  }
0x6a: {  	_ =	swait.ge [sflag:s15], $0x2000  }
0x6b: {  	[sflag:s15] =	ssyncset.done $0x0  }
0x6c: {  	s7 =	rddreg [dreg:$0x18];
	[sflag:s15] =	ssyncadd.s32 $0xFFFFE000  }
0x6d: {  	[hbm4b:s7+s4] =	stream.linear.scatter [tilespmem:s22], [sflag:$0x14], $0x2000, $0x38;
	[tilespmem:$0x19C00] =	vst v63  }
0x6e: {  	s7 =	simm.s32 $0x9  }
0x6f: {  	_ =	swait.ge [sflag:s7], $0x2000  }
0x70: {  	[sflag:s7] =	ssyncset.done $0x0  }
0x71: {  	s0 =	simm.s32 $0x11C00;
	s3 =	rddreg [dreg:$0x19];
	[sflag:s7] =	ssyncadd.s32 $0xFFFFE000  }
0x72: {  	[hbm4b:s3+s4] =	stream.linear.scatter [tilespmem:s0], [sflag:$0x15], $0x2000, $0x38;
	[tilespmem:$0x19C00] =	vst v63  }
0x73: {  	_ =	swait.ge [sflag:s24], $0x2000  }
0x74: {  	[sflag:s24] =	ssyncset.done $0x0  }
0x75: {  	s31 =	simm.s32 $0x13C00;
	s3 =	rddreg [dreg:$0x1a];
	[sflag:s24] =	ssyncadd.s32 $0xFFFFE000  }
0x76: {  	[hbm4b:s3+s4] =	stream.linear.scatter [tilespmem:s31], [sflag:$0x16], $0x2000, $0x38;
	[tilespmem:$0x19C00] =	vst v63  }
0x77: {  	s3 =	simm.s32 $0xB  }
0x78: {  	_ =	swait.ge [sflag:s3], $0x2000  }
0x79: {  	s2 =	simm.s32 $0x15C00;
	[sflag:s3] =	ssyncset.done $0x0  }
0x7a: {  	s31 =	simm.s32 $0xC;
	s0 =	rddreg [dreg:$0x1b];
	[sflag:s3] =	ssyncadd.s32 $0xFFFFE000  }
0x7b: {  	[hbm4b:s0+s4] =	stream.linear.scatter [tilespmem:s2], [sflag:$0x17], $0x2000, $0x38;
	[tilespmem:$0x19C00] =	vst v63  }
0x7c: {  	_ =	swait.ge [sflag:s31], $0x2000  }
0x7d: {  	[sflag:s31] =	ssyncset.done $0x0  }
0x7e: {  	s0 =	simm.s32 $0xD;
	s2 =	rddreg [dreg:$0x1c];
	[sflag:s31] =	ssyncadd.s32 $0xFFFFE000  }
0x7f: {  	[hbm4b:s2+s4] =	stream.linear.scatter [tilespmem:s13], [sflag:$0x18], $0x2000, $0x38;
	[tilespmem:$0x19C00] =	vst v63  }
0x80: {  	_ =	swait.ge [sflag:s0], $0x2000  }
0x81: {  	[sflag:s0] =	ssyncset.done $0x0  }
0x82: {  	s2 =	simm.s32 $0x300;
	[sflag:s0] =	ssyncadd.s32 $0xFFFFE000;
	s0 =	simm.s32 $0xE  }
0x83: {  	[tilespmem:s17], [sflag:$0x1] =	stream.indirect.gather [hbm4b:s1+s30], $0x80, s2, s30, $0xb8;
	[tilespmem:$0x19C00] =	vst v63  }
0x84: {  	_ =	swait.ge [sflag:s0], $0x2000  }
0x85: {  	[sflag:s0] =	ssyncset.done $0x0  }
0x86: {  	s2 =	simm.s32 $0x340;
	[sflag:s0] =	ssyncadd.s32 $0xFFFFE000;
	s0 =	simm.s32 $0xF  }
0x87: {  	[tilespmem:s18], [sflag:$0x2] =	stream.indirect.gather [hbm4b:s1+s30], $0x80, s2, s30, $0xb8;
	[tilespmem:$0x19C00] =	vst v63  }
0x88: {  	_ =	swait.ge [sflag:s0], $0x2000  }
0x89: {  	s26 =	simm.s32 $0x5C00;
	[sflag:s0] =	ssyncset.done $0x0  }
0x8a: {  	s2 =	simm.s32 $0x380;
	[sflag:s0] =	ssyncadd.s32 $0xFFFFE000;
	s0 =	simm.s32 $0x10  }
0x8b: {  	[tilespmem:s26], [sflag:$0x3] =	stream.indirect.gather [hbm4b:s1+s30], $0x80, s2, s30, $0xb8;
	[tilespmem:$0x19C00] =	vst v63  }
0x8c: {  	_ =	swait.ge [sflag:s0], $0x2000  }
0x8d: {  	s2 =	simm.s32 $0x3C0;
	[sflag:s0] =	ssyncset.done $0x0  }
0x8e: {  	s26 =	simm.s32 $0x7C00;
	[sflag:s0] =	ssyncadd.s32 $0xFFFFE000;
	s0 =	simm.s32 $0x11  }
0x8f: {  	[tilespmem:s26], [sflag:$0x4] =	stream.indirect.gather [hbm4b:s1+s30], $0x80, s2, s30, $0xb8;
	[tilespmem:$0x19C00] =	vst v63  }
0x90: {  	_ =	swait.ge [sflag:s0], $0x2000  }
0x91: {  	[sflag:s0] =	ssyncset.done $0x0  }
0x92: {  	s2 =	simm.s32 $0x400;
	s26 =	simm.s32 $0x12;
	[sflag:s0] =	ssyncadd.s32 $0xFFFFE000  }
0x93: {  	[tilespmem:s19], [sflag:$0x5] =	stream.indirect.gather [hbm4b:s1+s30], $0x80, s2, s30, $0xb8;
	[tilespmem:$0x19C00] =	vst v63  }
0x94: {  	_ =	swait.ge [sflag:s26], $0x2000  }
0x95: {  	[sflag:s26] =	ssyncset.done $0x0  }
0x96: {  	s2 =	simm.s32 $0x440;
	[sflag:s26] =	ssyncadd.s32 $0xFFFFE000;
	s26 =	simm.s32 $0x13  }
0x97: {  	[tilespmem:s21], [sflag:$0x6] =	stream.indirect.gather [hbm4b:s1+s30], $0x80, s2, s30, $0xb8;
	[tilespmem:$0x19C00] =	vst v63  }
0x98: {  	_ =	swait.ge [sflag:s26], $0x2000  }
0x99: {  	[sflag:s26] =	ssyncset.done $0x0  }
0x9a: {  	s2 =	simm.s32 $0x480;
	[sflag:s26] =	ssyncadd.s32 $0xFFFFE000;
	s26 =	simm.s32 $0x14  }
0x9b: {  	[tilespmem:s20], [sflag:$0x7] =	stream.indirect.gather [hbm4b:s1+s30], $0x80, s2, s30, $0xb8;
	[tilespmem:$0x19C00] =	vst v63  }
0x9c: {  	_ =	swait.ge [sflag:s26], $0x2000  }
0x9d: {  	[sflag:s26] =	ssyncset.done $0x0  }
0x9e: {  	s2 =	simm.s32 $0x4C0;
	[sflag:s26] =	ssyncadd.s32 $0xFFFFE000  }
0x9f: {  	[tilespmem:s22], [sflag:$0x8] =	stream.indirect.gather [hbm4b:s1+s30], $0x80, s2, s30, $0xb8;
	[tilespmem:$0x19C00] =	vst v63  }
0xa0: {  	_ =	swait.ge [sflag:s28], $0x2000  }
0xa1: {  	[sflag:s28] =	ssyncset.done $0x0  }
0xa2: {  	s0 =	simm.s32 $0x11C00;
	s26 =	simm.s32 $0x500;
	[sflag:s28] =	ssyncadd.s32 $0xFFFFE000  }
0xa3: {  	[tilespmem:s0], [sflag:$0x9] =	stream.indirect.gather [hbm4b:s1+s30], $0x80, s26, s30, $0xb8;
	[tilespmem:$0x19C00] =	vst v63  }
0xa4: {  	_ =	swait.ge [sflag:s8], $0x2000  }
0xa5: {  	[sflag:s8] =	ssyncset.done $0x0  }
0xa6: {  	s2 =	simm.s32 $0x540;
	s26 =	simm.s32 $0x13C00;
	[sflag:s8] =	ssyncadd.s32 $0xFFFFE000  }
0xa7: {  	[tilespmem:s26], [sflag:$0xA] =	stream.indirect.gather [hbm4b:s1+s30], $0x80, s2, s30, $0xb8;
	[tilespmem:$0x19C00] =	vst v63  }
0xa8: {  	_ =	swait.ge [sflag:s9], $0x2000  }
0xa9: {  	[sflag:s9] =	ssyncset.done $0x0  }
0xaa: {  	s11 =	simm.s32 $0x580;
	s26 =	simm.s32 $0x15C00;
	[sflag:s9] =	ssyncadd.s32 $0xFFFFE000  }
0xab: {  	[tilespmem:s26], [sflag:$0xB] =	stream.indirect.gather [hbm4b:s1+s30], $0x80, s11, s30, $0xb8;
	[tilespmem:$0x19C00] =	vst v63  }
0xac: {  	_ =	swait.ge [sflag:s10], $0x2000  }
0xad: {  	[sflag:s10] =	ssyncset.done $0x0  }
0xae: {  	s11 =	simm.s32 $0x5C0;
	[sflag:s10] =	ssyncadd.s32 $0xFFFFE000  }
0xaf: {  	[tilespmem:s13], [sflag:$0xC] =	stream.indirect.gather [hbm4b:s1+s30], $0x80, s11, s30, $0xb8;
	[tilespmem:$0x19C00] =	vst v63  }
0xb0: {  	_ =	swait.ge [sflag:s5], $0x2000  }
0xb1: {  	s13 =	sld [smem:$0x7FD];
	_ =	sdelay $0x2  }
0xb2: {  	[sflag:s5] =	ssyncset.done $0x0;
	s11 =	sshrl.u32 s13, $0x3  }
0xb3: {  	[sflag:s5] =	ssyncadd.s32 $0xFFFFE000;
	s11 =	sadd.s32 s16, s11  }
0xb4: {  	[hbm4b:s11+s4] =	stream.linear.scatter [tilespmem:s17], [sflag:$0xD], $0x2000, $0x38;
	[tilespmem:$0x19C00] =	vst v63  }
0xb5: {  	_ =	swait.ge [sflag:s29], $0x2000  }
0xb6: {  	s17 =	rddreg [dreg:$0x4];
	[sflag:s29] =	ssyncset.done $0x0  }
0xb7: {  	[sflag:s29] =	ssyncadd.s32 $0xFFFFE000;
	s11 =	sadd.s32 s16, s17  }
0xb8: {  	[hbm4b:s11+s4] =	stream.linear.scatter [tilespmem:s18], [sflag:$0xE], $0x2000, $0x38;
	[tilespmem:$0x19C00] =	vst v63  }
0xb9: {  	_ =	swait.ge [sflag:s12], $0x2000  }
0xba: {  	s18 =	rddreg [dreg:$0x6];
	[sflag:s12] =	ssyncset.done $0x0  }
0xbb: {  	s29 =	simm.s32 $0x5C00;
	[sflag:s12] =	ssyncadd.s32 $0xFFFFE000;
	s11 =	sadd.s32 s16, s18  }
0xbc: {  	[hbm4b:s11+s4] =	stream.linear.scatter [tilespmem:s29], [sflag:$0xF], $0x2000, $0x38;
	[tilespmem:$0x19C00] =	vst v63  }
0xbd: {  	_ =	swait.ge [sflag:s14], $0x2000  }
0xbe: {  	s5 =	rddreg [dreg:$0x5];
	[sflag:s14] =	ssyncset.done $0x0  }
0xbf: {  	s12 =	simm.s32 $0x7C00;
	[sflag:s14] =	ssyncadd.s32 $0xFFFFE000;
	s11 =	sadd.s32 s16, s5  }
0xc0: {  	[hbm4b:s11+s4] =	stream.linear.scatter [tilespmem:s12], [sflag:$0x10], $0x2000, $0x38;
	[tilespmem:$0x19C00] =	vst v63  }
0xc1: {  	_ =	swait.ge [sflag:s23], $0x2000  }
0xc2: {  	s14 =	rddreg [dreg:$0xe];
	[sflag:s23] =	ssyncset.done $0x0  }
0xc3: {  	[sflag:s23] =	ssyncadd.s32 $0xFFFFE000;
	s11 =	sadd.s32 s16, s14  }
0xc4: {  	[hbm4b:s11+s4] =	stream.linear.scatter [tilespmem:s19], [sflag:$0x11], $0x2000, $0x38;
	[tilespmem:$0x19C00] =	vst v63  }
0xc5: {  	_ =	swait.ge [sflag:s6], $0x2000  }
0xc6: {  	s17 =	rddreg [dreg:$0xd];
	[sflag:s6] =	ssyncset.done $0x0  }
0xc7: {  	[sflag:s6] =	ssyncadd.s32 $0xFFFFE000;
	s11 =	sadd.s32 s16, s17  }
0xc8: {  	[hbm4b:s11+s4] =	stream.linear.scatter [tilespmem:s21], [sflag:$0x12], $0x2000, $0x38;
	[tilespmem:$0x19C00] =	vst v63  }
0xc9: {  	_ =	swait.ge [sflag:s25], $0x2000  }
0xca: {  	s18 =	rddreg [dreg:$0xc];
	[sflag:s25] =	ssyncset.done $0x0  }
0xcb: {  	[sflag:s25] =	ssyncadd.s32 $0xFFFFE000;
	s11 =	sadd.s32 s16, s18  }
0xcc: {  	[hbm4b:s11+s4] =	stream.linear.scatter [tilespmem:s20], [sflag:$0x13], $0x2000, $0x38;
	[tilespmem:$0x19C00] =	vst v63  }
0xcd: {  	_ =	swait.ge [sflag:s15], $0x2000  }
0xce: {  	s19 =	rddreg [dreg:$0xb];
	[sflag:s15] =	ssyncset.done $0x0  }
0xcf: {  	[sflag:s15] =	ssyncadd.s32 $0xFFFFE000;
	s11 =	sadd.s32 s16, s19  }
0xd0: {  	[hbm4b:s11+s4] =	stream.linear.scatter [tilespmem:s22], [sflag:$0x14], $0x2000, $0x38;
	[tilespmem:$0x19C00] =	vst v63  }
0xd1: {  	_ =	swait.ge [sflag:s7], $0x2000  }
0xd2: {  	s20 =	rddreg [dreg:$0xa];
	[sflag:s7] =	ssyncset.done $0x0  }
0xd3: {  	[sflag:s7] =	ssyncadd.s32 $0xFFFFE000;
	s11 =	sadd.s32 s16, s20  }
0xd4: {  	[hbm4b:s11+s4] =	stream.linear.scatter [tilespmem:s0], [sflag:$0x15], $0x2000, $0x38;
	[tilespmem:$0x19C00] =	vst v63  }
0xd5: {  	_ =	swait.ge [sflag:s24], $0x2000  }
0xd6: {  	s21 =	rddreg [dreg:$0x9];
	[sflag:s24] =	ssyncset.done $0x0  }
0xd7: {  	s2 =	simm.s32 $0x13C00;
	[sflag:s24] =	ssyncadd.s32 $0xFFFFE000;
	s11 =	sadd.s32 s16, s21  }
0xd8: {  	[hbm4b:s11+s4] =	stream.linear.scatter [tilespmem:s2], [sflag:$0x16], $0x2000, $0x38;
	[tilespmem:$0x19C00] =	vst v63  }
0xd9: {  	_ =	swait.ge [sflag:s3], $0x2000  }
0xda: {  	s22 =	rddreg [dreg:$0x8];
	[sflag:s3] =	ssyncset.done $0x0  }
0xdb: {  	s26 =	simm.s32 $0x15C00;
	[sflag:s3] =	ssyncadd.s32 $0xFFFFE000;
	s11 =	sadd.s32 s16, s22  }
0xdc: {  	[hbm4b:s11+s4] =	stream.linear.scatter [tilespmem:s26], [sflag:$0x17], $0x2000, $0x38;
	[tilespmem:$0x19C00] =	vst v63  }
0xdd: {  	s13 =	sadd.s32 $0x300000, s13;
	_ =	swait.ge [sflag:s31], $0x2000  }
0xde: {  	s12 =	sadd.s32 $0x60000, s16;
	s29 =	rddreg [dreg:$0x7];
	[sflag:s31] =	ssyncset.done $0x0  }
0xdf: {  	s11 =	simm.s32 $0xC00;
	[sflag:s31] =	ssyncadd.s32 $0xFFFFE000;
	s14 =	sadd.s32 s16, s29  }
.LBB2_2:
0xe0: {  	s29 =	simm.s32 $0x17C00;
	s5 =	simm.s32 $0xD  }
0xe1: {  	[hbm4b:s14+s4] =	stream.linear.scatter [tilespmem:s29], [sflag:$0x18], $0x2000, $0x38;
	[tilespmem:$0x19C00] =	vst v63  }
0xe2: {  	s2 =	smov.u32 s11;
	_ =	swait.ge [sflag:s5], $0x2000  }
0xe3: {  	s18 =	simm.s32 $0x1C00;
	s14 =	sshra.s32 s2, $0x2;
	[sflag:s5] =	ssyncset.done $0x0  }
0xe4: {  	s19 =	simm.s32 $0xE;
	[sflag:s5] =	ssyncadd.s32 $0xFFFFE000;
	s5 =	sadd.s32 $0x300, s14  }
0xe5: {  	[tilespmem:s18], [sflag:$0x1] =	stream.indirect.gather [hbm4b:s1+s30], $0x80, s5, s30, $0xb8;
	[tilespmem:$0x19C00] =	vst v63  }
0xe6: {  	_ =	swait.ge [sflag:s19], $0x2000  }
0xe7: {  	s22 =	simm.s32 $0xF;
	[sflag:s19] =	ssyncset.done $0x0  }
0xe8: {  	s20 =	sadd.s32 $0x340, s14;
	[sflag:s19] =	ssyncadd.s32 $0xFFFFE000;
	s19 =	simm.s32 $0x3C00  }
0xe9: {  	[tilespmem:s19], [sflag:$0x2] =	stream.indirect.gather [hbm4b:s1+s30], $0x80, s20, s30, $0xb8;
	[tilespmem:$0x19C00] =	vst v63  }
0xea: {  	_ =	swait.ge [sflag:s22], $0x2000  }
0xeb: {  	s0 =	simm.s32 $0x10;
	[sflag:s22] =	ssyncset.done $0x0  }
0xec: {  	s26 =	sadd.s32 $0x380, s14;
	s5 =	simm.s32 $0x5C00;
	[sflag:s22] =	ssyncadd.s32 $0xFFFFE000  }
0xed: {  	[tilespmem:s5], [sflag:$0x3] =	stream.indirect.gather [hbm4b:s1+s30], $0x80, s26, s30, $0xb8;
	[tilespmem:$0x19C00] =	vst v63  }
0xee: {  	_ =	swait.ge [sflag:s0], $0x2000  }
0xef: {  	s2 =	sadd.s32 $0x3C0, s14;
	[sflag:s0] =	ssyncset.done $0x0  }
0xf0: {  	s20 =	simm.s32 $0x7C00;
	s26 =	simm.s32 $0x11;
	[sflag:s0] =	ssyncadd.s32 $0xFFFFE000  }
0xf1: {  	[tilespmem:s20], [sflag:$0x4] =	stream.indirect.gather [hbm4b:s1+s30], $0x80, s2, s30, $0xb8;
	[tilespmem:$0x19C00] =	vst v63  }
0xf2: {  	_ =	swait.ge [sflag:s26], $0x2000  }
0xf3: {  	[sflag:s26] =	ssyncset.done $0x0  }
0xf4: {  	s21 =	simm.s32 $0x9C00;
	s0 =	sadd.s32 $0x400, s14;
	[sflag:s26] =	ssyncadd.s32 $0xFFFFE000  }
0xf5: {  	[tilespmem:s21], [sflag:$0x5] =	stream.indirect.gather [hbm4b:s1+s30], $0x80, s0, s30, $0xb8;
	[tilespmem:$0x19C00] =	vst v63  }
0xf6: {  	s0 =	simm.s32 $0x12  }
0xf7: {  	_ =	swait.ge [sflag:s0], $0x2000  }
0xf8: {  	s2 =	sadd.s32 $0x440, s14;
	[sflag:s0] =	ssyncset.done $0x0  }
0xf9: {  	s26 =	simm.s32 $0x13;
	s21 =	simm.s32 $0xBC00;
	[sflag:s0] =	ssyncadd.s32 $0xFFFFE000  }
0xfa: {  	[tilespmem:s21], [sflag:$0x6] =	stream.indirect.gather [hbm4b:s1+s30], $0x80, s2, s30, $0xb8;
	[tilespmem:$0x19C00] =	vst v63  }
0xfb: {  	_ =	swait.ge [sflag:s26], $0x2000  }
0xfc: {  	s22 =	simm.s32 $0xDC00;
	[sflag:s26] =	ssyncset.done $0x0  }
0xfd: {  	s2 =	sadd.s32 $0x480, s14;
	[sflag:s26] =	ssyncadd.s32 $0xFFFFE000;
	s26 =	simm.s32 $0x14  }
0xfe: {  	[tilespmem:s22], [sflag:$0x7] =	stream.indirect.gather [hbm4b:s1+s30], $0x80, s2, s30, $0xb8;
	[tilespmem:$0x19C00] =	vst v63  }
0xff: {  	_ =	swait.ge [sflag:s26], $0x2000  }
0x100: {  	[sflag:s26] =	ssyncset.done $0x0  }
0x101: {  	s22 =	simm.s32 $0xFC00;
	s2 =	sadd.s32 $0x4C0, s14;
	[sflag:s26] =	ssyncadd.s32 $0xFFFFE000  }
0x102: {  	[tilespmem:s22], [sflag:$0x8] =	stream.indirect.gather [hbm4b:s1+s30], $0x80, s2, s30, $0xb8;
	[tilespmem:$0x19C00] =	vst v63  }
0x103: {  	_ =	swait.ge [sflag:s28], $0x2000  }
0x104: {  	[sflag:s28] =	ssyncset.done $0x0  }
0x105: {  	s0 =	simm.s32 $0x11C00;
	s26 =	sadd.s32 $0x500, s14;
	[sflag:s28] =	ssyncadd.s32 $0xFFFFE000  }
0x106: {  	[tilespmem:s0], [sflag:$0x9] =	stream.indirect.gather [hbm4b:s1+s30], $0x80, s26, s30, $0xb8;
	[tilespmem:$0x19C00] =	vst v63  }
0x107: {  	_ =	swait.ge [sflag:s8], $0x2000  }
0x108: {  	[sflag:s8] =	ssyncset.done $0x0  }
0x109: {  	s2 =	sadd.s32 $0x540, s14;
	s26 =	simm.s32 $0x13C00;
	[sflag:s8] =	ssyncadd.s32 $0xFFFFE000  }
0x10a: {  	[tilespmem:s26], [sflag:$0xA] =	stream.indirect.gather [hbm4b:s1+s30], $0x80, s2, s30, $0xb8;
	[tilespmem:$0x19C00] =	vst v63  }
0x10b: {  	_ =	swait.ge [sflag:s9], $0x2000  }
0x10c: {  	s17 =	smov.u32 s16;
	[sflag:s9] =	ssyncset.done $0x0  }
0x10d: {  	s16 =	sadd.s32 $0x580, s14;
	s2 =	simm.s32 $0x15C00;
	[sflag:s9] =	ssyncadd.s32 $0xFFFFE000  }
0x10e: {  	[tilespmem:s2], [sflag:$0xB] =	stream.indirect.gather [hbm4b:s1+s30], $0x80, s16, s30, $0xb8;
	[tilespmem:$0x19C00] =	vst v63  }
0x10f: {  	_ =	swait.ge [sflag:s10], $0x2000  }
0x110: {  	[sflag:s10] =	ssyncset.done $0x0  }
0x111: {  	s14 =	sadd.s32 $0x5C0, s14;
	[sflag:s10] =	ssyncadd.s32 $0xFFFFE000  }
0x112: {  	[tilespmem:s29], [sflag:$0xC] =	stream.indirect.gather [hbm4b:s1+s30], $0x80, s14, s30, $0xb8;
	[tilespmem:$0x19C00] =	vst v63  }
0x113: {  	s29 =	simm.s32 $0x1  }
0x114: {  	_ =	swait.ge [sflag:s29], $0x2000  }
0x115: {  	s16 =	smov.u32 s17;
	s14 =	sshrl.u32 s13, $0x3;
	[sflag:s29] =	ssyncset.done $0x0  }
0x116: {  	s14 =	sadd.s32 s16, s14;
	[sflag:s29] =	ssyncadd.s32 $0xFFFFE000  }
0x117: {  	[hbm4b:s14+s4] =	stream.linear.scatter [tilespmem:s18], [sflag:$0xD], $0x2000, $0x38;
	[tilespmem:$0x19C00] =	vst v63  }
0x118: {  	s14 =	simm.s32 $0x2  }
0x119: {  	_ =	swait.ge [sflag:s14], $0x2000  }
0x11a: {  	s29 =	rddreg [dreg:$0x4];
	[sflag:s14] =	ssyncset.done $0x0  }
0x11b: {  	[sflag:s14] =	ssyncadd.s32 $0xFFFFE000;
	s14 =	sadd.s32 s12, s29  }
0x11c: {  	[hbm4b:s14+s4] =	stream.linear.scatter [tilespmem:s19], [sflag:$0xE], $0x2000, $0x38;
	[tilespmem:$0x19C00] =	vst v63  }
0x11d: {  	s14 =	simm.s32 $0x3  }
0x11e: {  	_ =	swait.ge [sflag:s14], $0x2000  }
0x11f: {  	s29 =	rddreg [dreg:$0x6];
	[sflag:s14] =	ssyncset.done $0x0  }
0x120: {  	[sflag:s14] =	ssyncadd.s32 $0xFFFFE000;
	s14 =	sadd.s32 s12, s29  }
0x121: {  	[hbm4b:s14+s4] =	stream.linear.scatter [tilespmem:s5], [sflag:$0xF], $0x2000, $0x38;
	[tilespmem:$0x19C00] =	vst v63  }
0x122: {  	s14 =	simm.s32 $0x4  }
0x123: {  	_ =	swait.ge [sflag:s14], $0x2000  }
0x124: {  	s18 =	rddreg [dreg:$0x5];
	[sflag:s14] =	ssyncset.done $0x0  }
0x125: {  	[sflag:s14] =	ssyncadd.s32 $0xFFFFE000;
	s14 =	sadd.s32 s12, s18  }
0x126: {  	[hbm4b:s14+s4] =	stream.linear.scatter [tilespmem:s20], [sflag:$0x10], $0x2000, $0x38;
	[tilespmem:$0x19C00] =	vst v63  }
0x127: {  	_ =	swait.ge [sflag:s23], $0x2000  }
0x128: {  	s29 =	rddreg [dreg:$0xe];
	[sflag:s23] =	ssyncset.done $0x0  }
0x129: {  	s19 =	simm.s32 $0x9C00;
	[sflag:s23] =	ssyncadd.s32 $0xFFFFE000;
	s14 =	sadd.s32 s12, s29  }
0x12a: {  	[hbm4b:s14+s4] =	stream.linear.scatter [tilespmem:s19], [sflag:$0x11], $0x2000, $0x38;
	[tilespmem:$0x19C00] =	vst v63  }
0x12b: {  	_ =	swait.ge [sflag:s6], $0x2000  }
0x12c: {  	s5 =	rddreg [dreg:$0xd];
	[sflag:s6] =	ssyncset.done $0x0  }
0x12d: {  	[sflag:s6] =	ssyncadd.s32 $0xFFFFE000;
	s14 =	sadd.s32 s12, s5  }
0x12e: {  	[hbm4b:s14+s4] =	stream.linear.scatter [tilespmem:s21], [sflag:$0x12], $0x2000, $0x38;
	[tilespmem:$0x19C00] =	vst v63  }
0x12f: {  	_ =	swait.ge [sflag:s25], $0x2000  }
0x130: {  	s18 =	rddreg [dreg:$0xc];
	[sflag:s25] =	ssyncset.done $0x0  }
0x131: {  	s20 =	simm.s32 $0xDC00;
	[sflag:s25] =	ssyncadd.s32 $0xFFFFE000;
	s14 =	sadd.s32 s12, s18  }
0x132: {  	[hbm4b:s14+s4] =	stream.linear.scatter [tilespmem:s20], [sflag:$0x13], $0x2000, $0x38;
	[tilespmem:$0x19C00] =	vst v63  }
0x133: {  	_ =	swait.ge [sflag:s15], $0x2000  }
0x134: {  	s29 =	rddreg [dreg:$0xb];
	[sflag:s15] =	ssyncset.done $0x0  }
0x135: {  	[sflag:s15] =	ssyncadd.s32 $0xFFFFE000;
	s14 =	sadd.s32 s12, s29  }
0x136: {  	[hbm4b:s14+s4] =	stream.linear.scatter [tilespmem:s22], [sflag:$0x14], $0x2000, $0x38;
	[tilespmem:$0x19C00] =	vst v63  }
0x137: {  	_ =	swait.ge [sflag:s7], $0x2000  }
0x138: {  	s5 =	rddreg [dreg:$0xa];
	[sflag:s7] =	ssyncset.done $0x0  }
0x139: {  	[sflag:s7] =	ssyncadd.s32 $0xFFFFE000;
	s14 =	sadd.s32 s12, s5  }
0x13a: {  	[hbm4b:s14+s4] =	stream.linear.scatter [tilespmem:s0], [sflag:$0x15], $0x2000, $0x38;
	[tilespmem:$0x19C00] =	vst v63  }
0x13b: {  	_ =	swait.ge [sflag:s24], $0x2000  }
0x13c: {  	s18 =	rddreg [dreg:$0x9];
	[sflag:s24] =	ssyncset.done $0x0  }
0x13d: {  	[sflag:s24] =	ssyncadd.s32 $0xFFFFE000;
	s14 =	sadd.s32 s12, s18  }
0x13e: {  	[hbm4b:s14+s4] =	stream.linear.scatter [tilespmem:s26], [sflag:$0x16], $0x2000, $0x38;
	[tilespmem:$0x19C00] =	vst v63  }
0x13f: {  	_ =	swait.ge [sflag:s3], $0x2000  }
0x140: {  	p0 =	sne.s32 s11, $0x4800;
	s26 =	rddreg [dreg:$0x8];
	[sflag:s3] =	ssyncset.done $0x0  }
.Ltmp0:
0x141: {  	[sflag:s3] =	ssyncadd.s32 $0xFFFFE000;
	s14 =	sadd.s32 s12, s26;
	(pc) =	sbr.rel @p0 .LBB2_2-.Ltmp0, $4  }
0x142: {  	[hbm4b:s14+s4] =	stream.linear.scatter [tilespmem:s2], [sflag:$0x17], $0x2000, $0x38;
	[tilespmem:$0x19C00] =	vst v63  }
0x143: {  	s11 =	sadd.s32 $0xC00, s11;
	s17 =	simm.s32 $0x17C00;
	_ =	swait.ge [sflag:s31], $0x2000  }
0x144: {  	s13 =	sadd.s32 $0x300000, s13;
	[sflag:s31] =	ssyncset.done $0x0;
	s29 =	rddreg [dreg:$0x7]  }
0x145: {  	[sflag:s31] =	ssyncadd.s32 $0xFFFFE000;
	s14 =	sadd.s32 s12, s29;
	s12 =	sadd.s32 $0x60000, s12  }
0x146: {  	[hbm4b:s14+s4] =	stream.linear.scatter [tilespmem:s17], [sflag:$0x18], $0x2000, $0x38;
	[tilespmem:$0x19C00] =	vst v63  }
0x147: {  	s3 =	simm.s32 $0xD  }
0x148: {  	_ =	swait.ge [sflag:s3], $0x2000  }
0x149: {  	s14 =	simm.s32 $0x1800;
	[sflag:s3] =	ssyncset.done $0x0  }
0x14a: {  	s12 =	simm.s32 $0x1C00;
	s6 =	simm.s32 $0xE;
	[sflag:s3] =	ssyncadd.s32 $0xFFFFE000  }
0x14b: {  	[tilespmem:s12], [sflag:$0x1] =	stream.indirect.gather [hbm4b:s1+s30], $0x80, s14, s30, $0xb8;
	[tilespmem:$0x19C00] =	vst v63  }
0x14c: {  	_ =	swait.ge [sflag:s6], $0x2000  }
0x14d: {  	s13 =	simm.s32 $0x3C00;
	[sflag:s6] =	ssyncset.done $0x0  }
0x14e: {  	s5 =	simm.s32 $0x1840;
	s7 =	simm.s32 $0xF;
	[sflag:s6] =	ssyncadd.s32 $0xFFFFE000  }
0x14f: {  	[tilespmem:s13], [sflag:$0x2] =	stream.indirect.gather [hbm4b:s1+s30], $0x80, s5, s30, $0xb8;
	[tilespmem:$0x19C00] =	vst v63  }
0x150: {  	_ =	swait.ge [sflag:s7], $0x2000  }
0x151: {  	s11 =	simm.s32 $0x1880;
	[sflag:s7] =	ssyncset.done $0x0  }
0x152: {  	s15 =	simm.s32 $0x10;
	s5 =	simm.s32 $0x5C00;
	[sflag:s7] =	ssyncadd.s32 $0xFFFFE000  }
0x153: {  	[tilespmem:s5], [sflag:$0x3] =	stream.indirect.gather [hbm4b:s1+s30], $0x80, s11, s30, $0xb8;
	[tilespmem:$0x19C00] =	vst v63  }
0x154: {  	_ =	swait.ge [sflag:s15], $0x2000  }
0x155: {  	s17 =	simm.s32 $0x7C00;
	[sflag:s15] =	ssyncset.done $0x0  }
0x156: {  	s2 =	simm.s32 $0x18C0;
	s18 =	simm.s32 $0x1;
	[sflag:s15] =	ssyncadd.s32 $0xFFFFE000  }
0x157: {  	[tilespmem:s17], [sflag:$0x4] =	stream.indirect.gather [hbm4b:s1+s30], $0x80, s2, s30, $0xb8;
	[tilespmem:$0x19C00] =	vst v63  }
0x158: {  	_ =	swait.ge [sflag:s18], $0x2000  }
0x159: {  	[sflag:s18] =	ssyncset.done $0x0  }
0x15a: {  	s29 =	simm.s32 $0x2;
	s26 =	rddreg [dreg:$0x1d];
	[sflag:s18] =	ssyncadd.s32 $0xFFFFE000  }
0x15b: {  	[hbm4b:s26+s4] =	stream.linear.scatter [tilespmem:s12], [sflag:$0xD], $0x2000, $0x38;
	[tilespmem:$0x19C00] =	vst v63  }
0x15c: {  	_ =	swait.ge [sflag:s29], $0x2000  }
0x15d: {  	[sflag:s29] =	ssyncset.done $0x0  }
0x15e: {  	s0 =	simm.s32 $0x3;
	s31 =	rddreg [dreg:$0x1e];
	[sflag:s29] =	ssyncadd.s32 $0xFFFFE000  }
0x15f: {  	[hbm4b:s31+s4] =	stream.linear.scatter [tilespmem:s13], [sflag:$0xE], $0x2000, $0x38;
	[tilespmem:$0x19C00] =	vst v63  }
0x160: {  	_ =	swait.ge [sflag:s0], $0x2000  }
0x161: {  	[sflag:s0] =	ssyncset.done $0x0  }
0x162: {  	s12 =	simm.s32 $0x4;
	s2 =	rddreg [dreg:$0x1f];
	[sflag:s0] =	ssyncadd.s32 $0xFFFFE000  }
0x163: {  	[hbm4b:s2+s4] =	stream.linear.scatter [tilespmem:s5], [sflag:$0xF], $0x2000, $0x38;
	[tilespmem:$0x19C00] =	vst v63  }
0x164: {  	_ =	swait.ge [sflag:s12], $0x2000  }
0x165: {  	s13 =	sld [smem:$0x7FB]  }
0x166: {  	[sflag:s12] =	ssyncset.done $0x0  }
0x167: {  	[sflag:s12] =	ssyncadd.s32 $0xFFFFE000  }
0x168: {  	[hbm4b:s13+s4] =	stream.linear.scatter [tilespmem:s17], [sflag:$0x10], $0x2000, $0x38;
	[tilespmem:$0x19C00] =	vst v63  }
0x169: {  	_ =	swait.ge [sflag:s3], $0x2000  }
0x16a: {  	[sflag:s3] =	ssyncset.done $0x0  }
0x16b: {  	[sflag:s3] =	ssyncadd.s32 $0xFFFFE000  }
0x16c: {  	_ =	swait.ge [sflag:s6], $0x2000  }
0x16d: {  	[sflag:s6] =	ssyncset.done $0x0  }
0x16e: {  	[sflag:s6] =	ssyncadd.s32 $0xFFFFE000  }
0x16f: {  	_ =	swait.ge [sflag:s7], $0x2000  }
0x170: {  	[sflag:s7] =	ssyncset.done $0x0  }
0x171: {  	[sflag:s7] =	ssyncadd.s32 $0xFFFFE000  }
0x172: {  	_ =	swait.ge [sflag:s15], $0x2000  }
0x173: {  	[sflag:s15] =	ssyncset.done $0x0  }
0x174: {  	s17 =	simm.s32 $0x11;
	[sflag:s15] =	ssyncadd.s32 $0xFFFFE000  }
0x175: {  	_ =	swait.ge [sflag:s17], $0x2000  }
0x176: {  	[sflag:s17] =	ssyncset.done $0x0  }
0x177: {  	s0 =	simm.s32 $0x12;
	[sflag:s17] =	ssyncadd.s32 $0xFFFFE000  }
0x178: {  	_ =	swait.ge [sflag:s0], $0x2000  }
0x179: {  	[sflag:s0] =	ssyncset.done $0x0  }
0x17a: {  	s18 =	simm.s32 $0x13;
	[sflag:s0] =	ssyncadd.s32 $0xFFFFE000  }
0x17b: {  	_ =	swait.ge [sflag:s18], $0x2000  }
0x17c: {  	[sflag:s18] =	ssyncset.done $0x0  }
0x17d: {  	s26 =	simm.s32 $0x14;
	[sflag:s18] =	ssyncadd.s32 $0xFFFFE000  }
0x17e: {  	_ =	swait.ge [sflag:s26], $0x2000  }
0x17f: {  	[sflag:s26] =	ssyncset.done $0x0  }
0x180: {  	[sflag:s26] =	ssyncadd.s32 $0xFFFFE000  }
0x181: {  	_ =	swait.ge [sflag:s28], $0x2000  }
0x182: {  	[sflag:s28] =	ssyncset.done $0x0  }
0x183: {  	[sflag:s28] =	ssyncadd.s32 $0xFFFFE000  }
0x184: {  	_ =	swait.ge [sflag:s8], $0x2000  }
0x185: {  	[sflag:s8] =	ssyncset.done $0x0  }
0x186: {  	[sflag:s8] =	ssyncadd.s32 $0xFFFFE000  }
0x187: {  	_ =	swait.ge [sflag:s9], $0x2000  }
0x188: {  	[sflag:s9] =	ssyncset.done $0x0  }
0x189: {  	[sflag:s9] =	ssyncadd.s32 $0xFFFFE000  }
0x18a: {  	_ =	swait.ge [sflag:s10], $0x2000  }
0x18b: {  	s29 =	sld [smem:$0x7FA]  }
0x18c: {  	s31 =	sld [smem:$0x7FC];
	_ =	sdelay $0x1  }
0x18d: {  	s3 =	sadd.s32 $0x1, s29  }
0x18e: {  	p0 =	sne.s32 s3, s31  }
.Ltmp1:
0x18f: {  	_ = 	snop;
	(pc) =	sbr.rel @p0 .LBB2_1-.Ltmp1, $3  }
0x190: {  	_ =	sdelay $0x1  }
0x191: {  	[sflag:s10] =	ssyncset.done $0x0  }
0x192: {  	[sflag:s10] =	ssyncadd.s32 $0xFFFFE000  }
0x193: {  	_ =	sfence.sel $0x180000  }
0x194: {  	[bflag:$0x0] =	sbarrier.arrive $0xFFFF  }
0x195: {  	_ =	strace $0x90000047  }
0x196: {  	s0 =	stileid.u32;
	[bflag:$0x2] =	sbarrier.arrive $0xFFFF  }
0x197: {  	p0 =	sne.s32 s0, $0x0;
	s0 =	rddreg [dreg:$0x3]  }
0x198: {  	s0 =	sadd.s32 @!p0 $0x100000, s0  }
0x199: {  	[sflag:s0] =	ssyncadd.tile.s32 @!p0 $0x1;
	_ =	shalt  }
.Lfunc_end2:
_tile_overlayer_lowered:
.L_overlay_start_2:
0x19a: {  	(tag) =	ssettag $0x2  }
0x19b: {  	s0 =	rddreg [dreg:$0x0];
	s2 =	stileid.u32  }
0x19c: {  	s1 =	rddreg [dreg:$0x1];
	p0 =	sne.s32 s2, $0x0  }
0x19d: {  	s3 =	rddreg [dreg:$0x2];
	[bflag:$0x3] =	sbarrier.arrive $0xFFFF;
	s2 =	simm.s32 @!p0 $0x1C1A  }
0x19e: {  	[timem:s3], [sflag:s2] =	dma.local @!p0 [hbm:s0], s1  }
0x19f: {  	s0 =	simm.s32 @!p0 $0x1A  }
0x1a0: {  	_ =	swait.ge @!p0 [sflag:s0], s1  }
0x1a1: {  	s1 =	ssub.s32 @!p0 $0x0, s1;
	[sflag:s0] =	ssyncset.done @!p0 $0x0  }
0x1a2: {  	[sflag:s0] =	ssyncadd.s32 @!p0 s1  }
0x1a3: {  	[bflag:$0x3] =	sbarrier.arrive $0xFFFF  }
0x1a4: {  	_ =	shalt  }

</sc_bundles>
